<compile_context>
chip_gen: v7x
topology: tpu7x:2x2x1
jax: 0.10.2.dev20260603
libtpu: 0.0.44.dev20260713+nightly
codegen_flags: <defaults>
</compile_context>

<pallas_src>
import jax
import jax.numpy as jnp
from jax import lax
from jax.experimental import pallas as pl
from jax.experimental.pallas import tpu as pltpu
from jax.experimental.pallas import tpu_sc as plsc

N = 10000
NPAD = 10240
E = 160000
EPAD = 163840
NC, NS = 2, 16
NW = NC * NS
RPT = NPAD // NS
DEGW = 128

CHD = 128
NCHD = EPAD // CHD // NW

CH = 128
NCHW = EPAD // CH // NW
NBUF = 2
NGRP = NCHW // NBUF

_mesh = plsc.VectorSubcoreMesh(core_axis_name="c", subcore_axis_name="s")


def _deg_body(dst_hbm, ones_hbm, zeros_hbm, out_hbm, didx, ones_v, acc, sem):
    c = lax.axis_index("c")
    s = lax.axis_index("s")
    g = c * NS + s
    pltpu.sync_copy(zeros_hbm.at[pl.ds(s * RPT, RPT)], acc.at[pl.ds(s * RPT, RPT)])
    pltpu.sync_copy(ones_hbm, ones_v)
    pltpu.sync_copy(dst_hbm.at[pl.ds(g * NCHD, NCHD)], didx)
    plsc.subcore_barrier()

    def body(j, carry):
        pltpu.async_copy(ones_v, acc.at[didx.at[j]], sem, add=True)
        return carry

    lax.fori_loop(0, NCHD, body, 0)

    def drain(j, carry):
        pltpu.make_async_copy(ones_v, acc.at[didx.at[j]], sem).wait()
        return carry

    lax.fori_loop(0, NCHD, drain, 0)
    plsc.subcore_barrier()
    pltpu.sync_copy(acc.at[pl.ds(s * RPT, RPT)], out_hbm.at[c, pl.ds(s * RPT, RPT)])


def _make_deg(interpret=False, width=DEGW):
    return pl.kernel(
        _deg_body,
        out_type=jax.ShapeDtypeStruct((NC, NPAD, width), jnp.float32),
        mesh=_mesh,
        scratch_types=[
            pltpu.VMEM((NCHD, CHD), jnp.int32),
            pltpu.VMEM((CHD, width), jnp.float32),
            pltpu.VMEM_SHARED((NPAD, width), jnp.float32),
            pltpu.SemaphoreType.DMA,
        ],
        interpret=interpret,
    )


_deg_kernel = _make_deg()


def _agg_body(src_hbm, dst_hbm, table_hbm, zeros_hbm, out_hbm,
              sidx, didx, bufs, acc, *sems):
    gsems, ssems = sems[:NBUF], sems[NBUF:]
    c = lax.axis_index("c")
    s = lax.axis_index("s")
    base = (c * NS + s) * NCHW
    pltpu.sync_copy(zeros_hbm.at[pl.ds(s * RPT, RPT)], acc.at[pl.ds(s * RPT, RPT)])
    pltpu.sync_copy(src_hbm.at[pl.ds(base, NCHW)], sidx)
    pltpu.sync_copy(dst_hbm.at[pl.ds(base, NCHW)], didx)
    plsc.subcore_barrier()

    for b in range(NBUF):
        pltpu.async_copy(table_hbm.at[sidx.at[b]], bufs.at[b], gsems[b])

    def group(gi, carry):
        descs = []
        for b in range(NBUF):
            j = gi * NBUF + b
            pltpu.make_async_copy(table_hbm.at[sidx.at[j]], bufs.at[b],
                                  gsems[b]).wait()
            descs.append(pltpu.async_copy(bufs.at[b], acc.at[didx.at[j]],
                                          ssems[b], add=True))
        for b in range(NBUF):
            jn = (gi + 1) * NBUF + b
            descs[b].wait()
            pltpu.async_copy(table_hbm.at[sidx.at[jn]], bufs.at[b], gsems[b])
        return carry

    lax.fori_loop(0, NGRP - 1, group, 0)
    for b in range(NBUF):
        j = (NGRP - 1) * NBUF + b
        pltpu.make_async_copy(table_hbm.at[sidx.at[j]], bufs.at[b],
                              gsems[b]).wait()
        pltpu.async_copy(bufs.at[b], acc.at[didx.at[j]], ssems[b],
                         add=True).wait()
    plsc.subcore_barrier()
    pltpu.sync_copy(acc.at[pl.ds(s * RPT, RPT)], out_hbm.at[c, pl.ds(s * RPT, RPT)])


def _make_agg(interpret=False):
    return pl.kernel(
        _agg_body,
        out_type=jax.ShapeDtypeStruct((NC, NPAD, 128), jnp.float32),
        mesh=_mesh,
        scratch_types=[
            pltpu.VMEM((NCHW, CH), jnp.int32),
            pltpu.VMEM((NCHW, CH), jnp.int32),
            pltpu.VMEM((NBUF, CH, 128), jnp.float32),
            pltpu.VMEM_SHARED((NPAD, 128), jnp.float32),
        ] + [pltpu.SemaphoreType.DMA] * (2 * NBUF),
        interpret=interpret,
    )


_agg_kernel = _make_agg()


BR = 512
GRID = NPAD // BR


def _dvec(deg16):
    deg = deg16[0, :, 0] + deg16[1, :, 0] + 1.0
    return lax.rsqrt(deg)[:, None]


def _scale_body(deg16_ref, x_ref, y0_ref, y1_ref):
    d = _dvec(deg16_ref[...])
    y = x_ref[...] * d
    y0_ref[...] = y[:, :128]
    y1_ref[...] = y[:, 128:]


_scale_kernel = pl.pallas_call(
    _scale_body,
    grid=(GRID,),
    in_specs=[
        pl.BlockSpec((NC, BR, DEGW), lambda i: (0, i, 0)),
        pl.BlockSpec((BR, 256), lambda i: (i, 0)),
    ],
    out_specs=[
        pl.BlockSpec((BR, 128), lambda i: (i, 0)),
        pl.BlockSpec((BR, 128), lambda i: (i, 0)),
    ],
    out_shape=[
        jax.ShapeDtypeStruct((NPAD, 128), jnp.float32),
        jax.ShapeDtypeStruct((NPAD, 128), jnp.float32),
    ],
)


def _layer_body(s10_ref, s11_ref, deg16_ref, x_ref, w1_ref, b1_ref, w2_ref,
                y2_ref, z2_ref):
    d = _dvec(deg16_ref[...])
    s1 = jnp.concatenate(
        [s10_ref[0] + s10_ref[1], s11_ref[0] + s11_ref[1]], axis=1)
    z1 = d * s1 + (d * d) * x_ref[...]
    h = jnp.maximum(
        jnp.dot(z1, w1_ref[...], preferred_element_type=jnp.float32)
        + b1_ref[...], 0.0)
    z2 = jnp.dot(h, w2_ref[...], preferred_element_type=jnp.float32)
    z2_ref[...] = z2
    y2_ref[...] = d * z2


_layer_kernel = pl.pallas_call(
    _layer_body,
    grid=(GRID,),
    in_specs=[
        pl.BlockSpec((NC, BR, 128), lambda i: (0, i, 0)),
        pl.BlockSpec((NC, BR, 128), lambda i: (0, i, 0)),
        pl.BlockSpec((NC, BR, DEGW), lambda i: (0, i, 0)),
        pl.BlockSpec((BR, 256), lambda i: (i, 0)),
        pl.BlockSpec((256, 512), lambda i: (0, 0)),
        pl.BlockSpec((1, 512), lambda i: (0, 0)),
        pl.BlockSpec((512, 128), lambda i: (0, 0)),
    ],
    out_specs=[
        pl.BlockSpec((BR, 128), lambda i: (i, 0)),
        pl.BlockSpec((BR, 128), lambda i: (i, 0)),
    ],
    out_shape=[
        jax.ShapeDtypeStruct((NPAD, 128), jnp.float32),
        jax.ShapeDtypeStruct((NPAD, 128), jnp.float32),
    ],
)


def _out_body(s2_ref, deg16_ref, z2_ref, b2_ref, out_ref):
    d = _dvec(deg16_ref[...])
    out_ref[...] = (d * (s2_ref[0] + s2_ref[1])
                    + (d * d) * z2_ref[...] + b2_ref[...])


_out_kernel = pl.pallas_call(
    _out_body,
    grid=(GRID,),
    in_specs=[
        pl.BlockSpec((NC, BR, 128), lambda i: (0, i, 0)),
        pl.BlockSpec((NC, BR, DEGW), lambda i: (0, i, 0)),
        pl.BlockSpec((BR, 128), lambda i: (i, 0)),
        pl.BlockSpec((1, 128), lambda i: (0, 0)),
    ],
    out_specs=pl.BlockSpec((BR, 128), lambda i: (i, 0)),
    out_shape=jax.ShapeDtypeStruct((NPAD, 128), jnp.float32),
)


def kernel(x, edge_index, W1, b1, W2, b2):
    src = edge_index[0].astype(jnp.int32)
    dst = edge_index[1].astype(jnp.int32)
    fill_src = jnp.arange(EPAD - E, dtype=jnp.int32) % N
    fill_dst = jnp.full((EPAD - E,), N, jnp.int32)
    src_p = jnp.concatenate([src, fill_src]).reshape(EPAD // CH, CH)
    dst_p = jnp.concatenate([dst, fill_dst]).reshape(EPAD // CH, CH)
    x_p = jnp.zeros((NPAD, 256), jnp.float32).at[:N].set(x)
    zeros128 = jnp.zeros((NPAD, 128), jnp.float32)
    onesw = jnp.ones((CHD, DEGW), jnp.float32)

    deg16 = _deg_kernel(dst_p.reshape(EPAD // CHD, CHD), onesw, zeros128)
    y0, y1 = _scale_kernel(deg16, x_p)
    s10 = _agg_kernel(src_p, dst_p, y0, zeros128)
    s11 = _agg_kernel(src_p, dst_p, y1, zeros128)
    y2, z2 = _layer_kernel(s10, s11, deg16, x_p, W1, b1.reshape(1, -1), W2)
    s2 = _agg_kernel(src_p, dst_p, y2, zeros128)
    out = _out_kernel(s2, deg16, z2, b2.reshape(1, -1))
    return out[:N]

# --- scband reference (transcript-rebuilt; emitter-appended) ---
"""Pipeline reference for scband-gcn-23227183137261 (READ-ONLY COPY).

The authoritative reference and input builder live on the scoring server;
editing this copy changes nothing except your own understanding.
"""

import jax, jax.numpy as jnp
import numpy as np

N_NODES = 10000
IN_FEATS = 256
HIDDEN = 512
NUM_CLASSES = 128
N_EDGES = 160000


def gcn_conv(x, edge_index, W, b):
    # PyG GCNConv (default): add self-loops, symmetric normalization,
    # linear transform, sum aggregation, bias.
    N = x.shape[0]
    x = x @ W
    src = edge_index[0]
    dst = edge_index[1]
    loop = jnp.arange(N, dtype=src.dtype)
    src = jnp.concatenate([src, loop])
    dst = jnp.concatenate([dst, loop])
    deg = jnp.zeros((N,), dtype=x.dtype).at[dst].add(1.0)
    deg_inv_sqrt = jnp.where(deg > 0, deg ** -0.5, 0.0)
    norm = deg_inv_sqrt[src] * deg_inv_sqrt[dst]
    msg = x[src] * norm[:, None]
    out = jnp.zeros((N, W.shape[1]), dtype=x.dtype).at[dst].add(msg)
    return out + b


def setup_inputs(seed: int = 0) -> dict:
    key = jax.random.key(seed)
    k1, k2, k3, k4, k5, k6 = jax.random.split(key, 6)
    x = jax.random.normal(k1, (N_NODES, IN_FEATS), dtype=jnp.float32)
    edge_index = jax.random.randint(k2, (2, N_EDGES), 0, N_NODES, dtype=jnp.int64)
    # Glorot init as in PyG GCNConv
    s1 = (6.0 / (IN_FEATS + HIDDEN)) ** 0.5
    W1 = jax.random.uniform(k3, (IN_FEATS, HIDDEN), dtype=jnp.float32, minval=-s1, maxval=s1)
    b1 = jnp.zeros((HIDDEN,), dtype=jnp.float32)
    s2 = (6.0 / (HIDDEN + NUM_CLASSES)) ** 0.5
    W2 = jax.random.uniform(k4, (HIDDEN, NUM_CLASSES), dtype=jnp.float32, minval=-s2, maxval=s2)
    b2 = jnp.zeros((NUM_CLASSES,), dtype=jnp.float32)
    return {"x": x, "edge_index": edge_index, "W1": W1, "b1": b1, "W2": W2, "b2": b2}


def reference(x, edge_index, W1, b1, W2, b2):
    h = gcn_conv(x, edge_index, W1, b1)
    h = jax.nn.relu(h)
    # F.dropout with training=False (eval mode) is identity
    out = gcn_conv(h, edge_index, W2, b2)
    return out

if __name__ == "__main__":
    import jax
    _d = setup_inputs()
    print(jax.jit(kernel)(*tuple(_d.values())))

</pallas_src>

<mosaic_0001>
#map = affine_map<(d0, d1) -> (0, 0)>
#map1 = affine_map<(d0, d1) -> (0, 0, 0)>
module attributes {stable_mosaic.version = 14 : i64} {
  func.func @_agg_body(%arg0: i32, %arg1: i32, %arg2: memref<1280x128xi32, #tpu.memory_space<hbm>>, %arg3: memref<1280x128xi32, #tpu.memory_space<hbm>>, %arg4: memref<10240x128xf32, #tpu.memory_space<hbm>>, %arg5: memref<10240x128xf32, #tpu.memory_space<hbm>>, %arg6: memref<2x10240x128xf32, #tpu.memory_space<hbm>>, %arg7: memref<40x128xi32, #tpu.memory_space<vmem>>, %arg8: memref<40x128xi32, #tpu.memory_space<vmem>>, %arg9: memref<2x128x128xf32, #tpu.memory_space<vmem>>, %arg10: memref<10240x128xf32, #tpu.memory_space<vmem_shared>>, %arg11: memref<!tpu.dma_semaphore, #tpu.memory_space<semaphore_mem>>, %arg12: memref<!tpu.dma_semaphore, #tpu.memory_space<semaphore_mem>>, %arg13: memref<!tpu.dma_semaphore, #tpu.memory_space<semaphore_mem>>, %arg14: memref<!tpu.dma_semaphore, #tpu.memory_space<semaphore_mem>>) attributes {dimension_semantics = [#tpu.dimension_semantics<core_parallel>, #tpu.dimension_semantics<subcore_parallel>], iteration_bounds = array<i64: 2, 16>, scalar_prefetch = 0 : i64, scratch_operands = 8 : i64, tpu.core_type = #tpu.core_type<sc_vector_subcore>, window_params = [{transform_indices = #map}, {transform_indices = #map}, {transform_indices = #map}, {transform_indices = #map}, {transform_indices = #map1}]} {
    %mul3A = arith.constant 16 : i32
    %mul3A_0 = arith.muli %arg0, %mul3A : i32
    %add3A = arith.addi %mul3A_0, %arg1 : i32
    %mul3A_1 = arith.constant 40 : i32
    %mul3A_2 = arith.muli %add3A, %mul3A_1 : i32
    %mul3A_3 = arith.constant 640 : i32
    %mul3A_4 = arith.muli %arg1, %mul3A_3 : i32
    %mul3A_5 = arith.constant 640 : i32
    %mul3A_6 = arith.muli %arg1, %mul3A_5 : i32
    "tpu.region"() ({
      %run_scoped3A = tpu.sem_alloc : memref<!tpu.dma_semaphore, #tpu.memory_space<semaphore_mem>>
      %dma_start3A_111 = arith.constant 0 : i32
      %dma_start3A_112 = tpu.memref_slice %arg10[%mul3A_6, %dma_start3A_111] : memref<10240x128xf32, #tpu.memory_space<vmem_shared>> -> memref<640x128xf32, #tpu.memory_space<vmem_shared>>
      %dma_start3A_113 = arith.constant 0 : i32
      %dma_start3A_114 = tpu.memref_slice %arg5[%mul3A_4, %dma_start3A_113] : memref<10240x128xf32, #tpu.memory_space<hbm>> -> memref<640x128xf32, #tpu.memory_space<hbm>>
      tpu.enqueue_dma source(%dma_start3A_114 : memref<640x128xf32, #tpu.memory_space<hbm>>) target(%dma_start3A_112 : memref<640x128xf32, #tpu.memory_space<vmem_shared>>) target_semaphore(%run_scoped3A : memref<!tpu.dma_semaphore, #tpu.memory_space<semaphore_mem>>)
      %dma_wait3A_115 = arith.constant 0 : i32
      %dma_wait3A_116 = tpu.memref_slice %arg10[%mul3A_6, %dma_wait3A_115] : memref<10240x128xf32, #tpu.memory_space<vmem_shared>> -> memref<640x128xf32, #tpu.memory_space<vmem_shared>>
      %dma_wait3A_117 = arith.constant 0 : i32
      %dma_wait3A_118 = tpu.memref_slice %arg5[%mul3A_4, %dma_wait3A_117] : memref<10240x128xf32, #tpu.memory_space<hbm>> -> memref<640x128xf32, #tpu.memory_space<hbm>>
      tpu.wait_dma2 semaphore(%run_scoped3A : memref<!tpu.dma_semaphore, #tpu.memory_space<semaphore_mem>>) src(%dma_wait3A_118 : memref<640x128xf32, #tpu.memory_space<hbm>>) dst(%dma_wait3A_116 : memref<640x128xf32, #tpu.memory_space<vmem_shared>>)
      tpu.yield
    }) : () -> ()
    "tpu.region"() ({
      %run_scoped3A = tpu.sem_alloc : memref<!tpu.dma_semaphore, #tpu.memory_space<semaphore_mem>>
      %dma_start3A_111 = arith.constant 0 : i32
      %dma_start3A_112 = tpu.memref_slice %arg2[%mul3A_2, %dma_start3A_111] : memref<1280x128xi32, #tpu.memory_space<hbm>> -> memref<40x128xi32, #tpu.memory_space<hbm>>
      %dma_start3A_113 = arith.constant 0 : i32
      %dma_start3A_114 = tpu.memref_slice %arg2[%mul3A_2, %dma_start3A_113] : memref<1280x128xi32, #tpu.memory_space<hbm>> -> memref<40x128xi32, #tpu.memory_space<hbm>>
      tpu.enqueue_dma source(%dma_start3A_114 : memref<40x128xi32, #tpu.memory_space<hbm>>) target(%arg7 : memref<40x128xi32, #tpu.memory_space<vmem>>) target_semaphore(%run_scoped3A : memref<!tpu.dma_semaphore, #tpu.memory_space<semaphore_mem>>)
      %dma_wait3A_115 = arith.constant 0 : i32
      %dma_wait3A_116 = tpu.memref_slice %arg2[%mul3A_2, %dma_wait3A_115] : memref<1280x128xi32, #tpu.memory_space<hbm>> -> memref<40x128xi32, #tpu.memory_space<hbm>>
      %dma_wait3A_117 = arith.constant 0 : i32
      %dma_wait3A_118 = tpu.memref_slice %arg2[%mul3A_2, %dma_wait3A_117] : memref<1280x128xi32, #tpu.memory_space<hbm>> -> memref<40x128xi32, #tpu.memory_space<hbm>>
      tpu.wait_dma2 semaphore(%run_scoped3A : memref<!tpu.dma_semaphore, #tpu.memory_space<semaphore_mem>>) src(%dma_wait3A_118 : memref<40x128xi32, #tpu.memory_space<hbm>>) dst(%arg7 : memref<40x128xi32, #tpu.memory_space<vmem>>)
      tpu.yield
    }) : () -> ()
    "tpu.region"() ({
      %run_scoped3A = tpu.sem_alloc : memref<!tpu.dma_semaphore, #tpu.memory_space<semaphore_mem>>
      %dma_start3A_111 = arith.constant 0 : i32
      %dma_start3A_112 = tpu.memref_slice %arg3[%mul3A_2, %dma_start3A_111] : memref<1280x128xi32, #tpu.memory_space<hbm>> -> memref<40x128xi32, #tpu.memory_space<hbm>>
      %dma_start3A_113 = arith.constant 0 : i32
      %dma_start3A_114 = tpu.memref_slice %arg3[%mul3A_2, %dma_start3A_113] : memref<1280x128xi32, #tpu.memory_space<hbm>> -> memref<40x128xi32, #tpu.memory_space<hbm>>
      tpu.enqueue_dma source(%dma_start3A_114 : memref<40x128xi32, #tpu.memory_space<hbm>>) target(%arg8 : memref<40x128xi32, #tpu.memory_space<vmem>>) target_semaphore(%run_scoped3A : memref<!tpu.dma_semaphore, #tpu.memory_space<semaphore_mem>>)
      %dma_wait3A_115 = arith.constant 0 : i32
      %dma_wait3A_116 = tpu.memref_slice %arg3[%mul3A_2, %dma_wait3A_115] : memref<1280x128xi32, #tpu.memory_space<hbm>> -> memref<40x128xi32, #tpu.memory_space<hbm>>
      %dma_wait3A_117 = arith.constant 0 : i32
      %dma_wait3A_118 = tpu.memref_slice %arg3[%mul3A_2, %dma_wait3A_117] : memref<1280x128xi32, #tpu.memory_space<hbm>> -> memref<40x128xi32, #tpu.memory_space<hbm>>
      tpu.wait_dma2 semaphore(%run_scoped3A : memref<!tpu.dma_semaphore, #tpu.memory_space<semaphore_mem>>) src(%dma_wait3A_118 : memref<40x128xi32, #tpu.memory_space<hbm>>) dst(%arg8 : memref<40x128xi32, #tpu.memory_space<vmem>>)
      tpu.yield
    }) : () -> ()
    %barrier3A = arith.constant 0 : index
    tpu.barrier barrier_id(%barrier3A)
    %dma_start3A = arith.constant 0 : i32
    %dma_start3A_7 = arith.constant 0 : i32
    %dma_start3A_8 = arith.constant 0 : i32
    %dma_start3A_9 = arith.constant 0 : i32
    %dma_start3A_10 = tpu.memref_slice %arg9[%dma_start3A_7, %dma_start3A_8, %dma_start3A_9] : memref<2x128x128xf32, #tpu.memory_space<vmem>> -> memref<1x128x128xf32, #tpu.memory_space<vmem>>
    %dma_start3A_11 = tpu.memref_squeeze %dma_start3A_10 : memref<1x128x128xf32, #tpu.memory_space<vmem>> -> memref<128x128xf32, #tpu.memory_space<vmem>>
    %dma_start3A_12 = arith.constant 0 : i32
    %dma_start3A_13 = tpu.memref_slice %arg7[%dma_start3A, %dma_start3A_12] : memref<40x128xi32, #tpu.memory_space<vmem>> -> memref<1x128xi32, #tpu.memory_space<vmem>>
    %dma_start3A_14 = tpu.memref_squeeze %dma_start3A_13 : memref<1x128xi32, #tpu.memory_space<vmem>> -> memref<128xi32, #tpu.memory_space<vmem>>
    %dma_start3A_15 = arith.constant 0 : i32
    %dma_start3A_16 = arith.constant 0 : i32
    %dma_start3A_17 = tpu.memref_slice %arg4[%dma_start3A_15, %dma_start3A_16] : memref<10240x128xf32, #tpu.memory_space<hbm>> -> memref<10240x128xf32, #tpu.memory_space<hbm>>
    tpu.enqueue_indirect_dma source(%dma_start3A_17 : memref<10240x128xf32, #tpu.memory_space<hbm>>) target(%dma_start3A_11 : memref<128x128xf32, #tpu.memory_space<vmem>>) offsets(%dma_start3A_14 : memref<128xi32, #tpu.memory_space<vmem>>) semaphore(%arg11 : memref<!tpu.dma_semaphore, #tpu.memory_space<semaphore_mem>>)
    %dma_start3A_18 = arith.constant 1 : i32
    %dma_start3A_19 = arith.constant 1 : i32
    %dma_start3A_20 = arith.constant 0 : i32
    %dma_start3A_21 = arith.constant 0 : i32
    %dma_start3A_22 = tpu.memref_slice %arg9[%dma_start3A_19, %dma_start3A_20, %dma_start3A_21] : memref<2x128x128xf32, #tpu.memory_space<vmem>> -> memref<1x128x128xf32, #tpu.memory_space<vmem>>
    %dma_start3A_23 = tpu.memref_squeeze %dma_start3A_22 : memref<1x128x128xf32, #tpu.memory_space<vmem>> -> memref<128x128xf32, #tpu.memory_space<vmem>>
    %dma_start3A_24 = arith.constant 0 : i32
    %dma_start3A_25 = tpu.memref_slice %arg7[%dma_start3A_18, %dma_start3A_24] : memref<40x128xi32, #tpu.memory_space<vmem>> -> memref<1x128xi32, #tpu.memory_space<vmem>>
    %dma_start3A_26 = tpu.memref_squeeze %dma_start3A_25 : memref<1x128xi32, #tpu.memory_space<vmem>> -> memref<128xi32, #tpu.memory_space<vmem>>
    %dma_start3A_27 = arith.constant 0 : i32
    %dma_start3A_28 = arith.constant 0 : i32
    %dma_start3A_29 = tpu.memref_slice %arg4[%dma_start3A_27, %dma_start3A_28] : memref<10240x128xf32, #tpu.memory_space<hbm>> -> memref<10240x128xf32, #tpu.memory_space<hbm>>
    tpu.enqueue_indirect_dma source(%dma_start3A_29 : memref<10240x128xf32, #tpu.memory_space<hbm>>) target(%dma_start3A_23 : memref<128x128xf32, #tpu.memory_space<vmem>>) offsets(%dma_start3A_26 : memref<128xi32, #tpu.memory_space<vmem>>) semaphore(%arg12 : memref<!tpu.dma_semaphore, #tpu.memory_space<semaphore_mem>>)
    %scan3A = arith.constant 0 : i32
    %scan3A_30 = arith.constant 0 : i32
    %scan3A_31 = arith.constant 19 : i32
    %scan3A_32 = arith.addi %scan3A_30, %scan3A_31 : i32
    %scan3A_33 = arith.constant 1 : i32
    scf.for %scan3A_111 = %scan3A_30 to %scan3A_32 step %scan3A_33  : i32 {
      %mul3A_112 = arith.constant 2 : i32
      %mul3A_113 = arith.muli %scan3A_111, %mul3A_112 : i32
      %add3A_114 = arith.constant 0 : i32
      %add3A_115 = arith.addi %mul3A_113, %add3A_114 : i32
      %dma_wait3A_116 = arith.constant 0 : i32
      %dma_wait3A_117 = arith.constant 0 : i32
      %dma_wait3A_118 = arith.constant 0 : i32
      %dma_wait3A_119 = tpu.memref_slice %arg9[%dma_wait3A_116, %dma_wait3A_117, %dma_wait3A_118] : memref<2x128x128xf32, #tpu.memory_space<vmem>> -> memref<1x128x128xf32, #tpu.memory_space<vmem>>
      %dma_wait3A_120 = tpu.memref_squeeze %dma_wait3A_119 : memref<1x128x128xf32, #tpu.memory_space<vmem>> -> memref<128x128xf32, #tpu.memory_space<vmem>>
      %dma_wait3A_121 = arith.constant 0 : i32
      %dma_wait3A_122 = tpu.memref_slice %arg7[%add3A_115, %dma_wait3A_121] : memref<40x128xi32, #tpu.memory_space<vmem>> -> memref<1x128xi32, #tpu.memory_space<vmem>>
      %dma_wait3A_123 = tpu.memref_squeeze %dma_wait3A_122 : memref<1x128xi32, #tpu.memory_space<vmem>> -> memref<128xi32, #tpu.memory_space<vmem>>
      %dma_wait3A_124 = arith.constant 0 : i32
      %dma_wait3A_125 = arith.constant 0 : i32
      %dma_wait3A_126 = tpu.memref_slice %arg4[%dma_wait3A_124, %dma_wait3A_125] : memref<10240x128xf32, #tpu.memory_space<hbm>> -> memref<10240x128xf32, #tpu.memory_space<hbm>>
      tpu.wait_indirect_dma semaphore(%arg11 : memref<!tpu.dma_semaphore, #tpu.memory_space<semaphore_mem>>) src(%dma_wait3A_126 : memref<10240x128xf32, #tpu.memory_space<hbm>>) dst(%dma_wait3A_120 : memref<128x128xf32, #tpu.memory_space<vmem>>)
      %dma_start3A_127 = arith.constant 0 : i32
      %dma_start3A_128 = arith.constant 0 : i32
      %dma_start3A_129 = arith.constant 0 : i32
      %dma_start3A_130 = tpu.memref_slice %arg9[%dma_start3A_127, %dma_start3A_128, %dma_start3A_129] : memref<2x128x128xf32, #tpu.memory_space<vmem>> -> memref<1x128x128xf32, #tpu.memory_space<vmem>>
      %dma_start3A_131 = tpu.memref_squeeze %dma_start3A_130 : memref<1x128x128xf32, #tpu.memory_space<vmem>> -> memref<128x128xf32, #tpu.memory_space<vmem>>
      %dma_start3A_132 = arith.constant 0 : i32
      %dma_start3A_133 = tpu.memref_slice %arg8[%add3A_115, %dma_start3A_132] : memref<40x128xi32, #tpu.memory_space<vmem>> -> memref<1x128xi32, #tpu.memory_space<vmem>>
      %dma_start3A_134 = tpu.memref_squeeze %dma_start3A_133 : memref<1x128xi32, #tpu.memory_space<vmem>> -> memref<128xi32, #tpu.memory_space<vmem>>
      %dma_start3A_135 = arith.constant 0 : i32
      %dma_start3A_136 = arith.constant 0 : i32
      %dma_start3A_137 = tpu.memref_slice %arg10[%dma_start3A_135, %dma_start3A_136] : memref<10240x128xf32, #tpu.memory_space<vmem_shared>> -> memref<10240x128xf32, #tpu.memory_space<vmem_shared>>
      tpu.enqueue_indirect_dma source(%dma_start3A_131 : memref<128x128xf32, #tpu.memory_space<vmem>>) target(%dma_start3A_137 : memref<10240x128xf32, #tpu.memory_space<vmem_shared>>) offsets(%dma_start3A_134 : memref<128xi32, #tpu.memory_space<vmem>>) semaphore(%arg13 : memref<!tpu.dma_semaphore, #tpu.memory_space<semaphore_mem>>) {add = true}
      %mul3A_138 = arith.constant 2 : i32
      %mul3A_139 = arith.muli %scan3A_111, %mul3A_138 : i32
      %add3A_140 = arith.constant 1 : i32
      %add3A_141 = arith.addi %mul3A_139, %add3A_140 : i32
      %dma_wait3A_142 = arith.constant 1 : i32
      %dma_wait3A_143 = arith.constant 0 : i32
      %dma_wait3A_144 = arith.constant 0 : i32
      %dma_wait3A_145 = tpu.memref_slice %arg9[%dma_wait3A_142, %dma_wait3A_143, %dma_wait3A_144] : memref<2x128x128xf32, #tpu.memory_space<vmem>> -> memref<1x128x128xf32, #tpu.memory_space<vmem>>
      %dma_wait3A_146 = tpu.memref_squeeze %dma_wait3A_145 : memref<1x128x128xf32, #tpu.memory_space<vmem>> -> memref<128x128xf32, #tpu.memory_space<vmem>>
      %dma_wait3A_147 = arith.constant 0 : i32
      %dma_wait3A_148 = tpu.memref_slice %arg7[%add3A_141, %dma_wait3A_147] : memref<40x128xi32, #tpu.memory_space<vmem>> -> memref<1x128xi32, #tpu.memory_space<vmem>>
      %dma_wait3A_149 = tpu.memref_squeeze %dma_wait3A_148 : memref<1x128xi32, #tpu.memory_space<vmem>> -> memref<128xi32, #tpu.memory_space<vmem>>
      %dma_wait3A_150 = arith.constant 0 : i32
      %dma_wait3A_151 = arith.constant 0 : i32
      %dma_wait3A_152 = tpu.memref_slice %arg4[%dma_wait3A_150, %dma_wait3A_151] : memref<10240x128xf32, #tpu.memory_space<hbm>> -> memref<10240x128xf32, #tpu.memory_space<hbm>>
      tpu.wait_indirect_dma semaphore(%arg12 : memref<!tpu.dma_semaphore, #tpu.memory_space<semaphore_mem>>) src(%dma_wait3A_152 : memref<10240x128xf32, #tpu.memory_space<hbm>>) dst(%dma_wait3A_146 : memref<128x128xf32, #tpu.memory_space<vmem>>)
      %dma_start3A_153 = arith.constant 1 : i32
      %dma_start3A_154 = arith.constant 0 : i32
      %dma_start3A_155 = arith.constant 0 : i32
      %dma_start3A_156 = tpu.memref_slice %arg9[%dma_start3A_153, %dma_start3A_154, %dma_start3A_155] : memref<2x128x128xf32, #tpu.memory_space<vmem>> -> memref<1x128x128xf32, #tpu.memory_space<vmem>>
      %dma_start3A_157 = tpu.memref_squeeze %dma_start3A_156 : memref<1x128x128xf32, #tpu.memory_space<vmem>> -> memref<128x128xf32, #tpu.memory_space<vmem>>
      %dma_start3A_158 = arith.constant 0 : i32
      %dma_start3A_159 = tpu.memref_slice %arg8[%add3A_141, %dma_start3A_158] : memref<40x128xi32, #tpu.memory_space<vmem>> -> memref<1x128xi32, #tpu.memory_space<vmem>>
      %dma_start3A_160 = tpu.memref_squeeze %dma_start3A_159 : memref<1x128xi32, #tpu.memory_space<vmem>> -> memref<128xi32, #tpu.memory_space<vmem>>
      %dma_start3A_161 = arith.constant 0 : i32
      %dma_start3A_162 = arith.constant 0 : i32
      %dma_start3A_163 = tpu.memref_slice %arg10[%dma_start3A_161, %dma_start3A_162] : memref<10240x128xf32, #tpu.memory_space<vmem_shared>> -> memref<10240x128xf32, #tpu.memory_space<vmem_shared>>
      tpu.enqueue_indirect_dma source(%dma_start3A_157 : memref<128x128xf32, #tpu.memory_space<vmem>>) target(%dma_start3A_163 : memref<10240x128xf32, #tpu.memory_space<vmem_shared>>) offsets(%dma_start3A_160 : memref<128xi32, #tpu.memory_space<vmem>>) semaphore(%arg14 : memref<!tpu.dma_semaphore, #tpu.memory_space<semaphore_mem>>) {add = true}
      %add3A_164 = arith.constant 1 : i32
      %add3A_165 = arith.addi %scan3A_111, %add3A_164 : i32
      %mul3A_166 = arith.constant 2 : i32
      %mul3A_167 = arith.muli %add3A_165, %mul3A_166 : i32
      %add3A_168 = arith.constant 0 : i32
      %add3A_169 = arith.addi %mul3A_167, %add3A_168 : i32
      %dma_wait3A_170 = arith.constant 0 : i32
      %dma_wait3A_171 = arith.constant 0 : i32
      %dma_wait3A_172 = arith.constant 0 : i32
      %dma_wait3A_173 = tpu.memref_slice %arg9[%dma_wait3A_170, %dma_wait3A_171, %dma_wait3A_172] : memref<2x128x128xf32, #tpu.memory_space<vmem>> -> memref<1x128x128xf32, #tpu.memory_space<vmem>>
      %dma_wait3A_174 = tpu.memref_squeeze %dma_wait3A_173 : memref<1x128x128xf32, #tpu.memory_space<vmem>> -> memref<128x128xf32, #tpu.memory_space<vmem>>
      %dma_wait3A_175 = arith.constant 0 : i32
      %dma_wait3A_176 = tpu.memref_slice %arg8[%add3A_115, %dma_wait3A_175] : memref<40x128xi32, #tpu.memory_space<vmem>> -> memref<1x128xi32, #tpu.memory_space<vmem>>
      %dma_wait3A_177 = tpu.memref_squeeze %dma_wait3A_176 : memref<1x128xi32, #tpu.memory_space<vmem>> -> memref<128xi32, #tpu.memory_space<vmem>>
      %dma_wait3A_178 = arith.constant 0 : i32
      %dma_wait3A_179 = arith.constant 0 : i32
      %dma_wait3A_180 = tpu.memref_slice %arg10[%dma_wait3A_178, %dma_wait3A_179] : memref<10240x128xf32, #tpu.memory_space<vmem_shared>> -> memref<10240x128xf32, #tpu.memory_space<vmem_shared>>
      tpu.wait_indirect_dma semaphore(%arg13 : memref<!tpu.dma_semaphore, #tpu.memory_space<semaphore_mem>>) src(%dma_wait3A_174 : memref<128x128xf32, #tpu.memory_space<vmem>>) dst(%dma_wait3A_180 : memref<10240x128xf32, #tpu.memory_space<vmem_shared>>)
      %dma_start3A_181 = arith.constant 0 : i32
      %dma_start3A_182 = arith.constant 0 : i32
      %dma_start3A_183 = arith.constant 0 : i32
      %dma_start3A_184 = tpu.memref_slice %arg9[%dma_start3A_181, %dma_start3A_182, %dma_start3A_183] : memref<2x128x128xf32, #tpu.memory_space<vmem>> -> memref<1x128x128xf32, #tpu.memory_space<vmem>>
      %dma_start3A_185 = tpu.memref_squeeze %dma_start3A_184 : memref<1x128x128xf32, #tpu.memory_space<vmem>> -> memref<128x128xf32, #tpu.memory_space<vmem>>
      %dma_start3A_186 = arith.constant 0 : i32
      %dma_start3A_187 = tpu.memref_slice %arg7[%add3A_169, %dma_start3A_186] : memref<40x128xi32, #tpu.memory_space<vmem>> -> memref<1x128xi32, #tpu.memory_space<vmem>>
      %dma_start3A_188 = tpu.memref_squeeze %dma_start3A_187 : memref<1x128xi32, #tpu.memory_space<vmem>> -> memref<128xi32, #tpu.memory_space<vmem>>
      %dma_start3A_189 = arith.constant 0 : i32
      %dma_start3A_190 = arith.constant 0 : i32
      %dma_start3A_191 = tpu.memref_slice %arg4[%dma_start3A_189, %dma_start3A_190] : memref<10240x128xf32, #tpu.memory_space<hbm>> -> memref<10240x128xf32, #tpu.memory_space<hbm>>
      tpu.enqueue_indirect_dma source(%dma_start3A_191 : memref<10240x128xf32, #tpu.memory_space<hbm>>) target(%dma_start3A_185 : memref<128x128xf32, #tpu.memory_space<vmem>>) offsets(%dma_start3A_188 : memref<128xi32, #tpu.memory_space<vmem>>) semaphore(%arg11 : memref<!tpu.dma_semaphore, #tpu.memory_space<semaphore_mem>>)
      %add3A_192 = arith.constant 1 : i32
      %add3A_193 = arith.addi %scan3A_111, %add3A_192 : i32
      %mul3A_194 = arith.constant 2 : i32
      %mul3A_195 = arith.muli %add3A_193, %mul3A_194 : i32
      %add3A_196 = arith.constant 1 : i32
      %add3A_197 = arith.addi %mul3A_195, %add3A_196 : i32
      %dma_wait3A_198 = arith.constant 1 : i32
      %dma_wait3A_199 = arith.constant 0 : i32
      %dma_wait3A_200 = arith.constant 0 : i32
      %dma_wait3A_201 = tpu.memref_slice %arg9[%dma_wait3A_198, %dma_wait3A_199, %dma_wait3A_200] : memref<2x128x128xf32, #tpu.memory_space<vmem>> -> memref<1x128x128xf32, #tpu.memory_space<vmem>>
      %dma_wait3A_202 = tpu.memref_squeeze %dma_wait3A_201 : memref<1x128x128xf32, #tpu.memory_space<vmem>> -> memref<128x128xf32, #tpu.memory_space<vmem>>
      %dma_wait3A_203 = arith.constant 0 : i32
      %dma_wait3A_204 = tpu.memref_slice %arg8[%add3A_141, %dma_wait3A_203] : memref<40x128xi32, #tpu.memory_space<vmem>> -> memref<1x128xi32, #tpu.memory_space<vmem>>
      %dma_wait3A_205 = tpu.memref_squeeze %dma_wait3A_204 : memref<1x128xi32, #tpu.memory_space<vmem>> -> memref<128xi32, #tpu.memory_space<vmem>>
      %dma_wait3A_206 = arith.constant 0 : i32
      %dma_wait3A_207 = arith.constant 0 : i32
      %dma_wait3A_208 = tpu.memref_slice %arg10[%dma_wait3A_206, %dma_wait3A_207] : memref<10240x128xf32, #tpu.memory_space<vmem_shared>> -> memref<10240x128xf32, #tpu.memory_space<vmem_shared>>
      tpu.wait_indirect_dma semaphore(%arg14 : memref<!tpu.dma_semaphore, #tpu.memory_space<semaphore_mem>>) src(%dma_wait3A_202 : memref<128x128xf32, #tpu.memory_space<vmem>>) dst(%dma_wait3A_208 : memref<10240x128xf32, #tpu.memory_space<vmem_shared>>)
      %dma_start3A_209 = arith.constant 1 : i32
      %dma_start3A_210 = arith.constant 0 : i32
      %dma_start3A_211 = arith.constant 0 : i32
      %dma_start3A_212 = tpu.memref_slice %arg9[%dma_start3A_209, %dma_start3A_210, %dma_start3A_211] : memref<2x128x128xf32, #tpu.memory_space<vmem>> -> memref<1x128x128xf32, #tpu.memory_space<vmem>>
      %dma_start3A_213 = tpu.memref_squeeze %dma_start3A_212 : memref<1x128x128xf32, #tpu.memory_space<vmem>> -> memref<128x128xf32, #tpu.memory_space<vmem>>
      %dma_start3A_214 = arith.constant 0 : i32
      %dma_start3A_215 = tpu.memref_slice %arg7[%add3A_197, %dma_start3A_214] : memref<40x128xi32, #tpu.memory_space<vmem>> -> memref<1x128xi32, #tpu.memory_space<vmem>>
      %dma_start3A_216 = tpu.memref_squeeze %dma_start3A_215 : memref<1x128xi32, #tpu.memory_space<vmem>> -> memref<128xi32, #tpu.memory_space<vmem>>
      %dma_start3A_217 = arith.constant 0 : i32
      %dma_start3A_218 = arith.constant 0 : i32
      %dma_start3A_219 = tpu.memref_slice %arg4[%dma_start3A_217, %dma_start3A_218] : memref<10240x128xf32, #tpu.memory_space<hbm>> -> memref<10240x128xf32, #tpu.memory_space<hbm>>
      tpu.enqueue_indirect_dma source(%dma_start3A_219 : memref<10240x128xf32, #tpu.memory_space<hbm>>) target(%dma_start3A_213 : memref<128x128xf32, #tpu.memory_space<vmem>>) offsets(%dma_start3A_216 : memref<128xi32, #tpu.memory_space<vmem>>) semaphore(%arg12 : memref<!tpu.dma_semaphore, #tpu.memory_space<semaphore_mem>>)
    }
    %scan3A_34 = arith.constant 19 : i32
    %dma_wait3A = arith.constant 38 : i32
    %dma_wait3A_35 = arith.constant 0 : i32
    %dma_wait3A_36 = arith.constant 0 : i32
    %dma_wait3A_37 = arith.constant 0 : i32
    %dma_wait3A_38 = tpu.memref_slice %arg9[%dma_wait3A_35, %dma_wait3A_36, %dma_wait3A_37] : memref<2x128x128xf32, #tpu.memory_space<vmem>> -> memref<1x128x128xf32, #tpu.memory_space<vmem>>
    %dma_wait3A_39 = tpu.memref_squeeze %dma_wait3A_38 : memref<1x128x128xf32, #tpu.memory_space<vmem>> -> memref<128x128xf32, #tpu.memory_space<vmem>>
    %dma_wait3A_40 = arith.constant 0 : i32
    %dma_wait3A_41 = tpu.memref_slice %arg7[%dma_wait3A, %dma_wait3A_40] : memref<40x128xi32, #tpu.memory_space<vmem>> -> memref<1x128xi32, #tpu.memory_space<vmem>>
    %dma_wait3A_42 = tpu.memref_squeeze %dma_wait3A_41 : memref<1x128xi32, #tpu.memory_space<vmem>> -> memref<128xi32, #tpu.memory_space<vmem>>
    %dma_wait3A_43 = arith.constant 0 : i32
    %dma_wait3A_44 = arith.constant 0 : i32
    %dma_wait3A_45 = tpu.memref_slice %arg4[%dma_wait3A_43, %dma_wait3A_44] : memref<10240x128xf32, #tpu.memory_space<hbm>> -> memref<10240x128xf32, #tpu.memory_space<hbm>>
    tpu.wait_indirect_dma semaphore(%arg11 : memref<!tpu.dma_semaphore, #tpu.memory_space<semaphore_mem>>) src(%dma_wait3A_45 : memref<10240x128xf32, #tpu.memory_space<hbm>>) dst(%dma_wait3A_39 : memref<128x128xf32, #tpu.memory_space<vmem>>)
    %dma_start3A_46 = arith.constant 0 : i32
    %dma_start3A_47 = arith.constant 38 : i32
    %dma_start3A_48 = arith.constant 0 : i32
    %dma_start3A_49 = arith.constant 0 : i32
    %dma_start3A_50 = tpu.memref_slice %arg9[%dma_start3A_46, %dma_start3A_48, %dma_start3A_49] : memref<2x128x128xf32, #tpu.memory_space<vmem>> -> memref<1x128x128xf32, #tpu.memory_space<vmem>>
    %dma_start3A_51 = tpu.memref_squeeze %dma_start3A_50 : memref<1x128x128xf32, #tpu.memory_space<vmem>> -> memref<128x128xf32, #tpu.memory_space<vmem>>
    %dma_start3A_52 = arith.constant 0 : i32
    %dma_start3A_53 = tpu.memref_slice %arg8[%dma_start3A_47, %dma_start3A_52] : memref<40x128xi32, #tpu.memory_space<vmem>> -> memref<1x128xi32, #tpu.memory_space<vmem>>
    %dma_start3A_54 = tpu.memref_squeeze %dma_start3A_53 : memref<1x128xi32, #tpu.memory_space<vmem>> -> memref<128xi32, #tpu.memory_space<vmem>>
    %dma_start3A_55 = arith.constant 0 : i32
    %dma_start3A_56 = arith.constant 0 : i32
    %dma_start3A_57 = tpu.memref_slice %arg10[%dma_start3A_55, %dma_start3A_56] : memref<10240x128xf32, #tpu.memory_space<vmem_shared>> -> memref<10240x128xf32, #tpu.memory_space<vmem_shared>>
    tpu.enqueue_indirect_dma source(%dma_start3A_51 : memref<128x128xf32, #tpu.memory_space<vmem>>) target(%dma_start3A_57 : memref<10240x128xf32, #tpu.memory_space<vmem_shared>>) offsets(%dma_start3A_54 : memref<128xi32, #tpu.memory_space<vmem>>) semaphore(%arg13 : memref<!tpu.dma_semaphore, #tpu.memory_space<semaphore_mem>>) {add = true}
    %dma_wait3A_58 = arith.constant 0 : i32
    %dma_wait3A_59 = arith.constant 38 : i32
    %dma_wait3A_60 = arith.constant 0 : i32
    %dma_wait3A_61 = arith.constant 0 : i32
    %dma_wait3A_62 = tpu.memref_slice %arg9[%dma_wait3A_58, %dma_wait3A_60, %dma_wait3A_61] : memref<2x128x128xf32, #tpu.memory_space<vmem>> -> memref<1x128x128xf32, #tpu.memory_space<vmem>>
    %dma_wait3A_63 = tpu.memref_squeeze %dma_wait3A_62 : memref<1x128x128xf32, #tpu.memory_space<vmem>> -> memref<128x128xf32, #tpu.memory_space<vmem>>
    %dma_wait3A_64 = arith.constant 0 : i32
    %dma_wait3A_65 = tpu.memref_slice %arg8[%dma_wait3A_59, %dma_wait3A_64] : memref<40x128xi32, #tpu.memory_space<vmem>> -> memref<1x128xi32, #tpu.memory_space<vmem>>
    %dma_wait3A_66 = tpu.memref_squeeze %dma_wait3A_65 : memref<1x128xi32, #tpu.memory_space<vmem>> -> memref<128xi32, #tpu.memory_space<vmem>>
    %dma_wait3A_67 = arith.constant 0 : i32
    %dma_wait3A_68 = arith.constant 0 : i32
    %dma_wait3A_69 = tpu.memref_slice %arg10[%dma_wait3A_67, %dma_wait3A_68] : memref<10240x128xf32, #tpu.memory_space<vmem_shared>> -> memref<10240x128xf32, #tpu.memory_space<vmem_shared>>
    tpu.wait_indirect_dma semaphore(%arg13 : memref<!tpu.dma_semaphore, #tpu.memory_space<semaphore_mem>>) src(%dma_wait3A_63 : memref<128x128xf32, #tpu.memory_space<vmem>>) dst(%dma_wait3A_69 : memref<10240x128xf32, #tpu.memory_space<vmem_shared>>)
    %dma_wait3A_70 = arith.constant 39 : i32
    %dma_wait3A_71 = arith.constant 1 : i32
    %dma_wait3A_72 = arith.constant 0 : i32
    %dma_wait3A_73 = arith.constant 0 : i32
    %dma_wait3A_74 = tpu.memref_slice %arg9[%dma_wait3A_71, %dma_wait3A_72, %dma_wait3A_73] : memref<2x128x128xf32, #tpu.memory_space<vmem>> -> memref<1x128x128xf32, #tpu.memory_space<vmem>>
    %dma_wait3A_75 = tpu.memref_squeeze %dma_wait3A_74 : memref<1x128x128xf32, #tpu.memory_space<vmem>> -> memref<128x128xf32, #tpu.memory_space<vmem>>
    %dma_wait3A_76 = arith.constant 0 : i32
    %dma_wait3A_77 = tpu.memref_slice %arg7[%dma_wait3A_70, %dma_wait3A_76] : memref<40x128xi32, #tpu.memory_space<vmem>> -> memref<1x128xi32, #tpu.memory_space<vmem>>
    %dma_wait3A_78 = tpu.memref_squeeze %dma_wait3A_77 : memref<1x128xi32, #tpu.memory_space<vmem>> -> memref<128xi32, #tpu.memory_space<vmem>>
    %dma_wait3A_79 = arith.constant 0 : i32
    %dma_wait3A_80 = arith.constant 0 : i32
    %dma_wait3A_81 = tpu.memref_slice %arg4[%dma_wait3A_79, %dma_wait3A_80] : memref<10240x128xf32, #tpu.memory_space<hbm>> -> memref<10240x128xf32, #tpu.memory_space<hbm>>
    tpu.wait_indirect_dma semaphore(%arg12 : memref<!tpu.dma_semaphore, #tpu.memory_space<semaphore_mem>>) src(%dma_wait3A_81 : memref<10240x128xf32, #tpu.memory_space<hbm>>) dst(%dma_wait3A_75 : memref<128x128xf32, #tpu.memory_space<vmem>>)
    %dma_start3A_82 = arith.constant 1 : i32
    %dma_start3A_83 = arith.constant 39 : i32
    %dma_start3A_84 = arith.constant 0 : i32
    %dma_start3A_85 = arith.constant 0 : i32
    %dma_start3A_86 = tpu.memref_slice %arg9[%dma_start3A_82, %dma_start3A_84, %dma_start3A_85] : memref<2x128x128xf32, #tpu.memory_space<vmem>> -> memref<1x128x128xf32, #tpu.memory_space<vmem>>
    %dma_start3A_87 = tpu.memref_squeeze %dma_start3A_86 : memref<1x128x128xf32, #tpu.memory_space<vmem>> -> memref<128x128xf32, #tpu.memory_space<vmem>>
    %dma_start3A_88 = arith.constant 0 : i32
    %dma_start3A_89 = tpu.memref_slice %arg8[%dma_start3A_83, %dma_start3A_88] : memref<40x128xi32, #tpu.memory_space<vmem>> -> memref<1x128xi32, #tpu.memory_space<vmem>>
    %dma_start3A_90 = tpu.memref_squeeze %dma_start3A_89 : memref<1x128xi32, #tpu.memory_space<vmem>> -> memref<128xi32, #tpu.memory_space<vmem>>
    %dma_start3A_91 = arith.constant 0 : i32
    %dma_start3A_92 = arith.constant 0 : i32
    %dma_start3A_93 = tpu.memref_slice %arg10[%dma_start3A_91, %dma_start3A_92] : memref<10240x128xf32, #tpu.memory_space<vmem_shared>> -> memref<10240x128xf32, #tpu.memory_space<vmem_shared>>
    tpu.enqueue_indirect_dma source(%dma_start3A_87 : memref<128x128xf32, #tpu.memory_space<vmem>>) target(%dma_start3A_93 : memref<10240x128xf32, #tpu.memory_space<vmem_shared>>) offsets(%dma_start3A_90 : memref<128xi32, #tpu.memory_space<vmem>>) semaphore(%arg14 : memref<!tpu.dma_semaphore, #tpu.memory_space<semaphore_mem>>) {add = true}
    %dma_wait3A_94 = arith.constant 1 : i32
    %dma_wait3A_95 = arith.constant 39 : i32
    %dma_wait3A_96 = arith.constant 0 : i32
    %dma_wait3A_97 = arith.constant 0 : i32
    %dma_wait3A_98 = tpu.memref_slice %arg9[%dma_wait3A_94, %dma_wait3A_96, %dma_wait3A_97] : memref<2x128x128xf32, #tpu.memory_space<vmem>> -> memref<1x128x128xf32, #tpu.memory_space<vmem>>
    %dma_wait3A_99 = tpu.memref_squeeze %dma_wait3A_98 : memref<1x128x128xf32, #tpu.memory_space<vmem>> -> memref<128x128xf32, #tpu.memory_space<vmem>>
    %dma_wait3A_100 = arith.constant 0 : i32
    %dma_wait3A_101 = tpu.memref_slice %arg8[%dma_wait3A_95, %dma_wait3A_100] : memref<40x128xi32, #tpu.memory_space<vmem>> -> memref<1x128xi32, #tpu.memory_space<vmem>>
    %dma_wait3A_102 = tpu.memref_squeeze %dma_wait3A_101 : memref<1x128xi32, #tpu.memory_space<vmem>> -> memref<128xi32, #tpu.memory_space<vmem>>
    %dma_wait3A_103 = arith.constant 0 : i32
    %dma_wait3A_104 = arith.constant 0 : i32
    %dma_wait3A_105 = tpu.memref_slice %arg10[%dma_wait3A_103, %dma_wait3A_104] : memref<10240x128xf32, #tpu.memory_space<vmem_shared>> -> memref<10240x128xf32, #tpu.memory_space<vmem_shared>>
    tpu.wait_indirect_dma semaphore(%arg14 : memref<!tpu.dma_semaphore, #tpu.memory_space<semaphore_mem>>) src(%dma_wait3A_99 : memref<128x128xf32, #tpu.memory_space<vmem>>) dst(%dma_wait3A_105 : memref<10240x128xf32, #tpu.memory_space<vmem_shared>>)
    %barrier3A_106 = arith.constant 0 : index
    tpu.barrier barrier_id(%barrier3A_106)
    %mul3A_107 = arith.constant 640 : i32
    %mul3A_108 = arith.muli %arg1, %mul3A_107 : i32
    %mul3A_109 = arith.constant 640 : i32
    %mul3A_110 = arith.muli %arg1, %mul3A_109 : i32
    "tpu.region"() ({
      %run_scoped3A = tpu.sem_alloc : memref<!tpu.dma_semaphore, #tpu.memory_space<semaphore_mem>>
      %dma_start3A_111 = arith.constant 0 : i32
      %dma_start3A_112 = tpu.memref_slice %arg6[%arg0, %mul3A_110, %dma_start3A_111] : memref<2x10240x128xf32, #tpu.memory_space<hbm>> -> memref<1x640x128xf32, #tpu.memory_space<hbm>>
      %dma_start3A_113 = tpu.memref_squeeze %dma_start3A_112 : memref<1x640x128xf32, #tpu.memory_space<hbm>> -> memref<640x128xf32, #tpu.memory_space<hbm>>
      %dma_start3A_114 = arith.constant 0 : i32
      %dma_start3A_115 = tpu.memref_slice %arg10[%mul3A_108, %dma_start3A_114] : memref<10240x128xf32, #tpu.memory_space<vmem_shared>> -> memref<640x128xf32, #tpu.memory_space<vmem_shared>>
      tpu.enqueue_dma source(%dma_start3A_115 : memref<640x128xf32, #tpu.memory_space<vmem_shared>>) target(%dma_start3A_113 : memref<640x128xf32, #tpu.memory_space<hbm>>) target_semaphore(%run_scoped3A : memref<!tpu.dma_semaphore, #tpu.memory_space<semaphore_mem>>)
      %dma_wait3A_116 = arith.constant 0 : i32
      %dma_wait3A_117 = tpu.memref_slice %arg6[%arg0, %mul3A_110, %dma_wait3A_116] : memref<2x10240x128xf32, #tpu.memory_space<hbm>> -> memref<1x640x128xf32, #tpu.memory_space<hbm>>
      %dma_wait3A_118 = tpu.memref_squeeze %dma_wait3A_117 : memref<1x640x128xf32, #tpu.memory_space<hbm>> -> memref<640x128xf32, #tpu.memory_space<hbm>>
      %dma_wait3A_119 = arith.constant 0 : i32
      %dma_wait3A_120 = tpu.memref_slice %arg10[%mul3A_108, %dma_wait3A_119] : memref<10240x128xf32, #tpu.memory_space<vmem_shared>> -> memref<640x128xf32, #tpu.memory_space<vmem_shared>>
      tpu.wait_dma2 semaphore(%run_scoped3A : memref<!tpu.dma_semaphore, #tpu.memory_space<semaphore_mem>>) src(%dma_wait3A_120 : memref<640x128xf32, #tpu.memory_space<vmem_shared>>) dst(%dma_wait3A_118 : memref<640x128xf32, #tpu.memory_space<hbm>>)
      tpu.yield
    }) : () -> ()
    return
  }
}

#map = affine_map<(d0, d1) -> (0, 0)>
#map1 = affine_map<(d0, d1) -> (0, 0, 0)>
module attributes {stable_mosaic.version = 14 : i64} {
  func.func @_deg_body(%arg0: i32, %arg1: i32, %arg2: memref<1280x128xi32, #tpu.memory_space<hbm>>, %arg3: memref<128x128xf32, #tpu.memory_space<hbm>>, %arg4: memref<10240x128xf32, #tpu.memory_space<hbm>>, %arg5: memref<2x10240x128xf32, #tpu.memory_space<hbm>>, %arg6: memref<40x128xi32, #tpu.memory_space<vmem>>, %arg7: memref<128x128xf32, #tpu.memory_space<vmem>>, %arg8: memref<10240x128xf32, #tpu.memory_space<vmem_shared>>, %arg9: memref<!tpu.dma_semaphore, #tpu.memory_space<semaphore_mem>>) attributes {dimension_semantics = [#tpu.dimension_semantics<core_parallel>, #tpu.dimension_semantics<subcore_parallel>], iteration_bounds = array<i64: 2, 16>, scalar_prefetch = 0 : i64, scratch_operands = 4 : i64, tpu.core_type = #tpu.core_type<sc_vector_subcore>, window_params = [{transform_indices = #map}, {transform_indices = #map}, {transform_indices = #map}, {transform_indices = #map1}]} {
    %mul3A = arith.constant 16 : i32
    %mul3A_0 = arith.muli %arg0, %mul3A : i32
    %add3A = arith.addi %mul3A_0, %arg1 : i32
    %mul3A_1 = arith.constant 640 : i32
    %mul3A_2 = arith.muli %arg1, %mul3A_1 : i32
    %mul3A_3 = arith.constant 640 : i32
    %mul3A_4 = arith.muli %arg1, %mul3A_3 : i32
    "tpu.region"() ({
      %run_scoped3A = tpu.sem_alloc : memref<!tpu.dma_semaphore, #tpu.memory_space<semaphore_mem>>
      %dma_start3A = arith.constant 0 : i32
      %dma_start3A_23 = tpu.memref_slice %arg8[%mul3A_4, %dma_start3A] : memref<10240x128xf32, #tpu.memory_space<vmem_shared>> -> memref<640x128xf32, #tpu.memory_space<vmem_shared>>
      %dma_start3A_24 = arith.constant 0 : i32
      %dma_start3A_25 = tpu.memref_slice %arg4[%mul3A_2, %dma_start3A_24] : memref<10240x128xf32, #tpu.memory_space<hbm>> -> memref<640x128xf32, #tpu.memory_space<hbm>>
      tpu.enqueue_dma source(%dma_start3A_25 : memref<640x128xf32, #tpu.memory_space<hbm>>) target(%dma_start3A_23 : memref<640x128xf32, #tpu.memory_space<vmem_shared>>) target_semaphore(%run_scoped3A : memref<!tpu.dma_semaphore, #tpu.memory_space<semaphore_mem>>)
      %dma_wait3A = arith.constant 0 : i32
      %dma_wait3A_26 = tpu.memref_slice %arg8[%mul3A_4, %dma_wait3A] : memref<10240x128xf32, #tpu.memory_space<vmem_shared>> -> memref<640x128xf32, #tpu.memory_space<vmem_shared>>
      %dma_wait3A_27 = arith.constant 0 : i32
      %dma_wait3A_28 = tpu.memref_slice %arg4[%mul3A_2, %dma_wait3A_27] : memref<10240x128xf32, #tpu.memory_space<hbm>> -> memref<640x128xf32, #tpu.memory_space<hbm>>
      tpu.wait_dma2 semaphore(%run_scoped3A : memref<!tpu.dma_semaphore, #tpu.memory_space<semaphore_mem>>) src(%dma_wait3A_28 : memref<640x128xf32, #tpu.memory_space<hbm>>) dst(%dma_wait3A_26 : memref<640x128xf32, #tpu.memory_space<vmem_shared>>)
      tpu.yield
    }) : () -> ()
    "tpu.region"() ({
      %run_scoped3A = tpu.sem_alloc : memref<!tpu.dma_semaphore, #tpu.memory_space<semaphore_mem>>
      tpu.enqueue_dma source(%arg3 : memref<128x128xf32, #tpu.memory_space<hbm>>) target(%arg7 : memref<128x128xf32, #tpu.memory_space<vmem>>) target_semaphore(%run_scoped3A : memref<!tpu.dma_semaphore, #tpu.memory_space<semaphore_mem>>)
      tpu.wait_dma2 semaphore(%run_scoped3A : memref<!tpu.dma_semaphore, #tpu.memory_space<semaphore_mem>>) src(%arg3 : memref<128x128xf32, #tpu.memory_space<hbm>>) dst(%arg7 : memref<128x128xf32, #tpu.memory_space<vmem>>)
      tpu.yield
    }) : () -> ()
    %mul3A_5 = arith.constant 40 : i32
    %mul3A_6 = arith.muli %add3A, %mul3A_5 : i32
    "tpu.region"() ({
      %run_scoped3A = tpu.sem_alloc : memref<!tpu.dma_semaphore, #tpu.memory_space<semaphore_mem>>
      %dma_start3A = arith.constant 0 : i32
      %dma_start3A_23 = tpu.memref_slice %arg2[%mul3A_6, %dma_start3A] : memref<1280x128xi32, #tpu.memory_space<hbm>> -> memref<40x128xi32, #tpu.memory_space<hbm>>
      %dma_start3A_24 = arith.constant 0 : i32
      %dma_start3A_25 = tpu.memref_slice %arg2[%mul3A_6, %dma_start3A_24] : memref<1280x128xi32, #tpu.memory_space<hbm>> -> memref<40x128xi32, #tpu.memory_space<hbm>>
      tpu.enqueue_dma source(%dma_start3A_25 : memref<40x128xi32, #tpu.memory_space<hbm>>) target(%arg6 : memref<40x128xi32, #tpu.memory_space<vmem>>) target_semaphore(%run_scoped3A : memref<!tpu.dma_semaphore, #tpu.memory_space<semaphore_mem>>)
      %dma_wait3A = arith.constant 0 : i32
      %dma_wait3A_26 = tpu.memref_slice %arg2[%mul3A_6, %dma_wait3A] : memref<1280x128xi32, #tpu.memory_space<hbm>> -> memref<40x128xi32, #tpu.memory_space<hbm>>
      %dma_wait3A_27 = arith.constant 0 : i32
      %dma_wait3A_28 = tpu.memref_slice %arg2[%mul3A_6, %dma_wait3A_27] : memref<1280x128xi32, #tpu.memory_space<hbm>> -> memref<40x128xi32, #tpu.memory_space<hbm>>
      tpu.wait_dma2 semaphore(%run_scoped3A : memref<!tpu.dma_semaphore, #tpu.memory_space<semaphore_mem>>) src(%dma_wait3A_28 : memref<40x128xi32, #tpu.memory_space<hbm>>) dst(%arg6 : memref<40x128xi32, #tpu.memory_space<vmem>>)
      tpu.yield
    }) : () -> ()
    %barrier3A = arith.constant 0 : index
    tpu.barrier barrier_id(%barrier3A)
    %scan3A = arith.constant 0 : i32
    %scan3A_7 = arith.constant 0 : i32
    %scan3A_8 = arith.constant 40 : i32
    %scan3A_9 = arith.addi %scan3A_7, %scan3A_8 : i32
    %scan3A_10 = arith.constant 1 : i32
    scf.for %scan3A_23 = %scan3A_7 to %scan3A_9 step %scan3A_10  : i32 {
      %dma_start3A = arith.constant 0 : i32
      %dma_start3A_24 = tpu.memref_slice %arg6[%scan3A_23, %dma_start3A] : memref<40x128xi32, #tpu.memory_space<vmem>> -> memref<1x128xi32, #tpu.memory_space<vmem>>
      %dma_start3A_25 = tpu.memref_squeeze %dma_start3A_24 : memref<1x128xi32, #tpu.memory_space<vmem>> -> memref<128xi32, #tpu.memory_space<vmem>>
      %dma_start3A_26 = arith.constant 0 : i32
      %dma_start3A_27 = arith.constant 0 : i32
      %dma_start3A_28 = tpu.memref_slice %arg8[%dma_start3A_26, %dma_start3A_27] : memref<10240x128xf32, #tpu.memory_space<vmem_shared>> -> memref<10240x128xf32, #tpu.memory_space<vmem_shared>>
      tpu.enqueue_indirect_dma source(%arg7 : memref<128x128xf32, #tpu.memory_space<vmem>>) target(%dma_start3A_28 : memref<10240x128xf32, #tpu.memory_space<vmem_shared>>) offsets(%dma_start3A_25 : memref<128xi32, #tpu.memory_space<vmem>>) semaphore(%arg9 : memref<!tpu.dma_semaphore, #tpu.memory_space<semaphore_mem>>) {add = true}
    }
    %scan3A_11 = arith.constant 40 : i32
    %scan3A_12 = arith.constant 0 : i32
    %scan3A_13 = arith.constant 0 : i32
    %scan3A_14 = arith.constant 40 : i32
    %scan3A_15 = arith.addi %scan3A_13, %scan3A_14 : i32
    %scan3A_16 = arith.constant 1 : i32
    scf.for %scan3A_23 = %scan3A_13 to %scan3A_15 step %scan3A_16  : i32 {
      %dma_wait3A = arith.constant 0 : i32
      %dma_wait3A_24 = tpu.memref_slice %arg6[%scan3A_23, %dma_wait3A] : memref<40x128xi32, #tpu.memory_space<vmem>> -> memref<1x128xi32, #tpu.memory_space<vmem>>
      %dma_wait3A_25 = tpu.memref_squeeze %dma_wait3A_24 : memref<1x128xi32, #tpu.memory_space<vmem>> -> memref<128xi32, #tpu.memory_space<vmem>>
      %dma_wait3A_26 = arith.constant 0 : i32
      %dma_wait3A_27 = arith.constant 0 : i32
      %dma_wait3A_28 = tpu.memref_slice %arg8[%dma_wait3A_26, %dma_wait3A_27] : memref<10240x128xf32, #tpu.memory_space<vmem_shared>> -> memref<10240x128xf32, #tpu.memory_space<vmem_shared>>
      tpu.wait_indirect_dma semaphore(%arg9 : memref<!tpu.dma_semaphore, #tpu.memory_space<semaphore_mem>>) src(%arg7 : memref<128x128xf32, #tpu.memory_space<vmem>>) dst(%dma_wait3A_28 : memref<10240x128xf32, #tpu.memory_space<vmem_shared>>)
    }
    %scan3A_17 = arith.constant 40 : i32
    %barrier3A_18 = arith.constant 0 : index
    tpu.barrier barrier_id(%barrier3A_18)
    %mul3A_19 = arith.constant 640 : i32
    %mul3A_20 = arith.muli %arg1, %mul3A_19 : i32
    %mul3A_21 = arith.constant 640 : i32
    %mul3A_22 = arith.muli %arg1, %mul3A_21 : i32
    "tpu.region"() ({
      %run_scoped3A = tpu.sem_alloc : memref<!tpu.dma_semaphore, #tpu.memory_space<semaphore_mem>>
      %dma_start3A = arith.constant 0 : i32
      %dma_start3A_23 = tpu.memref_slice %arg5[%arg0, %mul3A_22, %dma_start3A] : memref<2x10240x128xf32, #tpu.memory_space<hbm>> -> memref<1x640x128xf32, #tpu.memory_space<hbm>>
      %dma_start3A_24 = tpu.memref_squeeze %dma_start3A_23 : memref<1x640x128xf32, #tpu.memory_space<hbm>> -> memref<640x128xf32, #tpu.memory_space<hbm>>
      %dma_start3A_25 = arith.constant 0 : i32
      %dma_start3A_26 = tpu.memref_slice %arg8[%mul3A_20, %dma_start3A_25] : memref<10240x128xf32, #tpu.memory_space<vmem_shared>> -> memref<640x128xf32, #tpu.memory_space<vmem_shared>>
      tpu.enqueue_dma source(%dma_start3A_26 : memref<640x128xf32, #tpu.memory_space<vmem_shared>>) target(%dma_start3A_24 : memref<640x128xf32, #tpu.memory_space<hbm>>) target_semaphore(%run_scoped3A : memref<!tpu.dma_semaphore, #tpu.memory_space<semaphore_mem>>)
      %dma_wait3A = arith.constant 0 : i32
      %dma_wait3A_27 = tpu.memref_slice %arg5[%arg0, %mul3A_22, %dma_wait3A] : memref<2x10240x128xf32, #tpu.memory_space<hbm>> -> memref<1x640x128xf32, #tpu.memory_space<hbm>>
      %dma_wait3A_28 = tpu.memref_squeeze %dma_wait3A_27 : memref<1x640x128xf32, #tpu.memory_space<hbm>> -> memref<640x128xf32, #tpu.memory_space<hbm>>
      %dma_wait3A_29 = arith.constant 0 : i32
      %dma_wait3A_30 = tpu.memref_slice %arg8[%mul3A_20, %dma_wait3A_29] : memref<10240x128xf32, #tpu.memory_space<vmem_shared>> -> memref<640x128xf32, #tpu.memory_space<vmem_shared>>
      tpu.wait_dma2 semaphore(%run_scoped3A : memref<!tpu.dma_semaphore, #tpu.memory_space<semaphore_mem>>) src(%dma_wait3A_30 : memref<640x128xf32, #tpu.memory_space<vmem_shared>>) dst(%dma_wait3A_28 : memref<640x128xf32, #tpu.memory_space<hbm>>)
      tpu.yield
    }) : () -> ()
    return
  }
}

#map = affine_map<(d0, d1) -> (0, 0)>
#map1 = affine_map<(d0, d1) -> (0, 0, 0)>
module attributes {stable_mosaic.version = 14 : i64} {
  func.func @_agg_body(%arg0: i32, %arg1: i32, %arg2: memref<1280x128xi32, #tpu.memory_space<hbm>>, %arg3: memref<1280x128xi32, #tpu.memory_space<hbm>>, %arg4: memref<10240x128xf32, #tpu.memory_space<hbm>>, %arg5: memref<10240x128xf32, #tpu.memory_space<hbm>>, %arg6: memref<2x10240x128xf32, #tpu.memory_space<hbm>>, %arg7: memref<40x128xi32, #tpu.memory_space<vmem>>, %arg8: memref<40x128xi32, #tpu.memory_space<vmem>>, %arg9: memref<2x128x128xf32, #tpu.memory_space<vmem>>, %arg10: memref<10240x128xf32, #tpu.memory_space<vmem_shared>>, %arg11: memref<!tpu.dma_semaphore, #tpu.memory_space<semaphore_mem>>, %arg12: memref<!tpu.dma_semaphore, #tpu.memory_space<semaphore_mem>>, %arg13: memref<!tpu.dma_semaphore, #tpu.memory_space<semaphore_mem>>, %arg14: memref<!tpu.dma_semaphore, #tpu.memory_space<semaphore_mem>>) attributes {dimension_semantics = [#tpu.dimension_semantics<core_parallel>, #tpu.dimension_semantics<subcore_parallel>], iteration_bounds = array<i64: 2, 16>, scalar_prefetch = 0 : i64, scratch_operands = 8 : i64, tpu.core_type = #tpu.core_type<sc_vector_subcore>, window_params = [{transform_indices = #map}, {transform_indices = #map}, {transform_indices = #map}, {transform_indices = #map}, {transform_indices = #map1}]} {
    %mul3A = arith.constant 16 : i32
    %mul3A_0 = arith.muli %arg0, %mul3A : i32
    %add3A = arith.addi %mul3A_0, %arg1 : i32
    %mul3A_1 = arith.constant 40 : i32
    %mul3A_2 = arith.muli %add3A, %mul3A_1 : i32
    %mul3A_3 = arith.constant 640 : i32
    %mul3A_4 = arith.muli %arg1, %mul3A_3 : i32
    %mul3A_5 = arith.constant 640 : i32
    %mul3A_6 = arith.muli %arg1, %mul3A_5 : i32
    "tpu.region"() ({
      %run_scoped3A = tpu.sem_alloc : memref<!tpu.dma_semaphore, #tpu.memory_space<semaphore_mem>>
      %dma_start3A_111 = arith.constant 0 : i32
      %dma_start3A_112 = tpu.memref_slice %arg10[%mul3A_6, %dma_start3A_111] : memref<10240x128xf32, #tpu.memory_space<vmem_shared>> -> memref<640x128xf32, #tpu.memory_space<vmem_shared>>
      %dma_start3A_113 = arith.constant 0 : i32
      %dma_start3A_114 = tpu.memref_slice %arg5[%mul3A_4, %dma_start3A_113] : memref<10240x128xf32, #tpu.memory_space<hbm>> -> memref<640x128xf32, #tpu.memory_space<hbm>>
      tpu.enqueue_dma source(%dma_start3A_114 : memref<640x128xf32, #tpu.memory_space<hbm>>) target(%dma_start3A_112 : memref<640x128xf32, #tpu.memory_space<vmem_shared>>) target_semaphore(%run_scoped3A : memref<!tpu.dma_semaphore, #tpu.memory_space<semaphore_mem>>)
      %dma_wait3A_115 = arith.constant 0 : i32
      %dma_wait3A_116 = tpu.memref_slice %arg10[%mul3A_6, %dma_wait3A_115] : memref<10240x128xf32, #tpu.memory_space<vmem_shared>> -> memref<640x128xf32, #tpu.memory_space<vmem_shared>>
      %dma_wait3A_117 = arith.constant 0 : i32
      %dma_wait3A_118 = tpu.memref_slice %arg5[%mul3A_4, %dma_wait3A_117] : memref<10240x128xf32, #tpu.memory_space<hbm>> -> memref<640x128xf32, #tpu.memory_space<hbm>>
      tpu.wait_dma2 semaphore(%run_scoped3A : memref<!tpu.dma_semaphore, #tpu.memory_space<semaphore_mem>>) src(%dma_wait3A_118 : memref<640x128xf32, #tpu.memory_space<hbm>>) dst(%dma_wait3A_116 : memref<640x128xf32, #tpu.memory_space<vmem_shared>>)
      tpu.yield
    }) : () -> ()
    "tpu.region"() ({
      %run_scoped3A = tpu.sem_alloc : memref<!tpu.dma_semaphore, #tpu.memory_space<semaphore_mem>>
      %dma_start3A_111 = arith.constant 0 : i32
      %dma_start3A_112 = tpu.memref_slice %arg2[%mul3A_2, %dma_start3A_111] : memref<1280x128xi32, #tpu.memory_space<hbm>> -> memref<40x128xi32, #tpu.memory_space<hbm>>
      %dma_start3A_113 = arith.constant 0 : i32
      %dma_start3A_114 = tpu.memref_slice %arg2[%mul3A_2, %dma_start3A_113] : memref<1280x128xi32, #tpu.memory_space<hbm>> -> memref<40x128xi32, #tpu.memory_space<hbm>>
      tpu.enqueue_dma source(%dma_start3A_114 : memref<40x128xi32, #tpu.memory_space<hbm>>) target(%arg7 : memref<40x128xi32, #tpu.memory_space<vmem>>) target_semaphore(%run_scoped3A : memref<!tpu.dma_semaphore, #tpu.memory_space<semaphore_mem>>)
      %dma_wait3A_115 = arith.constant 0 : i32
      %dma_wait3A_116 = tpu.memref_slice %arg2[%mul3A_2, %dma_wait3A_115] : memref<1280x128xi32, #tpu.memory_space<hbm>> -> memref<40x128xi32, #tpu.memory_space<hbm>>
      %dma_wait3A_117 = arith.constant 0 : i32
      %dma_wait3A_118 = tpu.memref_slice %arg2[%mul3A_2, %dma_wait3A_117] : memref<1280x128xi32, #tpu.memory_space<hbm>> -> memref<40x128xi32, #tpu.memory_space<hbm>>
      tpu.wait_dma2 semaphore(%run_scoped3A : memref<!tpu.dma_semaphore, #tpu.memory_space<semaphore_mem>>) src(%dma_wait3A_118 : memref<40x128xi32, #tpu.memory_space<hbm>>) dst(%arg7 : memref<40x128xi32, #tpu.memory_space<vmem>>)
      tpu.yield
    }) : () -> ()
    "tpu.region"() ({
      %run_scoped3A = tpu.sem_alloc : memref<!tpu.dma_semaphore, #tpu.memory_space<semaphore_mem>>
      %dma_start3A_111 = arith.constant 0 : i32
      %dma_start3A_112 = tpu.memref_slice %arg3[%mul3A_2, %dma_start3A_111] : memref<1280x128xi32, #tpu.memory_space<hbm>> -> memref<40x128xi32, #tpu.memory_space<hbm>>
      %dma_start3A_113 = arith.constant 0 : i32
      %dma_start3A_114 = tpu.memref_slice %arg3[%mul3A_2, %dma_start3A_113] : memref<1280x128xi32, #tpu.memory_space<hbm>> -> memref<40x128xi32, #tpu.memory_space<hbm>>
      tpu.enqueue_dma source(%dma_start3A_114 : memref<40x128xi32, #tpu.memory_space<hbm>>) target(%arg8 : memref<40x128xi32, #tpu.memory_space<vmem>>) target_semaphore(%run_scoped3A : memref<!tpu.dma_semaphore, #tpu.memory_space<semaphore_mem>>)
      %dma_wait3A_115 = arith.constant 0 : i32
      %dma_wait3A_116 = tpu.memref_slice %arg3[%mul3A_2, %dma_wait3A_115] : memref<1280x128xi32, #tpu.memory_space<hbm>> -> memref<40x128xi32, #tpu.memory_space<hbm>>
      %dma_wait3A_117 = arith.constant 0 : i32
      %dma_wait3A_118 = tpu.memref_slice %arg3[%mul3A_2, %dma_wait3A_117] : memref<1280x128xi32, #tpu.memory_space<hbm>> -> memref<40x128xi32, #tpu.memory_space<hbm>>
      tpu.wait_dma2 semaphore(%run_scoped3A : memref<!tpu.dma_semaphore, #tpu.memory_space<semaphore_mem>>) src(%dma_wait3A_118 : memref<40x128xi32, #tpu.memory_space<hbm>>) dst(%arg8 : memref<40x128xi32, #tpu.memory_space<vmem>>)
      tpu.yield
    }) : () -> ()
    %barrier3A = arith.constant 0 : index
    tpu.barrier barrier_id(%barrier3A)
    %dma_start3A = arith.constant 0 : i32
    %dma_start3A_7 = arith.constant 0 : i32
    %dma_start3A_8 = arith.constant 0 : i32
    %dma_start3A_9 = arith.constant 0 : i32
    %dma_start3A_10 = tpu.memref_slice %arg9[%dma_start3A_7, %dma_start3A_8, %dma_start3A_9] : memref<2x128x128xf32, #tpu.memory_space<vmem>> -> memref<1x128x128xf32, #tpu.memory_space<vmem>>
    %dma_start3A_11 = tpu.memref_squeeze %dma_start3A_10 : memref<1x128x128xf32, #tpu.memory_space<vmem>> -> memref<128x128xf32, #tpu.memory_space<vmem>>
    %dma_start3A_12 = arith.constant 0 : i32
    %dma_start3A_13 = tpu.memref_slice %arg7[%dma_start3A, %dma_start3A_12] : memref<40x128xi32, #tpu.memory_space<vmem>> -> memref<1x128xi32, #tpu.memory_space<vmem>>
    %dma_start3A_14 = tpu.memref_squeeze %dma_start3A_13 : memref<1x128xi32, #tpu.memory_space<vmem>> -> memref<128xi32, #tpu.memory_space<vmem>>
    %dma_start3A_15 = arith.constant 0 : i32
    %dma_start3A_16 = arith.constant 0 : i32
    %dma_start3A_17 = tpu.memref_slice %arg4[%dma_start3A_15, %dma_start3A_16] : memref<10240x128xf32, #tpu.memory_space<hbm>> -> memref<10240x128xf32, #tpu.memory_space<hbm>>
    tpu.enqueue_indirect_dma source(%dma_start3A_17 : memref<10240x128xf32, #tpu.memory_space<hbm>>) target(%dma_start3A_11 : memref<128x128xf32, #tpu.memory_space<vmem>>) offsets(%dma_start3A_14 : memref<128xi32, #tpu.memory_space<vmem>>) semaphore(%arg11 : memref<!tpu.dma_semaphore, #tpu.memory_space<semaphore_mem>>)
    %dma_start3A_18 = arith.constant 1 : i32
    %dma_start3A_19 = arith.constant 1 : i32
    %dma_start3A_20 = arith.constant 0 : i32
    %dma_start3A_21 = arith.constant 0 : i32
    %dma_start3A_22 = tpu.memref_slice %arg9[%dma_start3A_19, %dma_start3A_20, %dma_start3A_21] : memref<2x128x128xf32, #tpu.memory_space<vmem>> -> memref<1x128x128xf32, #tpu.memory_space<vmem>>
    %dma_start3A_23 = tpu.memref_squeeze %dma_start3A_22 : memref<1x128x128xf32, #tpu.memory_space<vmem>> -> memref<128x128xf32, #tpu.memory_space<vmem>>
    %dma_start3A_24 = arith.constant 0 : i32
    %dma_start3A_25 = tpu.memref_slice %arg7[%dma_start3A_18, %dma_start3A_24] : memref<40x128xi32, #tpu.memory_space<vmem>> -> memref<1x128xi32, #tpu.memory_space<vmem>>
    %dma_start3A_26 = tpu.memref_squeeze %dma_start3A_25 : memref<1x128xi32, #tpu.memory_space<vmem>> -> memref<128xi32, #tpu.memory_space<vmem>>
    %dma_start3A_27 = arith.constant 0 : i32
    %dma_start3A_28 = arith.constant 0 : i32
    %dma_start3A_29 = tpu.memref_slice %arg4[%dma_start3A_27, %dma_start3A_28] : memref<10240x128xf32, #tpu.memory_space<hbm>> -> memref<10240x128xf32, #tpu.memory_space<hbm>>
    tpu.enqueue_indirect_dma source(%dma_start3A_29 : memref<10240x128xf32, #tpu.memory_space<hbm>>) target(%dma_start3A_23 : memref<128x128xf32, #tpu.memory_space<vmem>>) offsets(%dma_start3A_26 : memref<128xi32, #tpu.memory_space<vmem>>) semaphore(%arg12 : memref<!tpu.dma_semaphore, #tpu.memory_space<semaphore_mem>>)
    %scan3A = arith.constant 0 : i32
    %scan3A_30 = arith.constant 0 : i32
    %scan3A_31 = arith.constant 19 : i32
    %scan3A_32 = arith.addi %scan3A_30, %scan3A_31 : i32
    %scan3A_33 = arith.constant 1 : i32
    scf.for %scan3A_111 = %scan3A_30 to %scan3A_32 step %scan3A_33  : i32 {
      %mul3A_112 = arith.constant 2 : i32
      %mul3A_113 = arith.muli %scan3A_111, %mul3A_112 : i32
      %add3A_114 = arith.constant 0 : i32
      %add3A_115 = arith.addi %mul3A_113, %add3A_114 : i32
      %dma_wait3A_116 = arith.constant 0 : i32
      %dma_wait3A_117 = arith.constant 0 : i32
      %dma_wait3A_118 = arith.constant 0 : i32
      %dma_wait3A_119 = tpu.memref_slice %arg9[%dma_wait3A_116, %dma_wait3A_117, %dma_wait3A_118] : memref<2x128x128xf32, #tpu.memory_space<vmem>> -> memref<1x128x128xf32, #tpu.memory_space<vmem>>
      %dma_wait3A_120 = tpu.memref_squeeze %dma_wait3A_119 : memref<1x128x128xf32, #tpu.memory_space<vmem>> -> memref<128x128xf32, #tpu.memory_space<vmem>>
      %dma_wait3A_121 = arith.constant 0 : i32
      %dma_wait3A_122 = tpu.memref_slice %arg7[%add3A_115, %dma_wait3A_121] : memref<40x128xi32, #tpu.memory_space<vmem>> -> memref<1x128xi32, #tpu.memory_space<vmem>>
      %dma_wait3A_123 = tpu.memref_squeeze %dma_wait3A_122 : memref<1x128xi32, #tpu.memory_space<vmem>> -> memref<128xi32, #tpu.memory_space<vmem>>
      %dma_wait3A_124 = arith.constant 0 : i32
      %dma_wait3A_125 = arith.constant 0 : i32
      %dma_wait3A_126 = tpu.memref_slice %arg4[%dma_wait3A_124, %dma_wait3A_125] : memref<10240x128xf32, #tpu.memory_space<hbm>> -> memref<10240x128xf32, #tpu.memory_space<hbm>>
      tpu.wait_indirect_dma semaphore(%arg11 : memref<!tpu.dma_semaphore, #tpu.memory_space<semaphore_mem>>) src(%dma_wait3A_126 : memref<10240x128xf32, #tpu.memory_space<hbm>>) dst(%dma_wait3A_120 : memref<128x128xf32, #tpu.memory_space<vmem>>)
      %dma_start3A_127 = arith.constant 0 : i32
      %dma_start3A_128 = arith.constant 0 : i32
      %dma_start3A_129 = arith.constant 0 : i32
      %dma_start3A_130 = tpu.memref_slice %arg9[%dma_start3A_127, %dma_start3A_128, %dma_start3A_129] : memref<2x128x128xf32, #tpu.memory_space<vmem>> -> memref<1x128x128xf32, #tpu.memory_space<vmem>>
      %dma_start3A_131 = tpu.memref_squeeze %dma_start3A_130 : memref<1x128x128xf32, #tpu.memory_space<vmem>> -> memref<128x128xf32, #tpu.memory_space<vmem>>
      %dma_start3A_132 = arith.constant 0 : i32
      %dma_start3A_133 = tpu.memref_slice %arg8[%add3A_115, %dma_start3A_132] : memref<40x128xi32, #tpu.memory_space<vmem>> -> memref<1x128xi32, #tpu.memory_space<vmem>>
      %dma_start3A_134 = tpu.memref_squeeze %dma_start3A_133 : memref<1x128xi32, #tpu.memory_space<vmem>> -> memref<128xi32, #tpu.memory_space<vmem>>
      %dma_start3A_135 = arith.constant 0 : i32
      %dma_start3A_136 = arith.constant 0 : i32
      %dma_start3A_137 = tpu.memref_slice %arg10[%dma_start3A_135, %dma_start3A_136] : memref<10240x128xf32, #tpu.memory_space<vmem_shared>> -> memref<10240x128xf32, #tpu.memory_space<vmem_shared>>
      tpu.enqueue_indirect_dma source(%dma_start3A_131 : memref<128x128xf32, #tpu.memory_space<vmem>>) target(%dma_start3A_137 : memref<10240x128xf32, #tpu.memory_space<vmem_shared>>) offsets(%dma_start3A_134 : memref<128xi32, #tpu.memory_space<vmem>>) semaphore(%arg13 : memref<!tpu.dma_semaphore, #tpu.memory_space<semaphore_mem>>) {add = true}
      %mul3A_138 = arith.constant 2 : i32
      %mul3A_139 = arith.muli %scan3A_111, %mul3A_138 : i32
      %add3A_140 = arith.constant 1 : i32
      %add3A_141 = arith.addi %mul3A_139, %add3A_140 : i32
      %dma_wait3A_142 = arith.constant 1 : i32
      %dma_wait3A_143 = arith.constant 0 : i32
      %dma_wait3A_144 = arith.constant 0 : i32
      %dma_wait3A_145 = tpu.memref_slice %arg9[%dma_wait3A_142, %dma_wait3A_143, %dma_wait3A_144] : memref<2x128x128xf32, #tpu.memory_space<vmem>> -> memref<1x128x128xf32, #tpu.memory_space<vmem>>
      %dma_wait3A_146 = tpu.memref_squeeze %dma_wait3A_145 : memref<1x128x128xf32, #tpu.memory_space<vmem>> -> memref<128x128xf32, #tpu.memory_space<vmem>>
      %dma_wait3A_147 = arith.constant 0 : i32
      %dma_wait3A_148 = tpu.memref_slice %arg7[%add3A_141, %dma_wait3A_147] : memref<40x128xi32, #tpu.memory_space<vmem>> -> memref<1x128xi32, #tpu.memory_space<vmem>>
      %dma_wait3A_149 = tpu.memref_squeeze %dma_wait3A_148 : memref<1x128xi32, #tpu.memory_space<vmem>> -> memref<128xi32, #tpu.memory_space<vmem>>
      %dma_wait3A_150 = arith.constant 0 : i32
      %dma_wait3A_151 = arith.constant 0 : i32
      %dma_wait3A_152 = tpu.memref_slice %arg4[%dma_wait3A_150, %dma_wait3A_151] : memref<10240x128xf32, #tpu.memory_space<hbm>> -> memref<10240x128xf32, #tpu.memory_space<hbm>>
      tpu.wait_indirect_dma semaphore(%arg12 : memref<!tpu.dma_semaphore, #tpu.memory_space<semaphore_mem>>) src(%dma_wait3A_152 : memref<10240x128xf32, #tpu.memory_space<hbm>>) dst(%dma_wait3A_146 : memref<128x128xf32, #tpu.memory_space<vmem>>)
      %dma_start3A_153 = arith.constant 1 : i32
      %dma_start3A_154 = arith.constant 0 : i32
      %dma_start3A_155 = arith.constant 0 : i32
      %dma_start3A_156 = tpu.memref_slice %arg9[%dma_start3A_153, %dma_start3A_154, %dma_start3A_155] : memref<2x128x128xf32, #tpu.memory_space<vmem>> -> memref<1x128x128xf32, #tpu.memory_space<vmem>>
      %dma_start3A_157 = tpu.memref_squeeze %dma_start3A_156 : memref<1x128x128xf32, #tpu.memory_space<vmem>> -> memref<128x128xf32, #tpu.memory_space<vmem>>
      %dma_start3A_158 = arith.constant 0 : i32
      %dma_start3A_159 = tpu.memref_slice %arg8[%add3A_141, %dma_start3A_158] : memref<40x128xi32, #tpu.memory_space<vmem>> -> memref<1x128xi32, #tpu.memory_space<vmem>>
      %dma_start3A_160 = tpu.memref_squeeze %dma_start3A_159 : memref<1x128xi32, #tpu.memory_space<vmem>> -> memref<128xi32, #tpu.memory_space<vmem>>
      %dma_start3A_161 = arith.constant 0 : i32
      %dma_start3A_162 = arith.constant 0 : i32
      %dma_start3A_163 = tpu.memref_slice %arg10[%dma_start3A_161, %dma_start3A_162] : memref<10240x128xf32, #tpu.memory_space<vmem_shared>> -> memref<10240x128xf32, #tpu.memory_space<vmem_shared>>
      tpu.enqueue_indirect_dma source(%dma_start3A_157 : memref<128x128xf32, #tpu.memory_space<vmem>>) target(%dma_start3A_163 : memref<10240x128xf32, #tpu.memory_space<vmem_shared>>) offsets(%dma_start3A_160 : memref<128xi32, #tpu.memory_space<vmem>>) semaphore(%arg14 : memref<!tpu.dma_semaphore, #tpu.memory_space<semaphore_mem>>) {add = true}
      %add3A_164 = arith.constant 1 : i32
      %add3A_165 = arith.addi %scan3A_111, %add3A_164 : i32
      %mul3A_166 = arith.constant 2 : i32
      %mul3A_167 = arith.muli %add3A_165, %mul3A_166 : i32
      %add3A_168 = arith.constant 0 : i32
      %add3A_169 = arith.addi %mul3A_167, %add3A_168 : i32
      %dma_wait3A_170 = arith.constant 0 : i32
      %dma_wait3A_171 = arith.constant 0 : i32
      %dma_wait3A_172 = arith.constant 0 : i32
      %dma_wait3A_173 = tpu.memref_slice %arg9[%dma_wait3A_170, %dma_wait3A_171, %dma_wait3A_172] : memref<2x128x128xf32, #tpu.memory_space<vmem>> -> memref<1x128x128xf32, #tpu.memory_space<vmem>>
      %dma_wait3A_174 = tpu.memref_squeeze %dma_wait3A_173 : memref<1x128x128xf32, #tpu.memory_space<vmem>> -> memref<128x128xf32, #tpu.memory_space<vmem>>
      %dma_wait3A_175 = arith.constant 0 : i32
      %dma_wait3A_176 = tpu.memref_slice %arg8[%add3A_115, %dma_wait3A_175] : memref<40x128xi32, #tpu.memory_space<vmem>> -> memref<1x128xi32, #tpu.memory_space<vmem>>
      %dma_wait3A_177 = tpu.memref_squeeze %dma_wait3A_176 : memref<1x128xi32, #tpu.memory_space<vmem>> -> memref<128xi32, #tpu.memory_space<vmem>>
      %dma_wait3A_178 = arith.constant 0 : i32
      %dma_wait3A_179 = arith.constant 0 : i32
      %dma_wait3A_180 = tpu.memref_slice %arg10[%dma_wait3A_178, %dma_wait3A_179] : memref<10240x128xf32, #tpu.memory_space<vmem_shared>> -> memref<10240x128xf32, #tpu.memory_space<vmem_shared>>
      tpu.wait_indirect_dma semaphore(%arg13 : memref<!tpu.dma_semaphore, #tpu.memory_space<semaphore_mem>>) src(%dma_wait3A_174 : memref<128x128xf32, #tpu.memory_space<vmem>>) dst(%dma_wait3A_180 : memref<10240x128xf32, #tpu.memory_space<vmem_shared>>)
      %dma_start3A_181 = arith.constant 0 : i32
      %dma_start3A_182 = arith.constant 0 : i32
      %dma_start3A_183 = arith.constant 0 : i32
      %dma_start3A_184 = tpu.memref_slice %arg9[%dma_start3A_181, %dma_start3A_182, %dma_start3A_183] : memref<2x128x128xf32, #tpu.memory_space<vmem>> -> memref<1x128x128xf32, #tpu.memory_space<vmem>>
      %dma_start3A_185 = tpu.memref_squeeze %dma_start3A_184 : memref<1x128x128xf32, #tpu.memory_space<vmem>> -> memref<128x128xf32, #tpu.memory_space<vmem>>
      %dma_start3A_186 = arith.constant 0 : i32
      %dma_start3A_187 = tpu.memref_slice %arg7[%add3A_169, %dma_start3A_186] : memref<40x128xi32, #tpu.memory_space<vmem>> -> memref<1x128xi32, #tpu.memory_space<vmem>>
      %dma_start3A_188 = tpu.memref_squeeze %dma_start3A_187 : memref<1x128xi32, #tpu.memory_space<vmem>> -> memref<128xi32, #tpu.memory_space<vmem>>
      %dma_start3A_189 = arith.constant 0 : i32
      %dma_start3A_190 = arith.constant 0 : i32
      %dma_start3A_191 = tpu.memref_slice %arg4[%dma_start3A_189, %dma_start3A_190] : memref<10240x128xf32, #tpu.memory_space<hbm>> -> memref<10240x128xf32, #tpu.memory_space<hbm>>
      tpu.enqueue_indirect_dma source(%dma_start3A_191 : memref<10240x128xf32, #tpu.memory_space<hbm>>) target(%dma_start3A_185 : memref<128x128xf32, #tpu.memory_space<vmem>>) offsets(%dma_start3A_188 : memref<128xi32, #tpu.memory_space<vmem>>) semaphore(%arg11 : memref<!tpu.dma_semaphore, #tpu.memory_space<semaphore_mem>>)
      %add3A_192 = arith.constant 1 : i32
      %add3A_193 = arith.addi %scan3A_111, %add3A_192 : i32
      %mul3A_194 = arith.constant 2 : i32
      %mul3A_195 = arith.muli %add3A_193, %mul3A_194 : i32
      %add3A_196 = arith.constant 1 : i32
      %add3A_197 = arith.addi %mul3A_195, %add3A_196 : i32
      %dma_wait3A_198 = arith.constant 1 : i32
      %dma_wait3A_199 = arith.constant 0 : i32
      %dma_wait3A_200 = arith.constant 0 : i32
      %dma_wait3A_201 = tpu.memref_slice %arg9[%dma_wait3A_198, %dma_wait3A_199, %dma_wait3A_200] : memref<2x128x128xf32, #tpu.memory_space<vmem>> -> memref<1x128x128xf32, #tpu.memory_space<vmem>>
      %dma_wait3A_202 = tpu.memref_squeeze %dma_wait3A_201 : memref<1x128x128xf32, #tpu.memory_space<vmem>> -> memref<128x128xf32, #tpu.memory_space<vmem>>
      %dma_wait3A_203 = arith.constant 0 : i32
      %dma_wait3A_204 = tpu.memref_slice %arg8[%add3A_141, %dma_wait3A_203] : memref<40x128xi32, #tpu.memory_space<vmem>> -> memref<1x128xi32, #tpu.memory_space<vmem>>
      %dma_wait3A_205 = tpu.memref_squeeze %dma_wait3A_204 : memref<1x128xi32, #tpu.memory_space<vmem>> -> memref<128xi32, #tpu.memory_space<vmem>>
      %dma_wait3A_206 = arith.constant 0 : i32
      %dma_wait3A_207 = arith.constant 0 : i32
      %dma_wait3A_208 = tpu.memref_slice %arg10[%dma_wait3A_206, %dma_wait3A_207] : memref<10240x128xf32, #tpu.memory_space<vmem_shared>> -> memref<10240x128xf32, #tpu.memory_space<vmem_shared>>
      tpu.wait_indirect_dma semaphore(%arg14 : memref<!tpu.dma_semaphore, #tpu.memory_space<semaphore_mem>>) src(%dma_wait3A_202 : memref<128x128xf32, #tpu.memory_space<vmem>>) dst(%dma_wait3A_208 : memref<10240x128xf32, #tpu.memory_space<vmem_shared>>)
      %dma_start3A_209 = arith.constant 1 : i32
      %dma_start3A_210 = arith.constant 0 : i32
      %dma_start3A_211 = arith.constant 0 : i32
      %dma_start3A_212 = tpu.memref_slice %arg9[%dma_start3A_209, %dma_start3A_210, %dma_start3A_211] : memref<2x128x128xf32, #tpu.memory_space<vmem>> -> memref<1x128x128xf32, #tpu.memory_space<vmem>>
      %dma_start3A_213 = tpu.memref_squeeze %dma_start3A_212 : memref<1x128x128xf32, #tpu.memory_space<vmem>> -> memref<128x128xf32, #tpu.memory_space<vmem>>
      %dma_start3A_214 = arith.constant 0 : i32
      %dma_start3A_215 = tpu.memref_slice %arg7[%add3A_197, %dma_start3A_214] : memref<40x128xi32, #tpu.memory_space<vmem>> -> memref<1x128xi32, #tpu.memory_space<vmem>>
      %dma_start3A_216 = tpu.memref_squeeze %dma_start3A_215 : memref<1x128xi32, #tpu.memory_space<vmem>> -> memref<128xi32, #tpu.memory_space<vmem>>
      %dma_start3A_217 = arith.constant 0 : i32
      %dma_start3A_218 = arith.constant 0 : i32
      %dma_start3A_219 = tpu.memref_slice %arg4[%dma_start3A_217, %dma_start3A_218] : memref<10240x128xf32, #tpu.memory_space<hbm>> -> memref<10240x128xf32, #tpu.memory_space<hbm>>
      tpu.enqueue_indirect_dma source(%dma_start3A_219 : memref<10240x128xf32, #tpu.memory_space<hbm>>) target(%dma_start3A_213 : memref<128x128xf32, #tpu.memory_space<vmem>>) offsets(%dma_start3A_216 : memref<128xi32, #tpu.memory_space<vmem>>) semaphore(%arg12 : memref<!tpu.dma_semaphore, #tpu.memory_space<semaphore_mem>>)
    }
    %scan3A_34 = arith.constant 19 : i32
    %dma_wait3A = arith.constant 38 : i32
    %dma_wait3A_35 = arith.constant 0 : i32
    %dma_wait3A_36 = arith.constant 0 : i32
    %dma_wait3A_37 = arith.constant 0 : i32
    %dma_wait3A_38 = tpu.memref_slice %arg9[%dma_wait3A_35, %dma_wait3A_36, %dma_wait3A_37] : memref<2x128x128xf32, #tpu.memory_space<vmem>> -> memref<1x128x128xf32, #tpu.memory_space<vmem>>
    %dma_wait3A_39 = tpu.memref_squeeze %dma_wait3A_38 : memref<1x128x128xf32, #tpu.memory_space<vmem>> -> memref<128x128xf32, #tpu.memory_space<vmem>>
    %dma_wait3A_40 = arith.constant 0 : i32
    %dma_wait3A_41 = tpu.memref_slice %arg7[%dma_wait3A, %dma_wait3A_40] : memref<40x128xi32, #tpu.memory_space<vmem>> -> memref<1x128xi32, #tpu.memory_space<vmem>>
    %dma_wait3A_42 = tpu.memref_squeeze %dma_wait3A_41 : memref<1x128xi32, #tpu.memory_space<vmem>> -> memref<128xi32, #tpu.memory_space<vmem>>
    %dma_wait3A_43 = arith.constant 0 : i32
    %dma_wait3A_44 = arith.constant 0 : i32
    %dma_wait3A_45 = tpu.memref_slice %arg4[%dma_wait3A_43, %dma_wait3A_44] : memref<10240x128xf32, #tpu.memory_space<hbm>> -> memref<10240x128xf32, #tpu.memory_space<hbm>>
    tpu.wait_indirect_dma semaphore(%arg11 : memref<!tpu.dma_semaphore, #tpu.memory_space<semaphore_mem>>) src(%dma_wait3A_45 : memref<10240x128xf32, #tpu.memory_space<hbm>>) dst(%dma_wait3A_39 : memref<128x128xf32, #tpu.memory_space<vmem>>)
    %dma_start3A_46 = arith.constant 0 : i32
    %dma_start3A_47 = arith.constant 38 : i32
    %dma_start3A_48 = arith.constant 0 : i32
    %dma_start3A_49 = arith.constant 0 : i32
    %dma_start3A_50 = tpu.memref_slice %arg9[%dma_start3A_46, %dma_start3A_48, %dma_start3A_49] : memref<2x128x128xf32, #tpu.memory_space<vmem>> -> memref<1x128x128xf32, #tpu.memory_space<vmem>>
    %dma_start3A_51 = tpu.memref_squeeze %dma_start3A_50 : memref<1x128x128xf32, #tpu.memory_space<vmem>> -> memref<128x128xf32, #tpu.memory_space<vmem>>
    %dma_start3A_52 = arith.constant 0 : i32
    %dma_start3A_53 = tpu.memref_slice %arg8[%dma_start3A_47, %dma_start3A_52] : memref<40x128xi32, #tpu.memory_space<vmem>> -> memref<1x128xi32, #tpu.memory_space<vmem>>
    %dma_start3A_54 = tpu.memref_squeeze %dma_start3A_53 : memref<1x128xi32, #tpu.memory_space<vmem>> -> memref<128xi32, #tpu.memory_space<vmem>>
    %dma_start3A_55 = arith.constant 0 : i32
    %dma_start3A_56 = arith.constant 0 : i32
    %dma_start3A_57 = tpu.memref_slice %arg10[%dma_start3A_55, %dma_start3A_56] : memref<10240x128xf32, #tpu.memory_space<vmem_shared>> -> memref<10240x128xf32, #tpu.memory_space<vmem_shared>>
    tpu.enqueue_indirect_dma source(%dma_start3A_51 : memref<128x128xf32, #tpu.memory_space<vmem>>) target(%dma_start3A_57 : memref<10240x128xf32, #tpu.memory_space<vmem_shared>>) offsets(%dma_start3A_54 : memref<128xi32, #tpu.memory_space<vmem>>) semaphore(%arg13 : memref<!tpu.dma_semaphore, #tpu.memory_space<semaphore_mem>>) {add = true}
    %dma_wait3A_58 = arith.constant 0 : i32
    %dma_wait3A_59 = arith.constant 38 : i32
    %dma_wait3A_60 = arith.constant 0 : i32
    %dma_wait3A_61 = arith.constant 0 : i32
    %dma_wait3A_62 = tpu.memref_slice %arg9[%dma_wait3A_58, %dma_wait3A_60, %dma_wait3A_61] : memref<2x128x128xf32, #tpu.memory_space<vmem>> -> memref<1x128x128xf32, #tpu.memory_space<vmem>>
    %dma_wait3A_63 = tpu.memref_squeeze %dma_wait3A_62 : memref<1x128x128xf32, #tpu.memory_space<vmem>> -> memref<128x128xf32, #tpu.memory_space<vmem>>
    %dma_wait3A_64 = arith.constant 0 : i32
    %dma_wait3A_65 = tpu.memref_slice %arg8[%dma_wait3A_59, %dma_wait3A_64] : memref<40x128xi32, #tpu.memory_space<vmem>> -> memref<1x128xi32, #tpu.memory_space<vmem>>
    %dma_wait3A_66 = tpu.memref_squeeze %dma_wait3A_65 : memref<1x128xi32, #tpu.memory_space<vmem>> -> memref<128xi32, #tpu.memory_space<vmem>>
    %dma_wait3A_67 = arith.constant 0 : i32
    %dma_wait3A_68 = arith.constant 0 : i32
    %dma_wait3A_69 = tpu.memref_slice %arg10[%dma_wait3A_67, %dma_wait3A_68] : memref<10240x128xf32, #tpu.memory_space<vmem_shared>> -> memref<10240x128xf32, #tpu.memory_space<vmem_shared>>
    tpu.wait_indirect_dma semaphore(%arg13 : memref<!tpu.dma_semaphore, #tpu.memory_space<semaphore_mem>>) src(%dma_wait3A_63 : memref<128x128xf32, #tpu.memory_space<vmem>>) dst(%dma_wait3A_69 : memref<10240x128xf32, #tpu.memory_space<vmem_shared>>)
    %dma_wait3A_70 = arith.constant 39 : i32
    %dma_wait3A_71 = arith.constant 1 : i32
    %dma_wait3A_72 = arith.constant 0 : i32
    %dma_wait3A_73 = arith.constant 0 : i32
    %dma_wait3A_74 = tpu.memref_slice %arg9[%dma_wait3A_71, %dma_wait3A_72, %dma_wait3A_73] : memref<2x128x128xf32, #tpu.memory_space<vmem>> -> memref<1x128x128xf32, #tpu.memory_space<vmem>>
    %dma_wait3A_75 = tpu.memref_squeeze %dma_wait3A_74 : memref<1x128x128xf32, #tpu.memory_space<vmem>> -> memref<128x128xf32, #tpu.memory_space<vmem>>
    %dma_wait3A_76 = arith.constant 0 : i32
    %dma_wait3A_77 = tpu.memref_slice %arg7[%dma_wait3A_70, %dma_wait3A_76] : memref<40x128xi32, #tpu.memory_space<vmem>> -> memref<1x128xi32, #tpu.memory_space<vmem>>
    %dma_wait3A_78 = tpu.memref_squeeze %dma_wait3A_77 : memref<1x128xi32, #tpu.memory_space<vmem>> -> memref<128xi32, #tpu.memory_space<vmem>>
    %dma_wait3A_79 = arith.constant 0 : i32
    %dma_wait3A_80 = arith.constant 0 : i32
    %dma_wait3A_81 = tpu.memref_slice %arg4[%dma_wait3A_79, %dma_wait3A_80] : memref<10240x128xf32, #tpu.memory_space<hbm>> -> memref<10240x128xf32, #tpu.memory_space<hbm>>
    tpu.wait_indirect_dma semaphore(%arg12 : memref<!tpu.dma_semaphore, #tpu.memory_space<semaphore_mem>>) src(%dma_wait3A_81 : memref<10240x128xf32, #tpu.memory_space<hbm>>) dst(%dma_wait3A_75 : memref<128x128xf32, #tpu.memory_space<vmem>>)
    %dma_start3A_82 = arith.constant 1 : i32
    %dma_start3A_83 = arith.constant 39 : i32
    %dma_start3A_84 = arith.constant 0 : i32
    %dma_start3A_85 = arith.constant 0 : i32
    %dma_start3A_86 = tpu.memref_slice %arg9[%dma_start3A_82, %dma_start3A_84, %dma_start3A_85] : memref<2x128x128xf32, #tpu.memory_space<vmem>> -> memref<1x128x128xf32, #tpu.memory_space<vmem>>
    %dma_start3A_87 = tpu.memref_squeeze %dma_start3A_86 : memref<1x128x128xf32, #tpu.memory_space<vmem>> -> memref<128x128xf32, #tpu.memory_space<vmem>>
    %dma_start3A_88 = arith.constant 0 : i32
    %dma_start3A_89 = tpu.memref_slice %arg8[%dma_start3A_83, %dma_start3A_88] : memref<40x128xi32, #tpu.memory_space<vmem>> -> memref<1x128xi32, #tpu.memory_space<vmem>>
    %dma_start3A_90 = tpu.memref_squeeze %dma_start3A_89 : memref<1x128xi32, #tpu.memory_space<vmem>> -> memref<128xi32, #tpu.memory_space<vmem>>
    %dma_start3A_91 = arith.constant 0 : i32
    %dma_start3A_92 = arith.constant 0 : i32
    %dma_start3A_93 = tpu.memref_slice %arg10[%dma_start3A_91, %dma_start3A_92] : memref<10240x128xf32, #tpu.memory_space<vmem_shared>> -> memref<10240x128xf32, #tpu.memory_space<vmem_shared>>
    tpu.enqueue_indirect_dma source(%dma_start3A_87 : memref<128x128xf32, #tpu.memory_space<vmem>>) target(%dma_start3A_93 : memref<10240x128xf32, #tpu.memory_space<vmem_shared>>) offsets(%dma_start3A_90 : memref<128xi32, #tpu.memory_space<vmem>>) semaphore(%arg14 : memref<!tpu.dma_semaphore, #tpu.memory_space<semaphore_mem>>) {add = true}
    %dma_wait3A_94 = arith.constant 1 : i32
    %dma_wait3A_95 = arith.constant 39 : i32
    %dma_wait3A_96 = arith.constant 0 : i32
    %dma_wait3A_97 = arith.constant 0 : i32
    %dma_wait3A_98 = tpu.memref_slice %arg9[%dma_wait3A_94, %dma_wait3A_96, %dma_wait3A_97] : memref<2x128x128xf32, #tpu.memory_space<vmem>> -> memref<1x128x128xf32, #tpu.memory_space<vmem>>
    %dma_wait3A_99 = tpu.memref_squeeze %dma_wait3A_98 : memref<1x128x128xf32, #tpu.memory_space<vmem>> -> memref<128x128xf32, #tpu.memory_space<vmem>>
    %dma_wait3A_100 = arith.constant 0 : i32
    %dma_wait3A_101 = tpu.memref_slice %arg8[%dma_wait3A_95, %dma_wait3A_100] : memref<40x128xi32, #tpu.memory_space<vmem>> -> memref<1x128xi32, #tpu.memory_space<vmem>>
    %dma_wait3A_102 = tpu.memref_squeeze %dma_wait3A_101 : memref<1x128xi32, #tpu.memory_space<vmem>> -> memref<128xi32, #tpu.memory_space<vmem>>
    %dma_wait3A_103 = arith.constant 0 : i32
    %dma_wait3A_104 = arith.constant 0 : i32
    %dma_wait3A_105 = tpu.memref_slice %arg10[%dma_wait3A_103, %dma_wait3A_104] : memref<10240x128xf32, #tpu.memory_space<vmem_shared>> -> memref<10240x128xf32, #tpu.memory_space<vmem_shared>>
    tpu.wait_indirect_dma semaphore(%arg14 : memref<!tpu.dma_semaphore, #tpu.memory_space<semaphore_mem>>) src(%dma_wait3A_99 : memref<128x128xf32, #tpu.memory_space<vmem>>) dst(%dma_wait3A_105 : memref<10240x128xf32, #tpu.memory_space<vmem_shared>>)
    %barrier3A_106 = arith.constant 0 : index
    tpu.barrier barrier_id(%barrier3A_106)
    %mul3A_107 = arith.constant 640 : i32
    %mul3A_108 = arith.muli %arg1, %mul3A_107 : i32
    %mul3A_109 = arith.constant 640 : i32
    %mul3A_110 = arith.muli %arg1, %mul3A_109 : i32
    "tpu.region"() ({
      %run_scoped3A = tpu.sem_alloc : memref<!tpu.dma_semaphore, #tpu.memory_space<semaphore_mem>>
      %dma_start3A_111 = arith.constant 0 : i32
      %dma_start3A_112 = tpu.memref_slice %arg6[%arg0, %mul3A_110, %dma_start3A_111] : memref<2x10240x128xf32, #tpu.memory_space<hbm>> -> memref<1x640x128xf32, #tpu.memory_space<hbm>>
      %dma_start3A_113 = tpu.memref_squeeze %dma_start3A_112 : memref<1x640x128xf32, #tpu.memory_space<hbm>> -> memref<640x128xf32, #tpu.memory_space<hbm>>
      %dma_start3A_114 = arith.constant 0 : i32
      %dma_start3A_115 = tpu.memref_slice %arg10[%mul3A_108, %dma_start3A_114] : memref<10240x128xf32, #tpu.memory_space<vmem_shared>> -> memref<640x128xf32, #tpu.memory_space<vmem_shared>>
      tpu.enqueue_dma source(%dma_start3A_115 : memref<640x128xf32, #tpu.memory_space<vmem_shared>>) target(%dma_start3A_113 : memref<640x128xf32, #tpu.memory_space<hbm>>) target_semaphore(%run_scoped3A : memref<!tpu.dma_semaphore, #tpu.memory_space<semaphore_mem>>)
      %dma_wait3A_116 = arith.constant 0 : i32
      %dma_wait3A_117 = tpu.memref_slice %arg6[%arg0, %mul3A_110, %dma_wait3A_116] : memref<2x10240x128xf32, #tpu.memory_space<hbm>> -> memref<1x640x128xf32, #tpu.memory_space<hbm>>
      %dma_wait3A_118 = tpu.memref_squeeze %dma_wait3A_117 : memref<1x640x128xf32, #tpu.memory_space<hbm>> -> memref<640x128xf32, #tpu.memory_space<hbm>>
      %dma_wait3A_119 = arith.constant 0 : i32
      %dma_wait3A_120 = tpu.memref_slice %arg10[%mul3A_108, %dma_wait3A_119] : memref<10240x128xf32, #tpu.memory_space<vmem_shared>> -> memref<640x128xf32, #tpu.memory_space<vmem_shared>>
      tpu.wait_dma2 semaphore(%run_scoped3A : memref<!tpu.dma_semaphore, #tpu.memory_space<semaphore_mem>>) src(%dma_wait3A_120 : memref<640x128xf32, #tpu.memory_space<vmem_shared>>) dst(%dma_wait3A_118 : memref<640x128xf32, #tpu.memory_space<hbm>>)
      tpu.yield
    }) : () -> ()
    return
  }
}

#map = affine_map<(d0, d1) -> (0, 0)>
#map1 = affine_map<(d0, d1) -> (0, 0, 0)>
module attributes {stable_mosaic.version = 14 : i64} {
  func.func @_agg_body(%arg0: i32, %arg1: i32, %arg2: memref<1280x128xi32, #tpu.memory_space<hbm>>, %arg3: memref<1280x128xi32, #tpu.memory_space<hbm>>, %arg4: memref<10240x128xf32, #tpu.memory_space<hbm>>, %arg5: memref<10240x128xf32, #tpu.memory_space<hbm>>, %arg6: memref<2x10240x128xf32, #tpu.memory_space<hbm>>, %arg7: memref<40x128xi32, #tpu.memory_space<vmem>>, %arg8: memref<40x128xi32, #tpu.memory_space<vmem>>, %arg9: memref<2x128x128xf32, #tpu.memory_space<vmem>>, %arg10: memref<10240x128xf32, #tpu.memory_space<vmem_shared>>, %arg11: memref<!tpu.dma_semaphore, #tpu.memory_space<semaphore_mem>>, %arg12: memref<!tpu.dma_semaphore, #tpu.memory_space<semaphore_mem>>, %arg13: memref<!tpu.dma_semaphore, #tpu.memory_space<semaphore_mem>>, %arg14: memref<!tpu.dma_semaphore, #tpu.memory_space<semaphore_mem>>) attributes {dimension_semantics = [#tpu.dimension_semantics<core_parallel>, #tpu.dimension_semantics<subcore_parallel>], iteration_bounds = array<i64: 2, 16>, scalar_prefetch = 0 : i64, scratch_operands = 8 : i64, tpu.core_type = #tpu.core_type<sc_vector_subcore>, window_params = [{transform_indices = #map}, {transform_indices = #map}, {transform_indices = #map}, {transform_indices = #map}, {transform_indices = #map1}]} {
    %mul3A = arith.constant 16 : i32
    %mul3A_0 = arith.muli %arg0, %mul3A : i32
    %add3A = arith.addi %mul3A_0, %arg1 : i32
    %mul3A_1 = arith.constant 40 : i32
    %mul3A_2 = arith.muli %add3A, %mul3A_1 : i32
    %mul3A_3 = arith.constant 640 : i32
    %mul3A_4 = arith.muli %arg1, %mul3A_3 : i32
    %mul3A_5 = arith.constant 640 : i32
    %mul3A_6 = arith.muli %arg1, %mul3A_5 : i32
    "tpu.region"() ({
      %run_scoped3A = tpu.sem_alloc : memref<!tpu.dma_semaphore, #tpu.memory_space<semaphore_mem>>
      %dma_start3A_111 = arith.constant 0 : i32
      %dma_start3A_112 = tpu.memref_slice %arg10[%mul3A_6, %dma_start3A_111] : memref<10240x128xf32, #tpu.memory_space<vmem_shared>> -> memref<640x128xf32, #tpu.memory_space<vmem_shared>>
      %dma_start3A_113 = arith.constant 0 : i32
      %dma_start3A_114 = tpu.memref_slice %arg5[%mul3A_4, %dma_start3A_113] : memref<10240x128xf32, #tpu.memory_space<hbm>> -> memref<640x128xf32, #tpu.memory_space<hbm>>
      tpu.enqueue_dma source(%dma_start3A_114 : memref<640x128xf32, #tpu.memory_space<hbm>>) target(%dma_start3A_112 : memref<640x128xf32, #tpu.memory_space<vmem_shared>>) target_semaphore(%run_scoped3A : memref<!tpu.dma_semaphore, #tpu.memory_space<semaphore_mem>>)
      %dma_wait3A_115 = arith.constant 0 : i32
      %dma_wait3A_116 = tpu.memref_slice %arg10[%mul3A_6, %dma_wait3A_115] : memref<10240x128xf32, #tpu.memory_space<vmem_shared>> -> memref<640x128xf32, #tpu.memory_space<vmem_shared>>
      %dma_wait3A_117 = arith.constant 0 : i32
      %dma_wait3A_118 = tpu.memref_slice %arg5[%mul3A_4, %dma_wait3A_117] : memref<10240x128xf32, #tpu.memory_space<hbm>> -> memref<640x128xf32, #tpu.memory_space<hbm>>
      tpu.wait_dma2 semaphore(%run_scoped3A : memref<!tpu.dma_semaphore, #tpu.memory_space<semaphore_mem>>) src(%dma_wait3A_118 : memref<640x128xf32, #tpu.memory_space<hbm>>) dst(%dma_wait3A_116 : memref<640x128xf32, #tpu.memory_space<vmem_shared>>)
      tpu.yield
    }) : () -> ()
    "tpu.region"() ({
      %run_scoped3A = tpu.sem_alloc : memref<!tpu.dma_semaphore, #tpu.memory_space<semaphore_mem>>
      %dma_start3A_111 = arith.constant 0 : i32
      %dma_start3A_112 = tpu.memref_slice %arg2[%mul3A_2, %dma_start3A_111] : memref<1280x128xi32, #tpu.memory_space<hbm>> -> memref<40x128xi32, #tpu.memory_space<hbm>>
      %dma_start3A_113 = arith.constant 0 : i32
      %dma_start3A_114 = tpu.memref_slice %arg2[%mul3A_2, %dma_start3A_113] : memref<1280x128xi32, #tpu.memory_space<hbm>> -> memref<40x128xi32, #tpu.memory_space<hbm>>
      tpu.enqueue_dma source(%dma_start3A_114 : memref<40x128xi32, #tpu.memory_space<hbm>>) target(%arg7 : memref<40x128xi32, #tpu.memory_space<vmem>>) target_semaphore(%run_scoped3A : memref<!tpu.dma_semaphore, #tpu.memory_space<semaphore_mem>>)
      %dma_wait3A_115 = arith.constant 0 : i32
      %dma_wait3A_116 = tpu.memref_slice %arg2[%mul3A_2, %dma_wait3A_115] : memref<1280x128xi32, #tpu.memory_space<hbm>> -> memref<40x128xi32, #tpu.memory_space<hbm>>
      %dma_wait3A_117 = arith.constant 0 : i32
      %dma_wait3A_118 = tpu.memref_slice %arg2[%mul3A_2, %dma_wait3A_117] : memref<1280x128xi32, #tpu.memory_space<hbm>> -> memref<40x128xi32, #tpu.memory_space<hbm>>
      tpu.wait_dma2 semaphore(%run_scoped3A : memref<!tpu.dma_semaphore, #tpu.memory_space<semaphore_mem>>) src(%dma_wait3A_118 : memref<40x128xi32, #tpu.memory_space<hbm>>) dst(%arg7 : memref<40x128xi32, #tpu.memory_space<vmem>>)
      tpu.yield
    }) : () -> ()
    "tpu.region"() ({
      %run_scoped3A = tpu.sem_alloc : memref<!tpu.dma_semaphore, #tpu.memory_space<semaphore_mem>>
      %dma_start3A_111 = arith.constant 0 : i32
      %dma_start3A_112 = tpu.memref_slice %arg3[%mul3A_2, %dma_start3A_111] : memref<1280x128xi32, #tpu.memory_space<hbm>> -> memref<40x128xi32, #tpu.memory_space<hbm>>
      %dma_start3A_113 = arith.constant 0 : i32
      %dma_start3A_114 = tpu.memref_slice %arg3[%mul3A_2, %dma_start3A_113] : memref<1280x128xi32, #tpu.memory_space<hbm>> -> memref<40x128xi32, #tpu.memory_space<hbm>>
      tpu.enqueue_dma source(%dma_start3A_114 : memref<40x128xi32, #tpu.memory_space<hbm>>) target(%arg8 : memref<40x128xi32, #tpu.memory_space<vmem>>) target_semaphore(%run_scoped3A : memref<!tpu.dma_semaphore, #tpu.memory_space<semaphore_mem>>)
      %dma_wait3A_115 = arith.constant 0 : i32
      %dma_wait3A_116 = tpu.memref_slice %arg3[%mul3A_2, %dma_wait3A_115] : memref<1280x128xi32, #tpu.memory_space<hbm>> -> memref<40x128xi32, #tpu.memory_space<hbm>>
      %dma_wait3A_117 = arith.constant 0 : i32
      %dma_wait3A_118 = tpu.memref_slice %arg3[%mul3A_2, %dma_wait3A_117] : memref<1280x128xi32, #tpu.memory_space<hbm>> -> memref<40x128xi32, #tpu.memory_space<hbm>>
      tpu.wait_dma2 semaphore(%run_scoped3A : memref<!tpu.dma_semaphore, #tpu.memory_space<semaphore_mem>>) src(%dma_wait3A_118 : memref<40x128xi32, #tpu.memory_space<hbm>>) dst(%arg8 : memref<40x128xi32, #tpu.memory_space<vmem>>)
      tpu.yield
    }) : () -> ()
    %barrier3A = arith.constant 0 : index
    tpu.barrier barrier_id(%barrier3A)
    %dma_start3A = arith.constant 0 : i32
    %dma_start3A_7 = arith.constant 0 : i32
    %dma_start3A_8 = arith.constant 0 : i32
    %dma_start3A_9 = arith.constant 0 : i32
    %dma_start3A_10 = tpu.memref_slice %arg9[%dma_start3A_7, %dma_start3A_8, %dma_start3A_9] : memref<2x128x128xf32, #tpu.memory_space<vmem>> -> memref<1x128x128xf32, #tpu.memory_space<vmem>>
    %dma_start3A_11 = tpu.memref_squeeze %dma_start3A_10 : memref<1x128x128xf32, #tpu.memory_space<vmem>> -> memref<128x128xf32, #tpu.memory_space<vmem>>
    %dma_start3A_12 = arith.constant 0 : i32
    %dma_start3A_13 = tpu.memref_slice %arg7[%dma_start3A, %dma_start3A_12] : memref<40x128xi32, #tpu.memory_space<vmem>> -> memref<1x128xi32, #tpu.memory_space<vmem>>
    %dma_start3A_14 = tpu.memref_squeeze %dma_start3A_13 : memref<1x128xi32, #tpu.memory_space<vmem>> -> memref<128xi32, #tpu.memory_space<vmem>>
    %dma_start3A_15 = arith.constant 0 : i32
    %dma_start3A_16 = arith.constant 0 : i32
    %dma_start3A_17 = tpu.memref_slice %arg4[%dma_start3A_15, %dma_start3A_16] : memref<10240x128xf32, #tpu.memory_space<hbm>> -> memref<10240x128xf32, #tpu.memory_space<hbm>>
    tpu.enqueue_indirect_dma source(%dma_start3A_17 : memref<10240x128xf32, #tpu.memory_space<hbm>>) target(%dma_start3A_11 : memref<128x128xf32, #tpu.memory_space<vmem>>) offsets(%dma_start3A_14 : memref<128xi32, #tpu.memory_space<vmem>>) semaphore(%arg11 : memref<!tpu.dma_semaphore, #tpu.memory_space<semaphore_mem>>)
    %dma_start3A_18 = arith.constant 1 : i32
    %dma_start3A_19 = arith.constant 1 : i32
    %dma_start3A_20 = arith.constant 0 : i32
    %dma_start3A_21 = arith.constant 0 : i32
    %dma_start3A_22 = tpu.memref_slice %arg9[%dma_start3A_19, %dma_start3A_20, %dma_start3A_21] : memref<2x128x128xf32, #tpu.memory_space<vmem>> -> memref<1x128x128xf32, #tpu.memory_space<vmem>>
    %dma_start3A_23 = tpu.memref_squeeze %dma_start3A_22 : memref<1x128x128xf32, #tpu.memory_space<vmem>> -> memref<128x128xf32, #tpu.memory_space<vmem>>
    %dma_start3A_24 = arith.constant 0 : i32
    %dma_start3A_25 = tpu.memref_slice %arg7[%dma_start3A_18, %dma_start3A_24] : memref<40x128xi32, #tpu.memory_space<vmem>> -> memref<1x128xi32, #tpu.memory_space<vmem>>
    %dma_start3A_26 = tpu.memref_squeeze %dma_start3A_25 : memref<1x128xi32, #tpu.memory_space<vmem>> -> memref<128xi32, #tpu.memory_space<vmem>>
    %dma_start3A_27 = arith.constant 0 : i32
    %dma_start3A_28 = arith.constant 0 : i32
    %dma_start3A_29 = tpu.memref_slice %arg4[%dma_start3A_27, %dma_start3A_28] : memref<10240x128xf32, #tpu.memory_space<hbm>> -> memref<10240x128xf32, #tpu.memory_space<hbm>>
    tpu.enqueue_indirect_dma source(%dma_start3A_29 : memref<10240x128xf32, #tpu.memory_space<hbm>>) target(%dma_start3A_23 : memref<128x128xf32, #tpu.memory_space<vmem>>) offsets(%dma_start3A_26 : memref<128xi32, #tpu.memory_space<vmem>>) semaphore(%arg12 : memref<!tpu.dma_semaphore, #tpu.memory_space<semaphore_mem>>)
    %scan3A = arith.constant 0 : i32
    %scan3A_30 = arith.constant 0 : i32
    %scan3A_31 = arith.constant 19 : i32
    %scan3A_32 = arith.addi %scan3A_30, %scan3A_31 : i32
    %scan3A_33 = arith.constant 1 : i32
    scf.for %scan3A_111 = %scan3A_30 to %scan3A_32 step %scan3A_33  : i32 {
      %mul3A_112 = arith.constant 2 : i32
      %mul3A_113 = arith.muli %scan3A_111, %mul3A_112 : i32
      %add3A_114 = arith.constant 0 : i32
      %add3A_115 = arith.addi %mul3A_113, %add3A_114 : i32
      %dma_wait3A_116 = arith.constant 0 : i32
      %dma_wait3A_117 = arith.constant 0 : i32
      %dma_wait3A_118 = arith.constant 0 : i32
      %dma_wait3A_119 = tpu.memref_slice %arg9[%dma_wait3A_116, %dma_wait3A_117, %dma_wait3A_118] : memref<2x128x128xf32, #tpu.memory_space<vmem>> -> memref<1x128x128xf32, #tpu.memory_space<vmem>>
      %dma_wait3A_120 = tpu.memref_squeeze %dma_wait3A_119 : memref<1x128x128xf32, #tpu.memory_space<vmem>> -> memref<128x128xf32, #tpu.memory_space<vmem>>
      %dma_wait3A_121 = arith.constant 0 : i32
      %dma_wait3A_122 = tpu.memref_slice %arg7[%add3A_115, %dma_wait3A_121] : memref<40x128xi32, #tpu.memory_space<vmem>> -> memref<1x128xi32, #tpu.memory_space<vmem>>
      %dma_wait3A_123 = tpu.memref_squeeze %dma_wait3A_122 : memref<1x128xi32, #tpu.memory_space<vmem>> -> memref<128xi32, #tpu.memory_space<vmem>>
      %dma_wait3A_124 = arith.constant 0 : i32
      %dma_wait3A_125 = arith.constant 0 : i32
      %dma_wait3A_126 = tpu.memref_slice %arg4[%dma_wait3A_124, %dma_wait3A_125] : memref<10240x128xf32, #tpu.memory_space<hbm>> -> memref<10240x128xf32, #tpu.memory_space<hbm>>
      tpu.wait_indirect_dma semaphore(%arg11 : memref<!tpu.dma_semaphore, #tpu.memory_space<semaphore_mem>>) src(%dma_wait3A_126 : memref<10240x128xf32, #tpu.memory_space<hbm>>) dst(%dma_wait3A_120 : memref<128x128xf32, #tpu.memory_space<vmem>>)
      %dma_start3A_127 = arith.constant 0 : i32
      %dma_start3A_128 = arith.constant 0 : i32
      %dma_start3A_129 = arith.constant 0 : i32
      %dma_start3A_130 = tpu.memref_slice %arg9[%dma_start3A_127, %dma_start3A_128, %dma_start3A_129] : memref<2x128x128xf32, #tpu.memory_space<vmem>> -> memref<1x128x128xf32, #tpu.memory_space<vmem>>
      %dma_start3A_131 = tpu.memref_squeeze %dma_start3A_130 : memref<1x128x128xf32, #tpu.memory_space<vmem>> -> memref<128x128xf32, #tpu.memory_space<vmem>>
      %dma_start3A_132 = arith.constant 0 : i32
      %dma_start3A_133 = tpu.memref_slice %arg8[%add3A_115, %dma_start3A_132] : memref<40x128xi32, #tpu.memory_space<vmem>> -> memref<1x128xi32, #tpu.memory_space<vmem>>
      %dma_start3A_134 = tpu.memref_squeeze %dma_start3A_133 : memref<1x128xi32, #tpu.memory_space<vmem>> -> memref<128xi32, #tpu.memory_space<vmem>>
      %dma_start3A_135 = arith.constant 0 : i32
      %dma_start3A_136 = arith.constant 0 : i32
      %dma_start3A_137 = tpu.memref_slice %arg10[%dma_start3A_135, %dma_start3A_136] : memref<10240x128xf32, #tpu.memory_space<vmem_shared>> -> memref<10240x128xf32, #tpu.memory_space<vmem_shared>>
      tpu.enqueue_indirect_dma source(%dma_start3A_131 : memref<128x128xf32, #tpu.memory_space<vmem>>) target(%dma_start3A_137 : memref<10240x128xf32, #tpu.memory_space<vmem_shared>>) offsets(%dma_start3A_134 : memref<128xi32, #tpu.memory_space<vmem>>) semaphore(%arg13 : memref<!tpu.dma_semaphore, #tpu.memory_space<semaphore_mem>>) {add = true}
      %mul3A_138 = arith.constant 2 : i32
      %mul3A_139 = arith.muli %scan3A_111, %mul3A_138 : i32
      %add3A_140 = arith.constant 1 : i32
      %add3A_141 = arith.addi %mul3A_139, %add3A_140 : i32
      %dma_wait3A_142 = arith.constant 1 : i32
      %dma_wait3A_143 = arith.constant 0 : i32
      %dma_wait3A_144 = arith.constant 0 : i32
      %dma_wait3A_145 = tpu.memref_slice %arg9[%dma_wait3A_142, %dma_wait3A_143, %dma_wait3A_144] : memref<2x128x128xf32, #tpu.memory_space<vmem>> -> memref<1x128x128xf32, #tpu.memory_space<vmem>>
      %dma_wait3A_146 = tpu.memref_squeeze %dma_wait3A_145 : memref<1x128x128xf32, #tpu.memory_space<vmem>> -> memref<128x128xf32, #tpu.memory_space<vmem>>
      %dma_wait3A_147 = arith.constant 0 : i32
      %dma_wait3A_148 = tpu.memref_slice %arg7[%add3A_141, %dma_wait3A_147] : memref<40x128xi32, #tpu.memory_space<vmem>> -> memref<1x128xi32, #tpu.memory_space<vmem>>
      %dma_wait3A_149 = tpu.memref_squeeze %dma_wait3A_148 : memref<1x128xi32, #tpu.memory_space<vmem>> -> memref<128xi32, #tpu.memory_space<vmem>>
      %dma_wait3A_150 = arith.constant 0 : i32
      %dma_wait3A_151 = arith.constant 0 : i32
      %dma_wait3A_152 = tpu.memref_slice %arg4[%dma_wait3A_150, %dma_wait3A_151] : memref<10240x128xf32, #tpu.memory_space<hbm>> -> memref<10240x128xf32, #tpu.memory_space<hbm>>
      tpu.wait_indirect_dma semaphore(%arg12 : memref<!tpu.dma_semaphore, #tpu.memory_space<semaphore_mem>>) src(%dma_wait3A_152 : memref<10240x128xf32, #tpu.memory_space<hbm>>) dst(%dma_wait3A_146 : memref<128x128xf32, #tpu.memory_space<vmem>>)
      %dma_start3A_153 = arith.constant 1 : i32
      %dma_start3A_154 = arith.constant 0 : i32
      %dma_start3A_155 = arith.constant 0 : i32
      %dma_start3A_156 = tpu.memref_slice %arg9[%dma_start3A_153, %dma_start3A_154, %dma_start3A_155] : memref<2x128x128xf32, #tpu.memory_space<vmem>> -> memref<1x128x128xf32, #tpu.memory_space<vmem>>
      %dma_start3A_157 = tpu.memref_squeeze %dma_start3A_156 : memref<1x128x128xf32, #tpu.memory_space<vmem>> -> memref<128x128xf32, #tpu.memory_space<vmem>>
      %dma_start3A_158 = arith.constant 0 : i32
      %dma_start3A_159 = tpu.memref_slice %arg8[%add3A_141, %dma_start3A_158] : memref<40x128xi32, #tpu.memory_space<vmem>> -> memref<1x128xi32, #tpu.memory_space<vmem>>
      %dma_start3A_160 = tpu.memref_squeeze %dma_start3A_159 : memref<1x128xi32, #tpu.memory_space<vmem>> -> memref<128xi32, #tpu.memory_space<vmem>>
      %dma_start3A_161 = arith.constant 0 : i32
      %dma_start3A_162 = arith.constant 0 : i32
      %dma_start3A_163 = tpu.memref_slice %arg10[%dma_start3A_161, %dma_start3A_162] : memref<10240x128xf32, #tpu.memory_space<vmem_shared>> -> memref<10240x128xf32, #tpu.memory_space<vmem_shared>>
      tpu.enqueue_indirect_dma source(%dma_start3A_157 : memref<128x128xf32, #tpu.memory_space<vmem>>) target(%dma_start3A_163 : memref<10240x128xf32, #tpu.memory_space<vmem_shared>>) offsets(%dma_start3A_160 : memref<128xi32, #tpu.memory_space<vmem>>) semaphore(%arg14 : memref<!tpu.dma_semaphore, #tpu.memory_space<semaphore_mem>>) {add = true}
      %add3A_164 = arith.constant 1 : i32
      %add3A_165 = arith.addi %scan3A_111, %add3A_164 : i32
      %mul3A_166 = arith.constant 2 : i32
      %mul3A_167 = arith.muli %add3A_165, %mul3A_166 : i32
      %add3A_168 = arith.constant 0 : i32
      %add3A_169 = arith.addi %mul3A_167, %add3A_168 : i32
      %dma_wait3A_170 = arith.constant 0 : i32
      %dma_wait3A_171 = arith.constant 0 : i32
      %dma_wait3A_172 = arith.constant 0 : i32
      %dma_wait3A_173 = tpu.memref_slice %arg9[%dma_wait3A_170, %dma_wait3A_171, %dma_wait3A_172] : memref<2x128x128xf32, #tpu.memory_space<vmem>> -> memref<1x128x128xf32, #tpu.memory_space<vmem>>
      %dma_wait3A_174 = tpu.memref_squeeze %dma_wait3A_173 : memref<1x128x128xf32, #tpu.memory_space<vmem>> -> memref<128x128xf32, #tpu.memory_space<vmem>>
      %dma_wait3A_175 = arith.constant 0 : i32
      %dma_wait3A_176 = tpu.memref_slice %arg8[%add3A_115, %dma_wait3A_175] : memref<40x128xi32, #tpu.memory_space<vmem>> -> memref<1x128xi32, #tpu.memory_space<vmem>>
      %dma_wait3A_177 = tpu.memref_squeeze %dma_wait3A_176 : memref<1x128xi32, #tpu.memory_space<vmem>> -> memref<128xi32, #tpu.memory_space<vmem>>
      %dma_wait3A_178 = arith.constant 0 : i32
      %dma_wait3A_179 = arith.constant 0 : i32
      %dma_wait3A_180 = tpu.memref_slice %arg10[%dma_wait3A_178, %dma_wait3A_179] : memref<10240x128xf32, #tpu.memory_space<vmem_shared>> -> memref<10240x128xf32, #tpu.memory_space<vmem_shared>>
      tpu.wait_indirect_dma semaphore(%arg13 : memref<!tpu.dma_semaphore, #tpu.memory_space<semaphore_mem>>) src(%dma_wait3A_174 : memref<128x128xf32, #tpu.memory_space<vmem>>) dst(%dma_wait3A_180 : memref<10240x128xf32, #tpu.memory_space<vmem_shared>>)
      %dma_start3A_181 = arith.constant 0 : i32
      %dma_start3A_182 = arith.constant 0 : i32
      %dma_start3A_183 = arith.constant 0 : i32
      %dma_start3A_184 = tpu.memref_slice %arg9[%dma_start3A_181, %dma_start3A_182, %dma_start3A_183] : memref<2x128x128xf32, #tpu.memory_space<vmem>> -> memref<1x128x128xf32, #tpu.memory_space<vmem>>
      %dma_start3A_185 = tpu.memref_squeeze %dma_start3A_184 : memref<1x128x128xf32, #tpu.memory_space<vmem>> -> memref<128x128xf32, #tpu.memory_space<vmem>>
      %dma_start3A_186 = arith.constant 0 : i32
      %dma_start3A_187 = tpu.memref_slice %arg7[%add3A_169, %dma_start3A_186] : memref<40x128xi32, #tpu.memory_space<vmem>> -> memref<1x128xi32, #tpu.memory_space<vmem>>
      %dma_start3A_188 = tpu.memref_squeeze %dma_start3A_187 : memref<1x128xi32, #tpu.memory_space<vmem>> -> memref<128xi32, #tpu.memory_space<vmem>>
      %dma_start3A_189 = arith.constant 0 : i32
      %dma_start3A_190 = arith.constant 0 : i32
      %dma_start3A_191 = tpu.memref_slice %arg4[%dma_start3A_189, %dma_start3A_190] : memref<10240x128xf32, #tpu.memory_space<hbm>> -> memref<10240x128xf32, #tpu.memory_space<hbm>>
      tpu.enqueue_indirect_dma source(%dma_start3A_191 : memref<10240x128xf32, #tpu.memory_space<hbm>>) target(%dma_start3A_185 : memref<128x128xf32, #tpu.memory_space<vmem>>) offsets(%dma_start3A_188 : memref<128xi32, #tpu.memory_space<vmem>>) semaphore(%arg11 : memref<!tpu.dma_semaphore, #tpu.memory_space<semaphore_mem>>)
      %add3A_192 = arith.constant 1 : i32
      %add3A_193 = arith.addi %scan3A_111, %add3A_192 : i32
      %mul3A_194 = arith.constant 2 : i32
      %mul3A_195 = arith.muli %add3A_193, %mul3A_194 : i32
      %add3A_196 = arith.constant 1 : i32
      %add3A_197 = arith.addi %mul3A_195, %add3A_196 : i32
      %dma_wait3A_198 = arith.constant 1 : i32
      %dma_wait3A_199 = arith.constant 0 : i32
      %dma_wait3A_200 = arith.constant 0 : i32
      %dma_wait3A_201 = tpu.memref_slice %arg9[%dma_wait3A_198, %dma_wait3A_199, %dma_wait3A_200] : memref<2x128x128xf32, #tpu.memory_space<vmem>> -> memref<1x128x128xf32, #tpu.memory_space<vmem>>
      %dma_wait3A_202 = tpu.memref_squeeze %dma_wait3A_201 : memref<1x128x128xf32, #tpu.memory_space<vmem>> -> memref<128x128xf32, #tpu.memory_space<vmem>>
      %dma_wait3A_203 = arith.constant 0 : i32
      %dma_wait3A_204 = tpu.memref_slice %arg8[%add3A_141, %dma_wait3A_203] : memref<40x128xi32, #tpu.memory_space<vmem>> -> memref<1x128xi32, #tpu.memory_space<vmem>>
      %dma_wait3A_205 = tpu.memref_squeeze %dma_wait3A_204 : memref<1x128xi32, #tpu.memory_space<vmem>> -> memref<128xi32, #tpu.memory_space<vmem>>
      %dma_wait3A_206 = arith.constant 0 : i32
      %dma_wait3A_207 = arith.constant 0 : i32
      %dma_wait3A_208 = tpu.memref_slice %arg10[%dma_wait3A_206, %dma_wait3A_207] : memref<10240x128xf32, #tpu.memory_space<vmem_shared>> -> memref<10240x128xf32, #tpu.memory_space<vmem_shared>>
      tpu.wait_indirect_dma semaphore(%arg14 : memref<!tpu.dma_semaphore, #tpu.memory_space<semaphore_mem>>) src(%dma_wait3A_202 : memref<128x128xf32, #tpu.memory_space<vmem>>) dst(%dma_wait3A_208 : memref<10240x128xf32, #tpu.memory_space<vmem_shared>>)
      %dma_start3A_209 = arith.constant 1 : i32
      %dma_start3A_210 = arith.constant 0 : i32
      %dma_start3A_211 = arith.constant 0 : i32
      %dma_start3A_212 = tpu.memref_slice %arg9[%dma_start3A_209, %dma_start3A_210, %dma_start3A_211] : memref<2x128x128xf32, #tpu.memory_space<vmem>> -> memref<1x128x128xf32, #tpu.memory_space<vmem>>
      %dma_start3A_213 = tpu.memref_squeeze %dma_start3A_212 : memref<1x128x128xf32, #tpu.memory_space<vmem>> -> memref<128x128xf32, #tpu.memory_space<vmem>>
      %dma_start3A_214 = arith.constant 0 : i32
      %dma_start3A_215 = tpu.memref_slice %arg7[%add3A_197, %dma_start3A_214] : memref<40x128xi32, #tpu.memory_space<vmem>> -> memref<1x128xi32, #tpu.memory_space<vmem>>
      %dma_start3A_216 = tpu.memref_squeeze %dma_start3A_215 : memref<1x128xi32, #tpu.memory_space<vmem>> -> memref<128xi32, #tpu.memory_space<vmem>>
      %dma_start3A_217 = arith.constant 0 : i32
      %dma_start3A_218 = arith.constant 0 : i32
      %dma_start3A_219 = tpu.memref_slice %arg4[%dma_start3A_217, %dma_start3A_218] : memref<10240x128xf32, #tpu.memory_space<hbm>> -> memref<10240x128xf32, #tpu.memory_space<hbm>>
      tpu.enqueue_indirect_dma source(%dma_start3A_219 : memref<10240x128xf32, #tpu.memory_space<hbm>>) target(%dma_start3A_213 : memref<128x128xf32, #tpu.memory_space<vmem>>) offsets(%dma_start3A_216 : memref<128xi32, #tpu.memory_space<vmem>>) semaphore(%arg12 : memref<!tpu.dma_semaphore, #tpu.memory_space<semaphore_mem>>)
    }
    %scan3A_34 = arith.constant 19 : i32
    %dma_wait3A = arith.constant 38 : i32
    %dma_wait3A_35 = arith.constant 0 : i32
    %dma_wait3A_36 = arith.constant 0 : i32
    %dma_wait3A_37 = arith.constant 0 : i32
    %dma_wait3A_38 = tpu.memref_slice %arg9[%dma_wait3A_35, %dma_wait3A_36, %dma_wait3A_37] : memref<2x128x128xf32, #tpu.memory_space<vmem>> -> memref<1x128x128xf32, #tpu.memory_space<vmem>>
    %dma_wait3A_39 = tpu.memref_squeeze %dma_wait3A_38 : memref<1x128x128xf32, #tpu.memory_space<vmem>> -> memref<128x128xf32, #tpu.memory_space<vmem>>
    %dma_wait3A_40 = arith.constant 0 : i32
    %dma_wait3A_41 = tpu.memref_slice %arg7[%dma_wait3A, %dma_wait3A_40] : memref<40x128xi32, #tpu.memory_space<vmem>> -> memref<1x128xi32, #tpu.memory_space<vmem>>
    %dma_wait3A_42 = tpu.memref_squeeze %dma_wait3A_41 : memref<1x128xi32, #tpu.memory_space<vmem>> -> memref<128xi32, #tpu.memory_space<vmem>>
    %dma_wait3A_43 = arith.constant 0 : i32
    %dma_wait3A_44 = arith.constant 0 : i32
    %dma_wait3A_45 = tpu.memref_slice %arg4[%dma_wait3A_43, %dma_wait3A_44] : memref<10240x128xf32, #tpu.memory_space<hbm>> -> memref<10240x128xf32, #tpu.memory_space<hbm>>
    tpu.wait_indirect_dma semaphore(%arg11 : memref<!tpu.dma_semaphore, #tpu.memory_space<semaphore_mem>>) src(%dma_wait3A_45 : memref<10240x128xf32, #tpu.memory_space<hbm>>) dst(%dma_wait3A_39 : memref<128x128xf32, #tpu.memory_space<vmem>>)
    %dma_start3A_46 = arith.constant 0 : i32
    %dma_start3A_47 = arith.constant 38 : i32
    %dma_start3A_48 = arith.constant 0 : i32
    %dma_start3A_49 = arith.constant 0 : i32
    %dma_start3A_50 = tpu.memref_slice %arg9[%dma_start3A_46, %dma_start3A_48, %dma_start3A_49] : memref<2x128x128xf32, #tpu.memory_space<vmem>> -> memref<1x128x128xf32, #tpu.memory_space<vmem>>
    %dma_start3A_51 = tpu.memref_squeeze %dma_start3A_50 : memref<1x128x128xf32, #tpu.memory_space<vmem>> -> memref<128x128xf32, #tpu.memory_space<vmem>>
    %dma_start3A_52 = arith.constant 0 : i32
    %dma_start3A_53 = tpu.memref_slice %arg8[%dma_start3A_47, %dma_start3A_52] : memref<40x128xi32, #tpu.memory_space<vmem>> -> memref<1x128xi32, #tpu.memory_space<vmem>>
    %dma_start3A_54 = tpu.memref_squeeze %dma_start3A_53 : memref<1x128xi32, #tpu.memory_space<vmem>> -> memref<128xi32, #tpu.memory_space<vmem>>
    %dma_start3A_55 = arith.constant 0 : i32
    %dma_start3A_56 = arith.constant 0 : i32
    %dma_start3A_57 = tpu.memref_slice %arg10[%dma_start3A_55, %dma_start3A_56] : memref<10240x128xf32, #tpu.memory_space<vmem_shared>> -> memref<10240x128xf32, #tpu.memory_space<vmem_shared>>
    tpu.enqueue_indirect_dma source(%dma_start3A_51 : memref<128x128xf32, #tpu.memory_space<vmem>>) target(%dma_start3A_57 : memref<10240x128xf32, #tpu.memory_space<vmem_shared>>) offsets(%dma_start3A_54 : memref<128xi32, #tpu.memory_space<vmem>>) semaphore(%arg13 : memref<!tpu.dma_semaphore, #tpu.memory_space<semaphore_mem>>) {add = true}
    %dma_wait3A_58 = arith.constant 0 : i32
    %dma_wait3A_59 = arith.constant 38 : i32
    %dma_wait3A_60 = arith.constant 0 : i32
    %dma_wait3A_61 = arith.constant 0 : i32
    %dma_wait3A_62 = tpu.memref_slice %arg9[%dma_wait3A_58, %dma_wait3A_60, %dma_wait3A_61] : memref<2x128x128xf32, #tpu.memory_space<vmem>> -> memref<1x128x128xf32, #tpu.memory_space<vmem>>
    %dma_wait3A_63 = tpu.memref_squeeze %dma_wait3A_62 : memref<1x128x128xf32, #tpu.memory_space<vmem>> -> memref<128x128xf32, #tpu.memory_space<vmem>>
    %dma_wait3A_64 = arith.constant 0 : i32
    %dma_wait3A_65 = tpu.memref_slice %arg8[%dma_wait3A_59, %dma_wait3A_64] : memref<40x128xi32, #tpu.memory_space<vmem>> -> memref<1x128xi32, #tpu.memory_space<vmem>>
    %dma_wait3A_66 = tpu.memref_squeeze %dma_wait3A_65 : memref<1x128xi32, #tpu.memory_space<vmem>> -> memref<128xi32, #tpu.memory_space<vmem>>
    %dma_wait3A_67 = arith.constant 0 : i32
    %dma_wait3A_68 = arith.constant 0 : i32
    %dma_wait3A_69 = tpu.memref_slice %arg10[%dma_wait3A_67, %dma_wait3A_68] : memref<10240x128xf32, #tpu.memory_space<vmem_shared>> -> memref<10240x128xf32, #tpu.memory_space<vmem_shared>>
    tpu.wait_indirect_dma semaphore(%arg13 : memref<!tpu.dma_semaphore, #tpu.memory_space<semaphore_mem>>) src(%dma_wait3A_63 : memref<128x128xf32, #tpu.memory_space<vmem>>) dst(%dma_wait3A_69 : memref<10240x128xf32, #tpu.memory_space<vmem_shared>>)
    %dma_wait3A_70 = arith.constant 39 : i32
    %dma_wait3A_71 = arith.constant 1 : i32
    %dma_wait3A_72 = arith.constant 0 : i32
    %dma_wait3A_73 = arith.constant 0 : i32
    %dma_wait3A_74 = tpu.memref_slice %arg9[%dma_wait3A_71, %dma_wait3A_72, %dma_wait3A_73] : memref<2x128x128xf32, #tpu.memory_space<vmem>> -> memref<1x128x128xf32, #tpu.memory_space<vmem>>
    %dma_wait3A_75 = tpu.memref_squeeze %dma_wait3A_74 : memref<1x128x128xf32, #tpu.memory_space<vmem>> -> memref<128x128xf32, #tpu.memory_space<vmem>>
    %dma_wait3A_76 = arith.constant 0 : i32
    %dma_wait3A_77 = tpu.memref_slice %arg7[%dma_wait3A_70, %dma_wait3A_76] : memref<40x128xi32, #tpu.memory_space<vmem>> -> memref<1x128xi32, #tpu.memory_space<vmem>>
    %dma_wait3A_78 = tpu.memref_squeeze %dma_wait3A_77 : memref<1x128xi32, #tpu.memory_space<vmem>> -> memref<128xi32, #tpu.memory_space<vmem>>
    %dma_wait3A_79 = arith.constant 0 : i32
    %dma_wait3A_80 = arith.constant 0 : i32
    %dma_wait3A_81 = tpu.memref_slice %arg4[%dma_wait3A_79, %dma_wait3A_80] : memref<10240x128xf32, #tpu.memory_space<hbm>> -> memref<10240x128xf32, #tpu.memory_space<hbm>>
    tpu.wait_indirect_dma semaphore(%arg12 : memref<!tpu.dma_semaphore, #tpu.memory_space<semaphore_mem>>) src(%dma_wait3A_81 : memref<10240x128xf32, #tpu.memory_space<hbm>>) dst(%dma_wait3A_75 : memref<128x128xf32, #tpu.memory_space<vmem>>)
    %dma_start3A_82 = arith.constant 1 : i32
    %dma_start3A_83 = arith.constant 39 : i32
    %dma_start3A_84 = arith.constant 0 : i32
    %dma_start3A_85 = arith.constant 0 : i32
    %dma_start3A_86 = tpu.memref_slice %arg9[%dma_start3A_82, %dma_start3A_84, %dma_start3A_85] : memref<2x128x128xf32, #tpu.memory_space<vmem>> -> memref<1x128x128xf32, #tpu.memory_space<vmem>>
    %dma_start3A_87 = tpu.memref_squeeze %dma_start3A_86 : memref<1x128x128xf32, #tpu.memory_space<vmem>> -> memref<128x128xf32, #tpu.memory_space<vmem>>
    %dma_start3A_88 = arith.constant 0 : i32
    %dma_start3A_89 = tpu.memref_slice %arg8[%dma_start3A_83, %dma_start3A_88] : memref<40x128xi32, #tpu.memory_space<vmem>> -> memref<1x128xi32, #tpu.memory_space<vmem>>
    %dma_start3A_90 = tpu.memref_squeeze %dma_start3A_89 : memref<1x128xi32, #tpu.memory_space<vmem>> -> memref<128xi32, #tpu.memory_space<vmem>>
    %dma_start3A_91 = arith.constant 0 : i32
    %dma_start3A_92 = arith.constant 0 : i32
    %dma_start3A_93 = tpu.memref_slice %arg10[%dma_start3A_91, %dma_start3A_92] : memref<10240x128xf32, #tpu.memory_space<vmem_shared>> -> memref<10240x128xf32, #tpu.memory_space<vmem_shared>>
    tpu.enqueue_indirect_dma source(%dma_start3A_87 : memref<128x128xf32, #tpu.memory_space<vmem>>) target(%dma_start3A_93 : memref<10240x128xf32, #tpu.memory_space<vmem_shared>>) offsets(%dma_start3A_90 : memref<128xi32, #tpu.memory_space<vmem>>) semaphore(%arg14 : memref<!tpu.dma_semaphore, #tpu.memory_space<semaphore_mem>>) {add = true}
    %dma_wait3A_94 = arith.constant 1 : i32
    %dma_wait3A_95 = arith.constant 39 : i32
    %dma_wait3A_96 = arith.constant 0 : i32
    %dma_wait3A_97 = arith.constant 0 : i32
    %dma_wait3A_98 = tpu.memref_slice %arg9[%dma_wait3A_94, %dma_wait3A_96, %dma_wait3A_97] : memref<2x128x128xf32, #tpu.memory_space<vmem>> -> memref<1x128x128xf32, #tpu.memory_space<vmem>>
    %dma_wait3A_99 = tpu.memref_squeeze %dma_wait3A_98 : memref<1x128x128xf32, #tpu.memory_space<vmem>> -> memref<128x128xf32, #tpu.memory_space<vmem>>
    %dma_wait3A_100 = arith.constant 0 : i32
    %dma_wait3A_101 = tpu.memref_slice %arg8[%dma_wait3A_95, %dma_wait3A_100] : memref<40x128xi32, #tpu.memory_space<vmem>> -> memref<1x128xi32, #tpu.memory_space<vmem>>
    %dma_wait3A_102 = tpu.memref_squeeze %dma_wait3A_101 : memref<1x128xi32, #tpu.memory_space<vmem>> -> memref<128xi32, #tpu.memory_space<vmem>>
    %dma_wait3A_103 = arith.constant 0 : i32
    %dma_wait3A_104 = arith.constant 0 : i32
    %dma_wait3A_105 = tpu.memref_slice %arg10[%dma_wait3A_103, %dma_wait3A_104] : memref<10240x128xf32, #tpu.memory_space<vmem_shared>> -> memref<10240x128xf32, #tpu.memory_space<vmem_shared>>
    tpu.wait_indirect_dma semaphore(%arg14 : memref<!tpu.dma_semaphore, #tpu.memory_space<semaphore_mem>>) src(%dma_wait3A_99 : memref<128x128xf32, #tpu.memory_space<vmem>>) dst(%dma_wait3A_105 : memref<10240x128xf32, #tpu.memory_space<vmem_shared>>)
    %barrier3A_106 = arith.constant 0 : index
    tpu.barrier barrier_id(%barrier3A_106)
    %mul3A_107 = arith.constant 640 : i32
    %mul3A_108 = arith.muli %arg1, %mul3A_107 : i32
    %mul3A_109 = arith.constant 640 : i32
    %mul3A_110 = arith.muli %arg1, %mul3A_109 : i32
    "tpu.region"() ({
      %run_scoped3A = tpu.sem_alloc : memref<!tpu.dma_semaphore, #tpu.memory_space<semaphore_mem>>
      %dma_start3A_111 = arith.constant 0 : i32
      %dma_start3A_112 = tpu.memref_slice %arg6[%arg0, %mul3A_110, %dma_start3A_111] : memref<2x10240x128xf32, #tpu.memory_space<hbm>> -> memref<1x640x128xf32, #tpu.memory_space<hbm>>
      %dma_start3A_113 = tpu.memref_squeeze %dma_start3A_112 : memref<1x640x128xf32, #tpu.memory_space<hbm>> -> memref<640x128xf32, #tpu.memory_space<hbm>>
      %dma_start3A_114 = arith.constant 0 : i32
      %dma_start3A_115 = tpu.memref_slice %arg10[%mul3A_108, %dma_start3A_114] : memref<10240x128xf32, #tpu.memory_space<vmem_shared>> -> memref<640x128xf32, #tpu.memory_space<vmem_shared>>
      tpu.enqueue_dma source(%dma_start3A_115 : memref<640x128xf32, #tpu.memory_space<vmem_shared>>) target(%dma_start3A_113 : memref<640x128xf32, #tpu.memory_space<hbm>>) target_semaphore(%run_scoped3A : memref<!tpu.dma_semaphore, #tpu.memory_space<semaphore_mem>>)
      %dma_wait3A_116 = arith.constant 0 : i32
      %dma_wait3A_117 = tpu.memref_slice %arg6[%arg0, %mul3A_110, %dma_wait3A_116] : memref<2x10240x128xf32, #tpu.memory_space<hbm>> -> memref<1x640x128xf32, #tpu.memory_space<hbm>>
      %dma_wait3A_118 = tpu.memref_squeeze %dma_wait3A_117 : memref<1x640x128xf32, #tpu.memory_space<hbm>> -> memref<640x128xf32, #tpu.memory_space<hbm>>
      %dma_wait3A_119 = arith.constant 0 : i32
      %dma_wait3A_120 = tpu.memref_slice %arg10[%mul3A_108, %dma_wait3A_119] : memref<10240x128xf32, #tpu.memory_space<vmem_shared>> -> memref<640x128xf32, #tpu.memory_space<vmem_shared>>
      tpu.wait_dma2 semaphore(%run_scoped3A : memref<!tpu.dma_semaphore, #tpu.memory_space<semaphore_mem>>) src(%dma_wait3A_120 : memref<640x128xf32, #tpu.memory_space<vmem_shared>>) dst(%dma_wait3A_118 : memref<640x128xf32, #tpu.memory_space<hbm>>)
      tpu.yield
    }) : () -> ()
    return
  }
}

module attributes {stable_mosaic.version = 14 : i64} {
  func.func @_scale_body(%arg0: i32, %arg1: memref<2x512x128xf32, #tpu.memory_space<vmem>>, %arg2: memref<512x256xf32, #tpu.memory_space<vmem>>, %arg3: memref<512x128xf32, #tpu.memory_space<vmem>>, %arg4: memref<512x128xf32, #tpu.memory_space<vmem>>) attributes {dimension_semantics = [#tpu.dimension_semantics<arbitrary>], iteration_bounds = array<i64: 20>, scalar_prefetch = 0 : i64, scratch_operands = 0 : i64, tpu.core_type = #tpu.core_type<tc>, window_params = [{transform_indices = @transform_0, window_bounds = array<i64: 2, 512, 128>}, {transform_indices = @transform_1, window_bounds = array<i64: 512, 256>}, {transform_indices = @transform_2, window_bounds = array<i64: 512, 128>}, {transform_indices = @transform_3, window_bounds = array<i64: 512, 128>}]} {
    %get3A = arith.constant 0 : index
    %get3A_0 = arith.constant 0 : index
    %get3A_1 = arith.constant 0 : index
    %get3A_2 = vector.load %arg1[%get3A, %get3A_0, %get3A_1] : memref<2x512x128xf32, #tpu.memory_space<vmem>>, vector<2x512x128xf32>
    %slice3A = vector.extract_strided_slice %get3A_2 {offsets = [0, 0, 0], sizes = [1, 512, 1], strides = [1, 1, 1]} : vector<2x512x128xf32> to vector<1x512x1xf32>
    %squeeze3A = vector.shape_cast %slice3A : vector<1x512x1xf32> to vector<512xf32>
    %slice3A_3 = vector.extract_strided_slice %get3A_2 {offsets = [1, 0, 0], sizes = [1, 512, 1], strides = [1, 1, 1]} : vector<2x512x128xf32> to vector<1x512x1xf32>
    %squeeze3A_4 = vector.shape_cast %slice3A_3 : vector<1x512x1xf32> to vector<512xf32>
    %add3A = arith.addf %squeeze3A, %squeeze3A_4 : vector<512xf32>
    %add3A_5 = arith.constant 1.000000e+00 : f32
    %add3A_6 = vector.broadcast %add3A_5 : f32 to vector<512xf32>
    %add3A_7 = arith.addf %add3A, %add3A_6 : vector<512xf32>
    %rsqrt3A = math.rsqrt %add3A_7 : vector<512xf32>
    %broadcast_in_dim3A = vector.shape_cast %rsqrt3A : vector<512xf32> to vector<512x1xf32>
    %get3A_8 = arith.constant 0 : index
    %get3A_9 = arith.constant 0 : index
    %get3A_10 = vector.load %arg2[%get3A_8, %get3A_9] : memref<512x256xf32, #tpu.memory_space<vmem>>, vector<512x256xf32>
    %mul3A = vector.broadcast %broadcast_in_dim3A : vector<512x1xf32> to vector<512x256xf32>
    %mul3A_11 = arith.mulf %get3A_10, %mul3A : vector<512x256xf32>
    %slice3A_12 = vector.extract_strided_slice %mul3A_11 {offsets = [0, 0], sizes = [512, 128], strides = [1, 1]} : vector<512x256xf32> to vector<512x128xf32>
    %swap3A = arith.constant 0 : index
    %swap3A_13 = arith.constant 0 : index
    %swap3A_14 = vector.load %arg3[%swap3A, %swap3A_13] : memref<512x128xf32, #tpu.memory_space<vmem>>, vector<512x128xf32>
    tpu.vector_store %arg3[%swap3A, %swap3A_13], %slice3A_12 {strides = array<i32>} : memref<512x128xf32, #tpu.memory_space<vmem>>, vector<512x128xf32>,
    %slice3A_15 = vector.extract_strided_slice %mul3A_11 {offsets = [0, 128], sizes = [512, 128], strides = [1, 1]} : vector<512x256xf32> to vector<512x128xf32>
    %swap3A_16 = arith.constant 0 : index
    %swap3A_17 = arith.constant 0 : index
    %swap3A_18 = vector.load %arg4[%swap3A_16, %swap3A_17] : memref<512x128xf32, #tpu.memory_space<vmem>>, vector<512x128xf32>
    tpu.vector_store %arg4[%swap3A_16, %swap3A_17], %slice3A_15 {strides = array<i32>} : memref<512x128xf32, #tpu.memory_space<vmem>>, vector<512x128xf32>,
    return
  }
  func.func @transform_0(%arg0: i32) -> (i32, i32, i32) {
    %c0_i32 = arith.constant 0 : i32
    %c0_i32_0 = arith.constant 0 : i32
    %c0_i32_1 = arith.constant 0 : i32
    return %c0_i32, %arg0, %c0_i32_0 : i32, i32, i32
  }
  func.func @transform_1(%arg0: i32) -> (i32, i32) {
    %c0_i32 = arith.constant 0 : i32
    %c0_i32_0 = arith.constant 0 : i32
    return %arg0, %c0_i32 : i32, i32
  }
  func.func @transform_2(%arg0: i32) -> (i32, i32) {
    %c0_i32 = arith.constant 0 : i32
    %c0_i32_0 = arith.constant 0 : i32
    return %arg0, %c0_i32 : i32, i32
  }
  func.func @transform_3(%arg0: i32) -> (i32, i32) {
    %c0_i32 = arith.constant 0 : i32
    %c0_i32_0 = arith.constant 0 : i32
    return %arg0, %c0_i32 : i32, i32
  }
}

module attributes {stable_mosaic.version = 14 : i64} {
  func.func @_layer_body(%arg0: i32, %arg1: memref<2x512x128xf32, #tpu.memory_space<vmem>>, %arg2: memref<2x512x128xf32, #tpu.memory_space<vmem>>, %arg3: memref<2x512x128xf32, #tpu.memory_space<vmem>>, %arg4: memref<512x256xf32, #tpu.memory_space<vmem>>, %arg5: memref<256x512xf32, #tpu.memory_space<vmem>>, %arg6: memref<1x512xf32, #tpu.memory_space<vmem>>, %arg7: memref<512x128xf32, #tpu.memory_space<vmem>>, %arg8: memref<512x128xf32, #tpu.memory_space<vmem>>, %arg9: memref<512x128xf32, #tpu.memory_space<vmem>>) attributes {dimension_semantics = [#tpu.dimension_semantics<arbitrary>], iteration_bounds = array<i64: 20>, scalar_prefetch = 0 : i64, scratch_operands = 0 : i64, tpu.core_type = #tpu.core_type<tc>, window_params = [{transform_indices = @transform_0, window_bounds = array<i64: 2, 512, 128>}, {transform_indices = @transform_1, window_bounds = array<i64: 2, 512, 128>}, {transform_indices = @transform_2, window_bounds = array<i64: 2, 512, 128>}, {transform_indices = @transform_3, window_bounds = array<i64: 512, 256>}, {pipeline_mode = #tpu.pipeline_mode<synchronous>, transform_indices = @transform_4, window_bounds = array<i64: 256, 512>}, {pipeline_mode = #tpu.pipeline_mode<synchronous>, transform_indices = @transform_5, window_bounds = array<i64: 1, 512>}, {pipeline_mode = #tpu.pipeline_mode<synchronous>, transform_indices = @transform_6, window_bounds = array<i64: 512, 128>}, {transform_indices = @transform_7, window_bounds = array<i64: 512, 128>}, {transform_indices = @transform_8, window_bounds = array<i64: 512, 128>}]} {
    %get3A = arith.constant 0 : index
    %get3A_0 = arith.constant 0 : index
    %get3A_1 = arith.constant 0 : index
    %get3A_2 = vector.load %arg3[%get3A, %get3A_0, %get3A_1] : memref<2x512x128xf32, #tpu.memory_space<vmem>>, vector<2x512x128xf32>
    %slice3A = vector.extract_strided_slice %get3A_2 {offsets = [0, 0, 0], sizes = [1, 512, 1], strides = [1, 1, 1]} : vector<2x512x128xf32> to vector<1x512x1xf32>
    %squeeze3A = vector.shape_cast %slice3A : vector<1x512x1xf32> to vector<512xf32>
    %slice3A_3 = vector.extract_strided_slice %get3A_2 {offsets = [1, 0, 0], sizes = [1, 512, 1], strides = [1, 1, 1]} : vector<2x512x128xf32> to vector<1x512x1xf32>
    %squeeze3A_4 = vector.shape_cast %slice3A_3 : vector<1x512x1xf32> to vector<512xf32>
    %add3A = arith.addf %squeeze3A, %squeeze3A_4 : vector<512xf32>
    %add3A_5 = arith.constant 1.000000e+00 : f32
    %add3A_6 = vector.broadcast %add3A_5 : f32 to vector<512xf32>
    %add3A_7 = arith.addf %add3A, %add3A_6 : vector<512xf32>
    %rsqrt3A = math.rsqrt %add3A_7 : vector<512xf32>
    %broadcast_in_dim3A = vector.shape_cast %rsqrt3A : vector<512xf32> to vector<512x1xf32>
    %get3A_8 = arith.constant 0 : index
    %get3A_9 = arith.constant 0 : index
    %get3A_10 = arith.constant 0 : index
    %get3A_11 = vector.load %arg1[%get3A_8, %get3A_9, %get3A_10] : memref<2x512x128xf32, #tpu.memory_space<vmem>>, vector<1x512x128xf32>
    %get3A_12 = vector.shape_cast %get3A_11 : vector<1x512x128xf32> to vector<512x128xf32>
    %get3A_13 = arith.constant 1 : index
    %get3A_14 = arith.constant 0 : index
    %get3A_15 = arith.constant 0 : index
    %get3A_16 = vector.load %arg1[%get3A_13, %get3A_14, %get3A_15] : memref<2x512x128xf32, #tpu.memory_space<vmem>>, vector<1x512x128xf32>
    %get3A_17 = vector.shape_cast %get3A_16 : vector<1x512x128xf32> to vector<512x128xf32>
    %add3A_18 = arith.addf %get3A_12, %get3A_17 : vector<512x128xf32>
    %get3A_19 = arith.constant 0 : index
    %get3A_20 = arith.constant 0 : index
    %get3A_21 = arith.constant 0 : index
    %get3A_22 = vector.load %arg2[%get3A_19, %get3A_20, %get3A_21] : memref<2x512x128xf32, #tpu.memory_space<vmem>>, vector<1x512x128xf32>
    %get3A_23 = vector.shape_cast %get3A_22 : vector<1x512x128xf32> to vector<512x128xf32>
    %get3A_24 = arith.constant 1 : index
    %get3A_25 = arith.constant 0 : index
    %get3A_26 = arith.constant 0 : index
    %get3A_27 = vector.load %arg2[%get3A_24, %get3A_25, %get3A_26] : memref<2x512x128xf32, #tpu.memory_space<vmem>>, vector<1x512x128xf32>
    %get3A_28 = vector.shape_cast %get3A_27 : vector<1x512x128xf32> to vector<512x128xf32>
    %add3A_29 = arith.addf %get3A_23, %get3A_28 : vector<512x128xf32>
    %concatenate3A = tpu.concatenate %add3A_18, %add3A_29 in 1 : vector<512x128xf32>, vector<512x128xf32> -> vector<512x256xf32>
    %mul3A = vector.broadcast %broadcast_in_dim3A : vector<512x1xf32> to vector<512x256xf32>
    %mul3A_30 = arith.mulf %mul3A, %concatenate3A : vector<512x256xf32>
    %mul3A_31 = arith.mulf %broadcast_in_dim3A, %broadcast_in_dim3A : vector<512x1xf32>
    %get3A_32 = arith.constant 0 : index
    %get3A_33 = arith.constant 0 : index
    %get3A_34 = vector.load %arg4[%get3A_32, %get3A_33] : memref<512x256xf32, #tpu.memory_space<vmem>>, vector<512x256xf32>
    %mul3A_35 = vector.broadcast %mul3A_31 : vector<512x1xf32> to vector<512x256xf32>
    %mul3A_36 = arith.mulf %mul3A_35, %get3A_34 : vector<512x256xf32>
    %add3A_37 = arith.addf %mul3A_30, %mul3A_36 : vector<512x256xf32>
    %get3A_38 = arith.constant 0 : index
    %get3A_39 = arith.constant 0 : index
    %get3A_40 = vector.load %arg5[%get3A_38, %get3A_39] : memref<256x512xf32, #tpu.memory_space<vmem>>, vector<256x512xf32>
    %dot_general3A = arith.constant dense<0.000000e+00> : vector<512x512xf32>
    %dot_general3A_41 = tpu.matmul %add3A_37, %get3A_40, %dot_general3A {dimension_numbers = #tpu.dot_dimension_numbers<[1], [0], [0], [1], [0, 0, 1, 1], [], []>, transpose_lhs_hint = false} : vector<512x256xf32>, vector<256x512xf32>, vector<512x512xf32> -> vector<512x512xf32>
    %get3A_42 = arith.constant 0 : index
    %get3A_43 = arith.constant 0 : index
    %get3A_44 = vector.load %arg6[%get3A_42, %get3A_43] : memref<1x512xf32, #tpu.memory_space<vmem>>, vector<1x512xf32>
    %add3A_45 = vector.broadcast %get3A_44 : vector<1x512xf32> to vector<512x512xf32>
    %add3A_46 = arith.addf %dot_general3A_41, %add3A_45 : vector<512x512xf32>
    %max3A = arith.constant 0.000000e+00 : f32
    %max3A_47 = vector.broadcast %max3A : f32 to vector<512x512xf32>
    %max3A_48 = arith.maximumf %add3A_46, %max3A_47 : vector<512x512xf32>
    %get3A_49 = arith.constant 0 : index
    %get3A_50 = arith.constant 0 : index
    %get3A_51 = vector.load %arg7[%get3A_49, %get3A_50] : memref<512x128xf32, #tpu.memory_space<vmem>>, vector<512x128xf32>
    %dot_general3A_52 = arith.constant dense<0.000000e+00> : vector<512x128xf32>
    %dot_general3A_53 = tpu.matmul %max3A_48, %get3A_51, %dot_general3A_52 {dimension_numbers = #tpu.dot_dimension_numbers<[1], [0], [0], [1], [0, 0, 1, 1], [], []>, transpose_lhs_hint = false} : vector<512x512xf32>, vector<512x128xf32>, vector<512x128xf32> -> vector<512x128xf32>
    %swap3A = arith.constant 0 : index
    %swap3A_54 = arith.constant 0 : index
    %swap3A_55 = vector.load %arg9[%swap3A, %swap3A_54] : memref<512x128xf32, #tpu.memory_space<vmem>>, vector<512x128xf32>
    tpu.vector_store %arg9[%swap3A, %swap3A_54], %dot_general3A_53 {strides = array<i32>} : memref<512x128xf32, #tpu.memory_space<vmem>>, vector<512x128xf32>,
    %mul3A_56 = vector.broadcast %broadcast_in_dim3A : vector<512x1xf32> to vector<512x128xf32>
    %mul3A_57 = arith.mulf %mul3A_56, %dot_general3A_53 : vector<512x128xf32>
    %swap3A_58 = arith.constant 0 : index
    %swap3A_59 = arith.constant 0 : index
    %swap3A_60 = vector.load %arg8[%swap3A_58, %swap3A_59] : memref<512x128xf32, #tpu.memory_space<vmem>>, vector<512x128xf32>
    tpu.vector_store %arg8[%swap3A_58, %swap3A_59], %mul3A_57 {strides = array<i32>} : memref<512x128xf32, #tpu.memory_space<vmem>>, vector<512x128xf32>,
    return
  }
  func.func @transform_0(%arg0: i32) -> (i32, i32, i32) {
    %c0_i32 = arith.constant 0 : i32
    %c0_i32_0 = arith.constant 0 : i32
    %c0_i32_1 = arith.constant 0 : i32
    return %c0_i32, %arg0, %c0_i32_0 : i32, i32, i32
  }
  func.func @transform_1(%arg0: i32) -> (i32, i32, i32) {
    %c0_i32 = arith.constant 0 : i32
    %c0_i32_0 = arith.constant 0 : i32
    %c0_i32_1 = arith.constant 0 : i32
    return %c0_i32, %arg0, %c0_i32_0 : i32, i32, i32
  }
  func.func @transform_2(%arg0: i32) -> (i32, i32, i32) {
    %c0_i32 = arith.constant 0 : i32
    %c0_i32_0 = arith.constant 0 : i32
    %c0_i32_1 = arith.constant 0 : i32
    return %c0_i32, %arg0, %c0_i32_0 : i32, i32, i32
  }
  func.func @transform_3(%arg0: i32) -> (i32, i32) {
    %c0_i32 = arith.constant 0 : i32
    %c0_i32_0 = arith.constant 0 : i32
    return %arg0, %c0_i32 : i32, i32
  }
  func.func @transform_4(%arg0: i32) -> (i32, i32) {
    %c0_i32 = arith.constant 0 : i32
    %c0_i32_0 = arith.constant 0 : i32
    %c0_i32_1 = arith.constant 0 : i32
    return %c0_i32, %c0_i32_0 : i32, i32
  }
  func.func @transform_5(%arg0: i32) -> (i32, i32) {
    %c0_i32 = arith.constant 0 : i32
    %c0_i32_0 = arith.constant 0 : i32
    %c0_i32_1 = arith.constant 0 : i32
    return %c0_i32, %c0_i32_0 : i32, i32
  }
  func.func @transform_6(%arg0: i32) -> (i32, i32) {
    %c0_i32 = arith.constant 0 : i32
    %c0_i32_0 = arith.constant 0 : i32
    %c0_i32_1 = arith.constant 0 : i32
    return %c0_i32, %c0_i32_0 : i32, i32
  }
  func.func @transform_7(%arg0: i32) -> (i32, i32) {
    %c0_i32 = arith.constant 0 : i32
    %c0_i32_0 = arith.constant 0 : i32
    return %arg0, %c0_i32 : i32, i32
  }
  func.func @transform_8(%arg0: i32) -> (i32, i32) {
    %c0_i32 = arith.constant 0 : i32
    %c0_i32_0 = arith.constant 0 : i32
    return %arg0, %c0_i32 : i32, i32
  }
}

module attributes {stable_mosaic.version = 14 : i64} {
  func.func @_out_body(%arg0: i32, %arg1: memref<2x512x128xf32, #tpu.memory_space<vmem>>, %arg2: memref<2x512x128xf32, #tpu.memory_space<vmem>>, %arg3: memref<512x128xf32, #tpu.memory_space<vmem>>, %arg4: memref<1x128xf32, #tpu.memory_space<vmem>>, %arg5: memref<512x128xf32, #tpu.memory_space<vmem>>) attributes {dimension_semantics = [#tpu.dimension_semantics<arbitrary>], iteration_bounds = array<i64: 20>, scalar_prefetch = 0 : i64, scratch_operands = 0 : i64, tpu.core_type = #tpu.core_type<tc>, window_params = [{transform_indices = @transform_0, window_bounds = array<i64: 2, 512, 128>}, {transform_indices = @transform_1, window_bounds = array<i64: 2, 512, 128>}, {transform_indices = @transform_2, window_bounds = array<i64: 512, 128>}, {pipeline_mode = #tpu.pipeline_mode<synchronous>, transform_indices = @transform_3, window_bounds = array<i64: 1, 128>}, {transform_indices = @transform_4, window_bounds = array<i64: 512, 128>}]} {
    %get3A = arith.constant 0 : index
    %get3A_0 = arith.constant 0 : index
    %get3A_1 = arith.constant 0 : index
    %get3A_2 = vector.load %arg2[%get3A, %get3A_0, %get3A_1] : memref<2x512x128xf32, #tpu.memory_space<vmem>>, vector<2x512x128xf32>
    %slice3A = vector.extract_strided_slice %get3A_2 {offsets = [0, 0, 0], sizes = [1, 512, 1], strides = [1, 1, 1]} : vector<2x512x128xf32> to vector<1x512x1xf32>
    %squeeze3A = vector.shape_cast %slice3A : vector<1x512x1xf32> to vector<512xf32>
    %slice3A_3 = vector.extract_strided_slice %get3A_2 {offsets = [1, 0, 0], sizes = [1, 512, 1], strides = [1, 1, 1]} : vector<2x512x128xf32> to vector<1x512x1xf32>
    %squeeze3A_4 = vector.shape_cast %slice3A_3 : vector<1x512x1xf32> to vector<512xf32>
    %add3A = arith.addf %squeeze3A, %squeeze3A_4 : vector<512xf32>
    %add3A_5 = arith.constant 1.000000e+00 : f32
    %add3A_6 = vector.broadcast %add3A_5 : f32 to vector<512xf32>
    %add3A_7 = arith.addf %add3A, %add3A_6 : vector<512xf32>
    %rsqrt3A = math.rsqrt %add3A_7 : vector<512xf32>
    %broadcast_in_dim3A = vector.shape_cast %rsqrt3A : vector<512xf32> to vector<512x1xf32>
    %get3A_8 = arith.constant 0 : index
    %get3A_9 = arith.constant 0 : index
    %get3A_10 = arith.constant 0 : index
    %get3A_11 = vector.load %arg1[%get3A_8, %get3A_9, %get3A_10] : memref<2x512x128xf32, #tpu.memory_space<vmem>>, vector<1x512x128xf32>
    %get3A_12 = vector.shape_cast %get3A_11 : vector<1x512x128xf32> to vector<512x128xf32>
    %get3A_13 = arith.constant 1 : index
    %get3A_14 = arith.constant 0 : index
    %get3A_15 = arith.constant 0 : index
    %get3A_16 = vector.load %arg1[%get3A_13, %get3A_14, %get3A_15] : memref<2x512x128xf32, #tpu.memory_space<vmem>>, vector<1x512x128xf32>
    %get3A_17 = vector.shape_cast %get3A_16 : vector<1x512x128xf32> to vector<512x128xf32>
    %add3A_18 = arith.addf %get3A_12, %get3A_17 : vector<512x128xf32>
    %mul3A = vector.broadcast %broadcast_in_dim3A : vector<512x1xf32> to vector<512x128xf32>
    %mul3A_19 = arith.mulf %mul3A, %add3A_18 : vector<512x128xf32>
    %mul3A_20 = arith.mulf %broadcast_in_dim3A, %broadcast_in_dim3A : vector<512x1xf32>
    %get3A_21 = arith.constant 0 : index
    %get3A_22 = arith.constant 0 : index
    %get3A_23 = vector.load %arg3[%get3A_21, %get3A_22] : memref<512x128xf32, #tpu.memory_space<vmem>>, vector<512x128xf32>
    %mul3A_24 = vector.broadcast %mul3A_20 : vector<512x1xf32> to vector<512x128xf32>
    %mul3A_25 = arith.mulf %mul3A_24, %get3A_23 : vector<512x128xf32>
    %add3A_26 = arith.addf %mul3A_19, %mul3A_25 : vector<512x128xf32>
    %get3A_27 = arith.constant 0 : index
    %get3A_28 = arith.constant 0 : index
    %get3A_29 = vector.load %arg4[%get3A_27, %get3A_28] : memref<1x128xf32, #tpu.memory_space<vmem>>, vector<1x128xf32>
    %add3A_30 = vector.broadcast %get3A_29 : vector<1x128xf32> to vector<512x128xf32>
    %add3A_31 = arith.addf %add3A_26, %add3A_30 : vector<512x128xf32>
    %swap3A = arith.constant 0 : index
    %swap3A_32 = arith.constant 0 : index
    %swap3A_33 = vector.load %arg5[%swap3A, %swap3A_32] : memref<512x128xf32, #tpu.memory_space<vmem>>, vector<512x128xf32>
    tpu.vector_store %arg5[%swap3A, %swap3A_32], %add3A_31 {strides = array<i32>} : memref<512x128xf32, #tpu.memory_space<vmem>>, vector<512x128xf32>,
    return
  }
  func.func @transform_0(%arg0: i32) -> (i32, i32, i32) {
    %c0_i32 = arith.constant 0 : i32
    %c0_i32_0 = arith.constant 0 : i32
    %c0_i32_1 = arith.constant 0 : i32
    return %c0_i32, %arg0, %c0_i32_0 : i32, i32, i32
  }
  func.func @transform_1(%arg0: i32) -> (i32, i32, i32) {
    %c0_i32 = arith.constant 0 : i32
    %c0_i32_0 = arith.constant 0 : i32
    %c0_i32_1 = arith.constant 0 : i32
    return %c0_i32, %arg0, %c0_i32_0 : i32, i32, i32
  }
  func.func @transform_2(%arg0: i32) -> (i32, i32) {
    %c0_i32 = arith.constant 0 : i32
    %c0_i32_0 = arith.constant 0 : i32
    return %arg0, %c0_i32 : i32, i32
  }
  func.func @transform_3(%arg0: i32) -> (i32, i32) {
    %c0_i32 = arith.constant 0 : i32
    %c0_i32_0 = arith.constant 0 : i32
    %c0_i32_1 = arith.constant 0 : i32
    return %c0_i32, %c0_i32_0 : i32, i32
  }
  func.func @transform_4(%arg0: i32) -> (i32, i32) {
    %c0_i32 = arith.constant 0 : i32
    %c0_i32_0 = arith.constant 0 : i32
    return %arg0, %c0_i32 : i32, i32
  }
}

</mosaic_0001>

<sc_bundles>
// kernel: kernel.12.cloned.1.call-start
scs
__scs_entry_jumppad:
0x0: {  	(pc) =	sbr.rel $0x88, $3  }
0x1: {  	(tag) =	ssettag $0x0;
	lr =	simm.s32 $0x1  }
0x2: {  	[smem:$0x3F9B] =	sst lr;
	_ =	strace $0xD0000000  }
0x3: {  	_ = 	snop  }
0x4: {  	_ = 	snop  }
0x5: {  	_ = 	snop  }
0x6: {  	_ = 	snop  }
0x7: {  	_ = 	snop  }
__scs_overlays_trampoline_lowered:
0x8: {  	[smem:$0x3FAA] =	sst s0  }
0x9: {  	[smem:$0x3FAB] =	sst s1  }
0xa: {  	[smem:$0x3FAC] =	sst s2  }
0xb: {  	[smem:$0x3FAD] =	sst s3  }
0xc: {  	[smem:$0x3FAE] =	sst s4  }
0xd: {  	[smem:$0x3FAF] =	sst s5  }
0xe: {  	[smem:$0x3FB0] =	sst s6  }
0xf: {  	[smem:$0x3FB1] =	sst s7  }
0x10: {  	[smem:$0x3FB2] =	sst s8  }
0x11: {  	[smem:$0x3FB3] =	sst s9;
	s0 =	simm.s32 @!p0 $0x0  }
0x12: {  	s1 =	sld [smem:$0x3F99];
	s0 =	simm.s32 @p0 $0x1  }
0x13: {  	[smem:$0x3FB4] =	sst s0;
	s0 =	simm.s32 @!p1 $0x0  }
0x14: {  	s2 =	sld [smem:$0x3F98];
	s0 =	simm.s32 @p1 $0x1  }
0x15: {  	[smem:$0x3FB5] =	sst s0;
	s0 =	simm.s32 @!p2 $0x0  }
0x16: {  	s3 =	sld [smem:$0x3FDB];
	s0 =	simm.s32 @p2 $0x1  }
0x17: {  	s4 =	simm.s32 $0x1BF5;
	[smem:$0x3FB7] =	sst s0  }
0x18: {  	s0 =	sld [smem:$0x3F9A];
	_ =	swait.ge [sflag:s4], $0x0  }
0x19: {  	s7 =	sld [smem:$0x3F9B]  }
0x1a: {  	s8 =	sadd.s32 $0xFFFFE003, lr  }
0x1b: {  	s9 =	sadd.s32 $0xFFFFFEF7, lr;
	s5 =	simm.s32 $0xFFFFFFFF;
	p2 =	slt.u32 s8, $0xFFFFF086  }
0x1c: {  	p1 =	slt.u32 s9, $0xF7A;
	s5 =	simm.s32 @!p2 $0x0  }
0x1d: {  	s5 =	simm.s32 @p1 $0x1;
	p0 =	seq.s32 s7, s2  }
0x1e: {  	s7 =	smul.u32 @!p0 $0xF7A, s2;
	p2 =	seq.s32 @!p0 s5, $0x0  }
0x1f: {  	s9 =	smul.u32 $0xF7A, s1;
	s8 =	simm.s32 @!p0 $0x1BF5;
	p2 =	por !p2, p0  }
0x20: {  	[sflag:s8] =	ssyncset.s32 @!p0 $0xFFFFF086;
	s6 =	sadd.s32 @!p0 s3, s7;
	s7 =	simm.s32 @!p0 $0x108  }
0x21: {  	s3 =	sadd.s32 s3, s9;
	s6 =	sadd.s32 @!p0 $0x88, s6;
	s7 =	simm.s32 @p2 $0x1082  }
0x22: {  	[simem:s7], [sflag:s8] =	dma.local @!p0 [hbm:s6], $0xF7A  }
0x23: {  	s9 =	sor.u32 $0xD0000000, s2;
	s6 =	simm.s32 $0x108;
	_ =	swait.ge @!p0 [sflag:s8], $0x0  }
0x24: {  	s3 =	sadd.s32 $0x88, s3;
	s6 =	simm.s32 @!p1 $0x1082;
	[sflag:s4] =	ssyncset.s32 $0xFFFFF086  }
0x25: {  	[simem:s6], [sflag:s4] =	dma.local [hbm:s3], $0xF7A  }
0x26: {  	[smem:$0x3F9B] =	sst s1;
	(tag) =	ssettag s2;
	_ =	strace s9  }
0x27: {  	s1 =	sld [smem:$0x3FAB]  }
0x28: {  	s2 =	sld [smem:$0x3FAC]  }
0x29: {  	s4 =	sld [smem:$0x3FAE]  }
0x2a: {  	p0 =	seq.s32 s5, $0x0;
	s5 =	sld [smem:$0x3FAF]  }
0x2b: {  	s6 =	sld [smem:$0x3FB0]  }
0x2c: {  	s7 =	sld [smem:$0x3FB1]  }
0x2d: {  	s3 =	simm.s32 $0x108;
	s8 =	sld [smem:$0x3FB2]  }
0x2e: {  	s3 =	simm.s32 @!p0 $0x1082;
	s9 =	sld [smem:$0x3FB3]  }
0x2f: {  	lr =	sadd.s32 s0, s3;
	s0 =	sld [smem:$0x3FAA]  }
0x30: {  	s3 =	sld [smem:$0x3FAD]  }
0x31: {  	[smem:$0x3FB6] =	sst s10  }
0x32: {  	s10 =	sld [smem:$0x3FB4];
	_ =	sdelay $0x3  }
0x33: {  	p0 =	seq.s32 s10, $0x1;
	s10 =	sld [smem:$0x3FB6];
	_ =	sdelay $0x3  }
0x34: {  	[smem:$0x3FB6] =	sst s10  }
0x35: {  	s10 =	sld [smem:$0x3FB5];
	_ =	sdelay $0x3  }
0x36: {  	p1 =	seq.s32 s10, $0x1;
	s10 =	sld [smem:$0x3FB6];
	_ =	sdelay $0x3  }
0x37: {  	[smem:$0x3FB6] =	sst s10  }
0x38: {  	s10 =	sld [smem:$0x3FB7]  }
0x39: {  	_ = 	snop;
	(pc) =	sbr.ind lr, $3  }
0x3a: {  	_ = 	snop  }
0x3b: {  	_ = 	snop  }
0x3c: {  	p2 =	seq.s32 s10, $0x1;
	s10 =	sld [smem:$0x3FB6]  }
0x3d: {  	_ =	shalt  }
0x3e: {  	_ =	shalt  }
0x3f: {  	_ =	shalt  }
0x40: {  	_ =	shalt  }
0x41: {  	_ =	shalt  }
0x42: {  	_ =	shalt  }
0x43: {  	_ =	shalt  }
0x44: {  	_ =	shalt  }
0x45: {  	_ =	shalt  }
0x46: {  	_ =	shalt  }
0x47: {  	_ =	shalt  }
0x48: {  	_ =	shalt  }
0x49: {  	_ =	shalt  }
0x4a: {  	_ =	shalt  }
0x4b: {  	_ =	shalt  }
0x4c: {  	_ =	shalt  }
0x4d: {  	_ =	shalt  }
0x4e: {  	_ =	shalt  }
0x4f: {  	_ =	shalt  }
0x50: {  	_ =	shalt  }
0x51: {  	_ =	shalt  }
0x52: {  	_ =	shalt  }
0x53: {  	_ =	shalt  }
0x54: {  	_ =	shalt  }
0x55: {  	_ =	shalt  }
0x56: {  	_ =	shalt  }
0x57: {  	_ =	shalt  }
0x58: {  	_ =	shalt  }
0x59: {  	_ =	shalt  }
0x5a: {  	_ =	shalt  }
0x5b: {  	_ =	shalt  }
0x5c: {  	_ =	shalt  }
0x5d: {  	_ =	shalt  }
0x5e: {  	_ =	shalt  }
0x5f: {  	_ =	shalt  }
0x60: {  	_ =	shalt  }
0x61: {  	_ =	shalt  }
0x62: {  	_ =	shalt  }
0x63: {  	_ =	shalt  }
0x64: {  	_ =	shalt  }
0x65: {  	_ =	shalt  }
0x66: {  	_ =	shalt  }
0x67: {  	_ =	shalt  }
0x68: {  	_ =	shalt  }
0x69: {  	_ =	shalt  }
0x6a: {  	_ =	shalt  }
0x6b: {  	_ =	shalt  }
0x6c: {  	_ =	shalt  }
0x6d: {  	_ =	shalt  }
0x6e: {  	_ =	shalt  }
0x6f: {  	_ =	shalt  }
0x70: {  	_ =	shalt  }
0x71: {  	_ =	shalt  }
0x72: {  	_ =	shalt  }
0x73: {  	_ =	shalt  }
0x74: {  	_ =	shalt  }
0x75: {  	_ =	shalt  }
0x76: {  	_ =	shalt  }
0x77: {  	_ =	shalt  }
0x78: {  	_ =	shalt  }
0x79: {  	_ =	shalt  }
0x7a: {  	_ =	shalt  }
0x7b: {  	_ =	shalt  }
0x7c: {  	_ =	shalt  }
0x7d: {  	_ =	shalt  }
0x7e: {  	_ =	shalt  }
0x7f: {  	_ =	shalt  }
0x80: {  	_ =	shalt  }
0x81: {  	_ =	shalt  }
0x82: {  	_ =	shalt  }
0x83: {  	_ =	shalt  }
0x84: {  	_ =	shalt  }
0x85: {  	_ =	shalt  }
0x86: {  	_ =	shalt  }
0x87: {  	_ =	shalt  }
.Lfunc_end0:
.L_simem_size_0:
called_computation.1_lowered:
.L_overlay_start_0:
0x88: {  	s2 =	sld [smem:$0x3FD9]  }
0x89: {  	s3 =	sld [smem:$0x3FFE];
	_ =	sdelay $0x1  }
0x8a: {  	s1 =	srdreg.scid  }
0x8b: {  	s0 =	sand.u32 $0x1, s1  }
0x8c: {  	s17 =	sshll.u32 s0, $0xA;
	s2 =	sadd.s32 s3, s2  }
0x8d: {  	s2 =	sadd.s32 s2, s17  }
0x8e: {  	[smem:$0x3FC2] =	sst s2  }
0x8f: {  	_ = 	snop  }
0x90: {  	s2 =	sld [smem:$0x3FD0];
	(tm) =	ssettm $0x1  }
0x91: {  	s18 =	sld [smem:$0x3FFB];
	_ =	sdelay $0x3  }
0x92: {  	_ =	strace s18  }
0x93: {  	s3 =	sld [smem:$0x3FFC];
	_ =	sdelay $0x3  }
0x94: {  	_ =	strace s3  }
0x95: {  	s3 =	sld [smem:$0x3FFD];
	_ =	sdelay $0x3  }
0x96: {  	_ =	strace s3  }
0x97: {  	_ =	strace $0x8FFFFFFF  }
0x98: {  	s19 =	sld [smem:$0x3FDB];
	_ =	sdelay $0x1  }
0x99: {  	s4 =	simm.s32 $_scs_section_size  }
0x9a: {  	s5 =	simm.s32 $_size__tile_overlayer_lowered;
	s6 =	simm.s32 $_tile_overlayer_lowered  }
0x9b: {  	s22 =	simm.s32 $0x1BFF;
	s21 =	sshll.u32 s6, $0x1;
	s3 =	sadd.s32 s4, s19  }
0x9c: {  	s7 =	simm.s32 $0x0;
	s20 =	sshll.u32 s5, $0x1;
	s5 =	sadd.s32 s21, s3  }
0x9d: {  	[timem:s7], [sflag:s22] =	dma.local [hbm:s5], s20  }
0x9e: {  	_ =	swait.ge [sflag:s22], s20  }
0x9f: {  	s4 =	ssub.s32 $0x0, s20;
	[sflag:s22] =	ssyncset.done $0x0  }
0xa0: {  	[sflag:s22] =	ssyncadd.s32 s4;
	_ =	sdelay $0x1  }
0xa1: {  	s23 =	simm.s32 $0x1B8B  }
0xa2: {  	_ =	swait.ge [sflag:s23], $0x1  }
0xa3: {  	[sflag:s23] =	ssyncset.done $0x0  }
0xa4: {  	s25 =	simm.s32 $0x1B8E;
	s24 =	sld [smem:$0x3FFE];
	[sflag:s23] =	ssyncadd.s32 $0xFFFFFFFF  }
0xa5: {  	s26 =	simm.s32 $execute0_lowered;
	[smem:$0x3FD2] =	sst s25  }
0xa6: {  	s5 =	sshll.u32 s26, $0x1;
	_ =	strace $0x80000049;
	[dreg:$0x1] =	wrdreg $0xFFFFFFFF  }
0xa7: {  	s28 =	simm.s32 $_size_execute0_lowered;
	s3 =	sadd.s32 s3, s5;
	[dreg:$0x0] =	wrdreg $0x0  }
0xa8: {  	s5 =	sshll.u32 s28, $0x1;
	[dreg:$0x2] =	wrdreg s3  }
0xa9: {  	[dreg:$0x3] =	wrdreg s5  }
0xaa: {  	[dreg:$0x4] =	wrdreg $0xC0  }
0xab: {  	_ =	task [dreg:s7], $0x5FFFF  }
0xac: {  	[dreg:$0x1] =	wrdreg $0xFFFFFFFF  }
0xad: {  	[dreg:$0x0] =	wrdreg $0x60  }
0xae: {  	[dreg:$0x2] =	wrdreg s2  }
0xaf: {  	[dreg:$0x3] =	wrdreg s24  }
0xb0: {  	[dreg:$0x4] =	wrdreg $0xA8000  }
0xb1: {  	[dreg:$0x5] =	wrdreg $0x9  }
0xb2: {  	_ =	task.clear_ibuf [dreg:s7], $0x6FFFF;
	_ =	strace $0x90000049  }
0xb3: {  	s29 =	simm.s32 $0x9;
	_ =	strace $0x8000004B  }
0xb4: {  	_ =	swait.ge [sflag:s29], $0x1  }
0xb5: {  	[sflag:s29] =	ssyncadd.s32 $0xFFFFFFFF  }
0xb6: {  	_ =	strace $0x9000004B  }
0xb7: {  	_ =	sfence  }
0xb8: {  	s30 =	sld [smem:$0x0];
	_ =	sdelay $0x2  }
0xb9: {  	s31 =	sshll.u32 s1, $0xD;
	s1 =	sshrl.u32 s1, $0x2  }
0xba: {  	s3 =	sand.u32 $0x4000, s31;
	s1 =	sadd.s32 s1, s30  }
0xbb: {  	s0 =	sor.u32 s3, s0;
	s1 =	sshll.u32 s1, $0x11  }
0xbc: {  	s0 =	sor.u32 s1, s0  }
0xbd: {  	s0 =	sadd.s32 $0x8F2B, s0  }
0xbe: {  	[sflag:s0] =	ssyncadd.remote.s32 $0x1  }
0xbf: {  	_ =	sfence.sel $0xFFFF  }
0xc0: {  	[dreg:$0x0] =	wrdreg $0xFFFFFFFF;
	(pc) =	sbr.abs _section_cstart, $3  }
0xc1: {  	[dreg:$0x1] =	wrdreg $0xFFFFFFFF  }
0xc2: {  	_ =	task.clear_ibuf [dreg:s7], $0x2FFFF;
	_ =	strace $0x9FFFFFFF  }
0xc3: {  	(tm) =	ssettm $0x7FFFFFFF  }
tec
execute0_lowered:
.L_overlay_start_1:
0x0: {  	(tag) =	ssettag $0x1  }
0x1: {  	s7 =	rddreg [dreg:$0x0]  }
0x2: {  	s0 =	srdreg.scid;
	s6 =	rddreg [dreg:$0x1]  }
0x3: {  	s2 =	rddreg [dreg:$0x2];
	s3 =	simm.s32 $0x0;
	s15 =	simm.s32 $0x2800  }
0x4: {  	s16 =	simm.s32 $0x6800;
	s17 =	simm.s32 $0x1;
	s18 =	simm.s32 $0x2  }
0x5: {  	s19 =	simm.s32 $0x3;
	s20 =	simm.s32 $0x4;
	s21 =	simm.s32 $0x2700  }
0x6: {  	s22 =	simm.s32 $0x2780;
	s5 =	sand.u32 $0x1, s0;
	s0 =	stileid.u32  }
0x7: {  	s23 =	simm.s32 $0x0;
	[smem:$0x7FF] =	sst s3;
	s9 =	smul.u32 $0x14000, s0  }
0x8: {  	s1 =	sshll.u32 s5, $0x4;
	s10 =	smul.u32 $0x140000, s5;
	s5 =	ssub.s32 $0x2, s5  }
0x9: {  	s29 =	smul.u32 $0x50000, s0;
	s31 =	sshll.u32 s0, $0x6;
	s4 =	sor.u32 s0, s1  }
0xa: {  	s1 =	rddreg [dreg:$0x3];
	_ =	strace $0x8000004A;
	s13 =	sshrl.u32 s5, $0x1  }
0xb: {  	s8 =	smul.u32 $0x280, s4;
	s4 =	sadd.s32 $0xD0600, s6;
	s12 =	sshrl.u32 s9, $0x3  }
0xc: {  	s9 =	sadd.s32 s9, s10;
	s13 =	ssub.s32 s5, s13;
	s30 =	sshrl.u32 s29, $0x2  }
0xd: {  	s12 =	sadd.s32 s12, s6;
	s9 =	sshrl.u32 s9, $0x3;
	s14 =	sadd.s32 s30, s2  }
0xe: {  	s10 =	smax.u32 s13, $0x1;
	s13 =	simm.s32 $0x1400;
	s11 =	sadd.s32 s8, s6  }
0xf: {  	s9 =	sadd.s32 s9, s6;
	s5 =	sadd.s32 $0x8600, s12;
	s6 =	sor.u32 $0x1C05, s31  }
0x10: {  	s7 =	sadd.s32 s7, s8;
	s12 =	simm.s32 $0x5;
	s8 =	sadd.s32 $0x2E00, s11  }
0x11: {  	s9 =	sadd.s32 $0x120600, s9;
	s11 =	sshrl.u32 s14, $0x3;
	s14 =	simm.s32 $0x80  }
.LBB2_1:
0x12: {  	[spmem:s11], [sflag:s6] =	dma.local [hbm:s5], $0x2800  }
0x13: {  	_ =	swait.ge [sflag:s12], $0x2800  }
0x14: {  	[sflag:s12] =	ssyncset.done $0x0  }
0x15: {  	[sflag:s12] =	ssyncadd.s32 $0xFFFFD800  }
0x16: {  	[tilespmem:s3], [sflag:$0x5] =	stream.linear.gather [hbm4b:s7+s3], $0x1400, $0x38;
	[tilespmem:$0x1E800] =	vst v63  }
0x17: {  	_ =	swait.ge [sflag:s12], $0x1400  }
0x18: {  	[sflag:s12] =	ssyncset.done $0x0  }
0x19: {  	[sflag:s12] =	ssyncadd.s32 $0xFFFFEC00  }
0x1a: {  	[tilespmem:s13], [sflag:$0x5] =	stream.linear.gather [hbm4b:s8+s3], $0x1400, $0x38;
	[tilespmem:$0x1E800] =	vst v63  }
0x1b: {  	_ =	swait.ge [sflag:s12], $0x1400  }
0x1c: {  	[sflag:s12] =	ssyncset.done $0x0  }
0x1d: {  	[sflag:s12] =	ssyncadd.s32 $0xFFFFEC00  }
0x1e: {  	[bflag:$0x0] =	sbarrier.arrive $0xFFFF  }
0x1f: {  	[tilespmem:s15], [sflag:$0x1] =	stream.indirect.gather [hbm4b:s4+s14], $0x80, s3, s14, $0xb8;
	[tilespmem:$0x1E800] =	vst v63  }
0x20: {  	_ = 	snop  }
0x21: {  	[tilespmem:s16], [sflag:$0x2] =	stream.indirect.gather [hbm4b:s4+s14], $0x80, s14, s14, $0xb8;
	[tilespmem:$0x1E800] =	vst v63  }
0x22: {  	_ =	swait.ge [sflag:s17], $0x4000  }
0x23: {  	[sflag:s17] =	ssyncset.done $0x0  }
0x24: {  	s24 =	simm.s32 $0x1400;
	[sflag:s17] =	ssyncadd.s32 $0xFFFFC000  }
0x25: {  	[spmem:s2] =	stream.indirect.scatter.add.f32 [tilespmem:s15], [sflag:$0x3], $0x80, s24, s14, $0xb8;
	[tilespmem:$0x1E800] =	vst v63  }
0x26: {  	_ =	swait.ge [sflag:s18], $0x4000  }
0x27: {  	[sflag:s18] =	ssyncset.done $0x0  }
0x28: {  	s30 =	simm.s32 $0x1480;
	[sflag:s18] =	ssyncadd.s32 $0xFFFFC000  }
0x29: {  	[spmem:s2] =	stream.indirect.scatter.add.f32 [tilespmem:s16], [sflag:$0x4], $0x80, s30, s14, $0xb8;
	[tilespmem:$0x1E800] =	vst v63  }
0x2a: {  	_ =	swait.ge [sflag:s19], $0x4000  }
0x2b: {  	[sflag:s19] =	ssyncset.done $0x0  }
0x2c: {  	s31 =	simm.s32 $0x100;
	[sflag:s19] =	ssyncadd.s32 $0xFFFFC000  }
0x2d: {  	[tilespmem:s15], [sflag:$0x1] =	stream.indirect.gather [hbm4b:s4+s14], $0x80, s31, s14, $0xb8;
	[tilespmem:$0x1E800] =	vst v63  }
0x2e: {  	_ =	swait.ge [sflag:s20], $0x4000  }
0x2f: {  	[sflag:s20] =	ssyncset.done $0x0  }
0x30: {  	s25 =	simm.s32 $0x180;
	s24 =	simm.s32 $0x400;
	[sflag:s20] =	ssyncadd.s32 $0xFFFFC000  }
.LBB2_2:
0x31: {  	[tilespmem:s16], [sflag:$0x2] =	stream.indirect.gather [hbm4b:s4+s14], $0x80, s25, s14, $0xb8;
	[tilespmem:$0x1E800] =	vst v63  }
0x32: {  	s25 =	smov.u32 s24  }
0x33: {  	p0 =	sne.s32 s24, $0x4800;
	s24 =	sadd.s32 $0x400, s24;
	_ =	swait.ge [sflag:s17], $0x4000  }
0x34: {  	s25 =	sshra.s32 s25, $0x2;
	[sflag:s17] =	ssyncset.done $0x0  }
0x35: {  	s26 =	sadd.s32 $0x1400, s25;
	[sflag:s17] =	ssyncadd.s32 $0xFFFFC000  }
0x36: {  	[spmem:s2] =	stream.indirect.scatter.add.f32 [tilespmem:s15], [sflag:$0x3], $0x80, s26, s14, $0xb8;
	[tilespmem:$0x1E800] =	vst v63  }
0x37: {  	_ =	swait.ge [sflag:s18], $0x4000  }
0x38: {  	[sflag:s18] =	ssyncset.done $0x0  }
0x39: {  	s26 =	sadd.s32 $0x1480, s25;
	[sflag:s18] =	ssyncadd.s32 $0xFFFFC000  }
0x3a: {  	[spmem:s2] =	stream.indirect.scatter.add.f32 [tilespmem:s16], [sflag:$0x4], $0x80, s26, s14, $0xb8;
	[tilespmem:$0x1E800] =	vst v63  }
0x3b: {  	_ =	swait.ge [sflag:s19], $0x4000  }
0x3c: {  	[sflag:s19] =	ssyncset.done $0x0  }
.Ltmp0:
0x3d: {  	s26 =	sadd.s32 $0x100, s25;
	[sflag:s19] =	ssyncadd.s32 $0xFFFFC000;
	(pc) =	sbr.rel @p0 .LBB2_2-.Ltmp0, $4  }
0x3e: {  	[tilespmem:s15], [sflag:$0x1] =	stream.indirect.gather [hbm4b:s4+s14], $0x80, s26, s14, $0xb8;
	[tilespmem:$0x1E800] =	vst v63  }
0x3f: {  	_ =	swait.ge [sflag:s20], $0x4000  }
0x40: {  	[sflag:s20] =	ssyncset.done $0x0  }
0x41: {  	s25 =	sadd.s32 $0x180, s25;
	[sflag:s20] =	ssyncadd.s32 $0xFFFFC000  }
0x42: {  	[tilespmem:s16], [sflag:$0x2] =	stream.indirect.gather [hbm4b:s4+s14], $0x80, s25, s14, $0xb8;
	[tilespmem:$0x1E800] =	vst v63  }
0x43: {  	_ =	swait.ge [sflag:s17], $0x4000  }
0x44: {  	[sflag:s17] =	ssyncset.done $0x0  }
0x45: {  	[sflag:s17] =	ssyncadd.s32 $0xFFFFC000  }
0x46: {  	[spmem:s2] =	stream.indirect.scatter.add.f32 [tilespmem:s15], [sflag:$0x3], $0x80, s21, s14, $0xb8;
	[tilespmem:$0x1E800] =	vst v63  }
0x47: {  	_ =	swait.ge [sflag:s19], $0x4000  }
0x48: {  	[sflag:s19] =	ssyncset.done $0x0  }
0x49: {  	[sflag:s19] =	ssyncadd.s32 $0xFFFFC000  }
0x4a: {  	_ =	swait.ge [sflag:s18], $0x4000  }
0x4b: {  	[sflag:s18] =	ssyncset.done $0x0  }
0x4c: {  	[sflag:s18] =	ssyncadd.s32 $0xFFFFC000  }
0x4d: {  	[spmem:s2] =	stream.indirect.scatter.add.f32 [tilespmem:s16], [sflag:$0x4], $0x80, s22, s14, $0xb8;
	[tilespmem:$0x1E800] =	vst v63  }
0x4e: {  	_ =	swait.ge [sflag:s20], $0x4000  }
0x4f: {  	s23 =	sadd.s32 $0x1, s23;
	[sflag:s20] =	ssyncset.done $0x0  }
0x50: {  	p0 =	sne.s32 s23, s10;
	[sflag:s20] =	ssyncadd.s32 $0xFFFFC000  }
.Ltmp1:
0x51: {  	[bflag:$0x0] =	sbarrier.arrive $0xFFFF;
	(pc) =	sbr.rel @p0 .LBB2_1-.Ltmp1, $4  }
0x52: {  	[hbm:s9], [sflag:s6] =	dma.local [spmem:s11], $0x2800  }
0x53: {  	_ =	swait.ge [sflag:s12], $0x2800  }
0x54: {  	[sflag:s12] =	ssyncset.done $0x0  }
0x55: {  	[sflag:s12] =	ssyncadd.s32 $0xFFFFD800  }
0x56: {  	_ =	sfence.sel $0x180000  }
0x57: {  	[bflag:$0x0] =	sbarrier.arrive $0xFFFF  }
0x58: {  	p0 =	sne.s32 s0, $0x0;
	_ =	strace $0x9000004A  }
0x59: {  	s0 =	sadd.s32 @!p0 $0x100000, s1;
	[bflag:$0x2] =	sbarrier.arrive $0xFFFF  }
0x5a: {  	[sflag:s0] =	ssyncadd.tile.s32 @!p0 $0x1;
	_ =	shalt  }
.Lfunc_end2:
_tile_overlayer_lowered:
.L_overlay_start_2:
0x5b: {  	(tag) =	ssettag $0x2  }
0x5c: {  	s0 =	rddreg [dreg:$0x0];
	s2 =	stileid.u32  }
0x5d: {  	s1 =	rddreg [dreg:$0x1];
	p0 =	sne.s32 s2, $0x0  }
0x5e: {  	s3 =	rddreg [dreg:$0x2];
	[bflag:$0x3] =	sbarrier.arrive $0xFFFF;
	s2 =	simm.s32 @!p0 $0x1C05  }
0x5f: {  	[timem:s3], [sflag:s2] =	dma.local @!p0 [hbm:s0], s1  }
0x60: {  	s0 =	simm.s32 @!p0 $0x5  }
0x61: {  	_ =	swait.ge @!p0 [sflag:s0], s1  }
0x62: {  	s1 =	ssub.s32 @!p0 $0x0, s1;
	[sflag:s0] =	ssyncset.done @!p0 $0x0  }
0x63: {  	[sflag:s0] =	ssyncadd.s32 @!p0 s1  }
0x64: {  	[bflag:$0x3] =	sbarrier.arrive $0xFFFF  }
0x65: {  	_ =	shalt  }

// kernel: kernel.15.cloned.1.call-start
scs
__scs_entry_jumppad:
0x0: {  	(pc) =	sbr.rel $0x88, $3  }
0x1: {  	(tag) =	ssettag $0x0;
	lr =	simm.s32 $0x1  }
0x2: {  	[smem:$0x3F9B] =	sst lr;
	_ =	strace $0xD0000000  }
0x3: {  	_ = 	snop  }
0x4: {  	_ = 	snop  }
0x5: {  	_ = 	snop  }
0x6: {  	_ = 	snop  }
0x7: {  	_ = 	snop  }
__scs_overlays_trampoline_lowered:
0x8: {  	[smem:$0x3FAA] =	sst s0  }
0x9: {  	[smem:$0x3FAB] =	sst s1  }
0xa: {  	[smem:$0x3FAC] =	sst s2  }
0xb: {  	[smem:$0x3FAD] =	sst s3  }
0xc: {  	[smem:$0x3FAE] =	sst s4  }
0xd: {  	[smem:$0x3FAF] =	sst s5  }
0xe: {  	[smem:$0x3FB0] =	sst s6  }
0xf: {  	[smem:$0x3FB1] =	sst s7  }
0x10: {  	[smem:$0x3FB2] =	sst s8  }
0x11: {  	[smem:$0x3FB3] =	sst s9;
	s0 =	simm.s32 @!p0 $0x0  }
0x12: {  	s1 =	sld [smem:$0x3F99];
	s0 =	simm.s32 @p0 $0x1  }
0x13: {  	[smem:$0x3FB4] =	sst s0;
	s0 =	simm.s32 @!p1 $0x0  }
0x14: {  	s2 =	sld [smem:$0x3F98];
	s0 =	simm.s32 @p1 $0x1  }
0x15: {  	[smem:$0x3FB5] =	sst s0;
	s0 =	simm.s32 @!p2 $0x0  }
0x16: {  	s3 =	sld [smem:$0x3FDB];
	s0 =	simm.s32 @p2 $0x1  }
0x17: {  	s4 =	simm.s32 $0x1BF5;
	[smem:$0x3FB7] =	sst s0  }
0x18: {  	s0 =	sld [smem:$0x3F9A];
	_ =	swait.ge [sflag:s4], $0x0  }
0x19: {  	s7 =	sld [smem:$0x3F9B]  }
0x1a: {  	s8 =	sadd.s32 $0xFFFFE003, lr  }
0x1b: {  	s9 =	sadd.s32 $0xFFFFFEF7, lr;
	s5 =	simm.s32 $0xFFFFFFFF;
	p2 =	slt.u32 s8, $0xFFFFF086  }
0x1c: {  	p1 =	slt.u32 s9, $0xF7A;
	s5 =	simm.s32 @!p2 $0x0  }
0x1d: {  	s5 =	simm.s32 @p1 $0x1;
	p0 =	seq.s32 s7, s2  }
0x1e: {  	s7 =	smul.u32 @!p0 $0xF7A, s2;
	p2 =	seq.s32 @!p0 s5, $0x0  }
0x1f: {  	s9 =	smul.u32 $0xF7A, s1;
	s8 =	simm.s32 @!p0 $0x1BF5;
	p2 =	por !p2, p0  }
0x20: {  	[sflag:s8] =	ssyncset.s32 @!p0 $0xFFFFF086;
	s6 =	sadd.s32 @!p0 s3, s7;
	s7 =	simm.s32 @!p0 $0x108  }
0x21: {  	s3 =	sadd.s32 s3, s9;
	s6 =	sadd.s32 @!p0 $0x88, s6;
	s7 =	simm.s32 @p2 $0x1082  }
0x22: {  	[simem:s7], [sflag:s8] =	dma.local @!p0 [hbm:s6], $0xF7A  }
0x23: {  	s9 =	sor.u32 $0xD0000000, s2;
	s6 =	simm.s32 $0x108;
	_ =	swait.ge @!p0 [sflag:s8], $0x0  }
0x24: {  	s3 =	sadd.s32 $0x88, s3;
	s6 =	simm.s32 @!p1 $0x1082;
	[sflag:s4] =	ssyncset.s32 $0xFFFFF086  }
0x25: {  	[simem:s6], [sflag:s4] =	dma.local [hbm:s3], $0xF7A  }
0x26: {  	[smem:$0x3F9B] =	sst s1;
	(tag) =	ssettag s2;
	_ =	strace s9  }
0x27: {  	s1 =	sld [smem:$0x3FAB]  }
0x28: {  	s2 =	sld [smem:$0x3FAC]  }
0x29: {  	s4 =	sld [smem:$0x3FAE]  }
0x2a: {  	p0 =	seq.s32 s5, $0x0;
	s5 =	sld [smem:$0x3FAF]  }
0x2b: {  	s6 =	sld [smem:$0x3FB0]  }
0x2c: {  	s7 =	sld [smem:$0x3FB1]  }
0x2d: {  	s3 =	simm.s32 $0x108;
	s8 =	sld [smem:$0x3FB2]  }
0x2e: {  	s3 =	simm.s32 @!p0 $0x1082;
	s9 =	sld [smem:$0x3FB3]  }
0x2f: {  	lr =	sadd.s32 s0, s3;
	s0 =	sld [smem:$0x3FAA]  }
0x30: {  	s3 =	sld [smem:$0x3FAD]  }
0x31: {  	[smem:$0x3FB6] =	sst s10  }
0x32: {  	s10 =	sld [smem:$0x3FB4];
	_ =	sdelay $0x3  }
0x33: {  	p0 =	seq.s32 s10, $0x1;
	s10 =	sld [smem:$0x3FB6];
	_ =	sdelay $0x3  }
0x34: {  	[smem:$0x3FB6] =	sst s10  }
0x35: {  	s10 =	sld [smem:$0x3FB5];
	_ =	sdelay $0x3  }
0x36: {  	p1 =	seq.s32 s10, $0x1;
	s10 =	sld [smem:$0x3FB6];
	_ =	sdelay $0x3  }
0x37: {  	[smem:$0x3FB6] =	sst s10  }
0x38: {  	s10 =	sld [smem:$0x3FB7]  }
0x39: {  	_ = 	snop;
	(pc) =	sbr.ind lr, $3  }
0x3a: {  	_ = 	snop  }
0x3b: {  	_ = 	snop  }
0x3c: {  	p2 =	seq.s32 s10, $0x1;
	s10 =	sld [smem:$0x3FB6]  }
0x3d: {  	_ =	shalt  }
0x3e: {  	_ =	shalt  }
0x3f: {  	_ =	shalt  }
0x40: {  	_ =	shalt  }
0x41: {  	_ =	shalt  }
0x42: {  	_ =	shalt  }
0x43: {  	_ =	shalt  }
0x44: {  	_ =	shalt  }
0x45: {  	_ =	shalt  }
0x46: {  	_ =	shalt  }
0x47: {  	_ =	shalt  }
0x48: {  	_ =	shalt  }
0x49: {  	_ =	shalt  }
0x4a: {  	_ =	shalt  }
0x4b: {  	_ =	shalt  }
0x4c: {  	_ =	shalt  }
0x4d: {  	_ =	shalt  }
0x4e: {  	_ =	shalt  }
0x4f: {  	_ =	shalt  }
0x50: {  	_ =	shalt  }
0x51: {  	_ =	shalt  }
0x52: {  	_ =	shalt  }
0x53: {  	_ =	shalt  }
0x54: {  	_ =	shalt  }
0x55: {  	_ =	shalt  }
0x56: {  	_ =	shalt  }
0x57: {  	_ =	shalt  }
0x58: {  	_ =	shalt  }
0x59: {  	_ =	shalt  }
0x5a: {  	_ =	shalt  }
0x5b: {  	_ =	shalt  }
0x5c: {  	_ =	shalt  }
0x5d: {  	_ =	shalt  }
0x5e: {  	_ =	shalt  }
0x5f: {  	_ =	shalt  }
0x60: {  	_ =	shalt  }
0x61: {  	_ =	shalt  }
0x62: {  	_ =	shalt  }
0x63: {  	_ =	shalt  }
0x64: {  	_ =	shalt  }
0x65: {  	_ =	shalt  }
0x66: {  	_ =	shalt  }
0x67: {  	_ =	shalt  }
0x68: {  	_ =	shalt  }
0x69: {  	_ =	shalt  }
0x6a: {  	_ =	shalt  }
0x6b: {  	_ =	shalt  }
0x6c: {  	_ =	shalt  }
0x6d: {  	_ =	shalt  }
0x6e: {  	_ =	shalt  }
0x6f: {  	_ =	shalt  }
0x70: {  	_ =	shalt  }
0x71: {  	_ =	shalt  }
0x72: {  	_ =	shalt  }
0x73: {  	_ =	shalt  }
0x74: {  	_ =	shalt  }
0x75: {  	_ =	shalt  }
0x76: {  	_ =	shalt  }
0x77: {  	_ =	shalt  }
0x78: {  	_ =	shalt  }
0x79: {  	_ =	shalt  }
0x7a: {  	_ =	shalt  }
0x7b: {  	_ =	shalt  }
0x7c: {  	_ =	shalt  }
0x7d: {  	_ =	shalt  }
0x7e: {  	_ =	shalt  }
0x7f: {  	_ =	shalt  }
0x80: {  	_ =	shalt  }
0x81: {  	_ =	shalt  }
0x82: {  	_ =	shalt  }
0x83: {  	_ =	shalt  }
0x84: {  	_ =	shalt  }
0x85: {  	_ =	shalt  }
0x86: {  	_ =	shalt  }
0x87: {  	_ =	shalt  }
.Lfunc_end0:
.L_simem_size_0:
called_computation.2_lowered:
.L_overlay_start_0:
0x88: {  	s2 =	sld [smem:$0x3FD9]  }
0x89: {  	s3 =	sld [smem:$0x3FFE];
	_ =	sdelay $0x1  }
0x8a: {  	s1 =	srdreg.scid  }
0x8b: {  	s0 =	sand.u32 $0x1, s1  }
0x8c: {  	s17 =	sshll.u32 s0, $0xA;
	s2 =	sadd.s32 s3, s2  }
0x8d: {  	s2 =	sadd.s32 s2, s17  }
0x8e: {  	[smem:$0x3FC2] =	sst s2  }
0x8f: {  	_ = 	snop  }
0x90: {  	s18 =	sld [smem:$0x3FD0];
	(tm) =	ssettm $0x1  }
0x91: {  	s19 =	sld [smem:$0x3FFB];
	_ =	sdelay $0x3  }
0x92: {  	_ =	strace s19  }
0x93: {  	s2 =	sld [smem:$0x3FFC];
	_ =	sdelay $0x3  }
0x94: {  	_ =	strace s2  }
0x95: {  	s2 =	sld [smem:$0x3FFD];
	_ =	sdelay $0x3  }
0x96: {  	_ =	strace s2  }
0x97: {  	_ =	strace $0x8FFFFFFF  }
0x98: {  	s20 =	sld [smem:$0x3FDB];
	_ =	sdelay $0x1  }
0x99: {  	s4 =	simm.s32 $_scs_section_size  }
0x9a: {  	s5 =	simm.s32 $_size__tile_overlayer_lowered;
	s6 =	simm.s32 $_tile_overlayer_lowered  }
0x9b: {  	s7 =	simm.s32 $0x1BFF;
	s21 =	sshll.u32 s6, $0x1;
	s4 =	sadd.s32 s4, s20  }
0x9c: {  	s22 =	simm.s32 $0x0;
	s5 =	sshll.u32 s5, $0x1;
	s6 =	sadd.s32 s21, s4  }
0x9d: {  	[timem:s22], [sflag:s7] =	dma.local [hbm:s6], s5  }
0x9e: {  	_ =	swait.ge [sflag:s7], s5  }
0x9f: {  	s5 =	ssub.s32 $0x0, s5;
	[sflag:s7] =	ssyncset.done $0x0  }
0xa0: {  	[sflag:s7] =	ssyncadd.s32 s5;
	_ =	sdelay $0x1  }
0xa1: {  	s23 =	simm.s32 $0x1B8B  }
0xa2: {  	_ =	swait.ge [sflag:s23], $0x1  }
0xa3: {  	[sflag:s23] =	ssyncset.done $0x0  }
0xa4: {  	[sflag:s23] =	ssyncadd.s32 $0xFFFFFFFF  }
0xa5: {  	s5 =	sld [smem:$0x0]  }
0xa6: {  	s6 =	sand.u32 $0xFFFFFFFE, s1  }
0xa7: {  	p0 =	sne.s32 s1, s6  }
0xa8: {  	s6 =	sshll.u32 @p0 s6, $0xE  }
0xa9: {  	s6 =	sadd.s32 @p0 $0x11B8D, s6;
	s7 =	sshll.u32 @p0 s5, $0x11  }
0xaa: {  	s6 =	sor.u32 @p0 s7, s6  }
0xab: {  	[sflag:s6] =	ssyncadd.remote.s32 @p0 $0x1;
	_ =	sdelay $0x1  }
0xac: {  	s6 =	simm.s32 @p0 $0x1B8D  }
0xad: {  	_ =	swait.eq @p0 [sflag:s6], $0x1  }
0xae: {  	[sflag:s6] =	ssyncadd.s32 @p0 $0xFFFFFFFF  }
0xaf: {  	s7 =	sshll.u32 @!p0 s1, $0xE  }
0xb0: {  	s7 =	sor.u32 @!p0 $0x4000, s7;
	s6 =	simm.s32 @!p0 $0x1B8D  }
0xb1: {  	s5 =	sshll.u32 @!p0 s5, $0x11;
	s7 =	sadd.s32 @!p0 $0x11B8D, s7;
	_ =	swait.eq @!p0 [sflag:s6], $0x1  }
0xb2: {  	s5 =	sor.u32 @!p0 s5, s7;
	[sflag:s6] =	ssyncadd.s32 @!p0 $0xFFFFFFFF  }
0xb3: {  	s25 =	simm.s32 $0x1B8E;
	s24 =	sld [smem:$0x3FFE];
	[sflag:s5] =	ssyncadd.remote.s32 @!p0 $0x1  }
0xb4: {  	s26 =	simm.s32 $execute0_lowered;
	[smem:$0x3FD2] =	sst s25  }
0xb5: {  	s6 =	sshll.u32 s26, $0x1;
	_ =	strace $0x8000004C;
	[dreg:$0x1] =	wrdreg $0xFFFFFFFF  }
0xb6: {  	s28 =	simm.s32 $_size_execute0_lowered;
	s4 =	sadd.s32 s4, s6;
	[dreg:$0x0] =	wrdreg $0x0  }
0xb7: {  	s6 =	sshll.u32 s28, $0x1;
	[dreg:$0x2] =	wrdreg s4  }
0xb8: {  	[dreg:$0x3] =	wrdreg s6  }
0xb9: {  	[dreg:$0x4] =	wrdreg $0xC0  }
0xba: {  	_ =	task [dreg:s22], $0x5FFFF  }
0xbb: {  	[dreg:$0x1] =	wrdreg $0xFFFFFFFF  }
0xbc: {  	[dreg:$0x0] =	wrdreg $0x60  }
0xbd: {  	[dreg:$0x2] =	wrdreg s18  }
0xbe: {  	[dreg:$0x3] =	wrdreg s24  }
0xbf: {  	[dreg:$0x4] =	wrdreg $0xA8000  }
0xc0: {  	[dreg:$0x5] =	wrdreg $0xA  }
0xc1: {  	_ =	task.clear_ibuf [dreg:s22], $0x6FFFF;
	_ =	strace $0x9000004C  }
0xc2: {  	s29 =	simm.s32 $0xA;
	_ =	strace $0x8000004E  }
0xc3: {  	_ =	swait.ge [sflag:s29], $0x1  }
0xc4: {  	[sflag:s29] =	ssyncadd.s32 $0xFFFFFFFF  }
0xc5: {  	_ =	strace $0x9000004E  }
0xc6: {  	_ =	sfence  }
0xc7: {  	s30 =	sld [smem:$0x0];
	_ =	sdelay $0x2  }
0xc8: {  	s31 =	sshll.u32 s1, $0xD;
	s1 =	sshrl.u32 s1, $0x2  }
0xc9: {  	s4 =	sand.u32 $0x4000, s31;
	s1 =	sadd.s32 s1, s30  }
0xca: {  	s0 =	sor.u32 s4, s0;
	s1 =	sshll.u32 s1, $0x11  }
0xcb: {  	s0 =	sor.u32 s1, s0  }
0xcc: {  	s0 =	sadd.s32 $0x8F2B, s0  }
0xcd: {  	[sflag:s0] =	ssyncadd.remote.s32 $0x1  }
0xce: {  	_ =	sfence.sel $0xFFFF  }
0xcf: {  	[dreg:$0x0] =	wrdreg $0xFFFFFFFF;
	(pc) =	sbr.abs _section_cstart, $3  }
0xd0: {  	[dreg:$0x1] =	wrdreg $0xFFFFFFFF  }
0xd1: {  	_ =	task.clear_ibuf [dreg:s22], $0x2FFFF;
	_ =	strace $0x9FFFFFFF  }
0xd2: {  	(tm) =	ssettm $0x7FFFFFFF  }
0xd3: {  	_ =	shalt  }
tec
execute0_lowered:
.L_overlay_start_1:
0x0: {  	(tag) =	ssettag $0x1  }
0x1: {  	s7 =	rddreg [dreg:$0x0]  }
0x2: {  	s0 =	srdreg.scid;
	s6 =	rddreg [dreg:$0x1]  }
0x3: {  	s2 =	rddreg [dreg:$0x2];
	s3 =	simm.s32 $0x0;
	s15 =	simm.s32 $0x2800  }
0x4: {  	s16 =	simm.s32 $0x6800;
	s17 =	simm.s32 $0x1;
	s18 =	simm.s32 $0x2  }
0x5: {  	s19 =	simm.s32 $0x3;
	s20 =	simm.s32 $0x4;
	s21 =	simm.s32 $0x2700  }
0x6: {  	s22 =	simm.s32 $0x2780;
	s5 =	sand.u32 $0x1, s0;
	s0 =	stileid.u32  }
0x7: {  	s23 =	simm.s32 $0x0;
	[smem:$0x7FF] =	sst s3;
	s9 =	smul.u32 $0x14000, s0  }
0x8: {  	s1 =	sshll.u32 s5, $0x4;
	s10 =	smul.u32 $0x140000, s5;
	s5 =	ssub.s32 $0x2, s5  }
0x9: {  	s29 =	smul.u32 $0x50000, s0;
	s31 =	sshll.u32 s0, $0x6;
	s4 =	sor.u32 s0, s1  }
0xa: {  	s1 =	rddreg [dreg:$0x3];
	_ =	strace $0x8000004D;
	s13 =	sshrl.u32 s5, $0x1  }
0xb: {  	s8 =	smul.u32 $0x280, s4;
	s4 =	sadd.s32 $0xF8600, s6;
	s12 =	sshrl.u32 s9, $0x3  }
0xc: {  	s9 =	sadd.s32 s9, s10;
	s13 =	ssub.s32 s5, s13;
	s30 =	sshrl.u32 s29, $0x2  }
0xd: {  	s12 =	sadd.s32 s12, s6;
	s9 =	sshrl.u32 s9, $0x3;
	s14 =	sadd.s32 s30, s2  }
0xe: {  	s10 =	smax.u32 s13, $0x1;
	s13 =	simm.s32 $0x1400;
	s11 =	sadd.s32 s8, s6  }
0xf: {  	s9 =	sadd.s32 s9, s6;
	s5 =	sadd.s32 $0x8600, s12;
	s6 =	sor.u32 $0x1C05, s31  }
0x10: {  	s7 =	sadd.s32 s7, s8;
	s12 =	simm.s32 $0x5;
	s8 =	sadd.s32 $0x2E00, s11  }
0x11: {  	s9 =	sadd.s32 $0x170600, s9;
	s11 =	sshrl.u32 s14, $0x3;
	s14 =	simm.s32 $0x80  }
.LBB2_1:
0x12: {  	[spmem:s11], [sflag:s6] =	dma.local [hbm:s5], $0x2800  }
0x13: {  	_ =	swait.ge [sflag:s12], $0x2800  }
0x14: {  	[sflag:s12] =	ssyncset.done $0x0  }
0x15: {  	[sflag:s12] =	ssyncadd.s32 $0xFFFFD800  }
0x16: {  	[tilespmem:s3], [sflag:$0x5] =	stream.linear.gather [hbm4b:s7+s3], $0x1400, $0x38;
	[tilespmem:$0x1E800] =	vst v63  }
0x17: {  	_ =	swait.ge [sflag:s12], $0x1400  }
0x18: {  	[sflag:s12] =	ssyncset.done $0x0  }
0x19: {  	[sflag:s12] =	ssyncadd.s32 $0xFFFFEC00  }
0x1a: {  	[tilespmem:s13], [sflag:$0x5] =	stream.linear.gather [hbm4b:s8+s3], $0x1400, $0x38;
	[tilespmem:$0x1E800] =	vst v63  }
0x1b: {  	_ =	swait.ge [sflag:s12], $0x1400  }
0x1c: {  	[sflag:s12] =	ssyncset.done $0x0  }
0x1d: {  	[sflag:s12] =	ssyncadd.s32 $0xFFFFEC00  }
0x1e: {  	[bflag:$0x0] =	sbarrier.arrive $0xFFFF  }
0x1f: {  	[tilespmem:s15], [sflag:$0x1] =	stream.indirect.gather [hbm4b:s4+s14], $0x80, s3, s14, $0xb8;
	[tilespmem:$0x1E800] =	vst v63  }
0x20: {  	_ = 	snop  }
0x21: {  	[tilespmem:s16], [sflag:$0x2] =	stream.indirect.gather [hbm4b:s4+s14], $0x80, s14, s14, $0xb8;
	[tilespmem:$0x1E800] =	vst v63  }
0x22: {  	_ =	swait.ge [sflag:s17], $0x4000  }
0x23: {  	[sflag:s17] =	ssyncset.done $0x0  }
0x24: {  	s24 =	simm.s32 $0x1400;
	[sflag:s17] =	ssyncadd.s32 $0xFFFFC000  }
0x25: {  	[spmem:s2] =	stream.indirect.scatter.add.f32 [tilespmem:s15], [sflag:$0x3], $0x80, s24, s14, $0xb8;
	[tilespmem:$0x1E800] =	vst v63  }
0x26: {  	_ =	swait.ge [sflag:s18], $0x4000  }
0x27: {  	[sflag:s18] =	ssyncset.done $0x0  }
0x28: {  	s30 =	simm.s32 $0x1480;
	[sflag:s18] =	ssyncadd.s32 $0xFFFFC000  }
0x29: {  	[spmem:s2] =	stream.indirect.scatter.add.f32 [tilespmem:s16], [sflag:$0x4], $0x80, s30, s14, $0xb8;
	[tilespmem:$0x1E800] =	vst v63  }
0x2a: {  	_ =	swait.ge [sflag:s19], $0x4000  }
0x2b: {  	[sflag:s19] =	ssyncset.done $0x0  }
0x2c: {  	s31 =	simm.s32 $0x100;
	[sflag:s19] =	ssyncadd.s32 $0xFFFFC000  }
0x2d: {  	[tilespmem:s15], [sflag:$0x1] =	stream.indirect.gather [hbm4b:s4+s14], $0x80, s31, s14, $0xb8;
	[tilespmem:$0x1E800] =	vst v63  }
0x2e: {  	_ =	swait.ge [sflag:s20], $0x4000  }
0x2f: {  	[sflag:s20] =	ssyncset.done $0x0  }
0x30: {  	s25 =	simm.s32 $0x180;
	s24 =	simm.s32 $0x400;
	[sflag:s20] =	ssyncadd.s32 $0xFFFFC000  }
.LBB2_2:
0x31: {  	[tilespmem:s16], [sflag:$0x2] =	stream.indirect.gather [hbm4b:s4+s14], $0x80, s25, s14, $0xb8;
	[tilespmem:$0x1E800] =	vst v63  }
0x32: {  	s25 =	smov.u32 s24  }
0x33: {  	p0 =	sne.s32 s24, $0x4800;
	s24 =	sadd.s32 $0x400, s24;
	_ =	swait.ge [sflag:s17], $0x4000  }
0x34: {  	s25 =	sshra.s32 s25, $0x2;
	[sflag:s17] =	ssyncset.done $0x0  }
0x35: {  	s26 =	sadd.s32 $0x1400, s25;
	[sflag:s17] =	ssyncadd.s32 $0xFFFFC000  }
0x36: {  	[spmem:s2] =	stream.indirect.scatter.add.f32 [tilespmem:s15], [sflag:$0x3], $0x80, s26, s14, $0xb8;
	[tilespmem:$0x1E800] =	vst v63  }
0x37: {  	_ =	swait.ge [sflag:s18], $0x4000  }
0x38: {  	[sflag:s18] =	ssyncset.done $0x0  }
0x39: {  	s26 =	sadd.s32 $0x1480, s25;
	[sflag:s18] =	ssyncadd.s32 $0xFFFFC000  }
0x3a: {  	[spmem:s2] =	stream.indirect.scatter.add.f32 [tilespmem:s16], [sflag:$0x4], $0x80, s26, s14, $0xb8;
	[tilespmem:$0x1E800] =	vst v63  }
0x3b: {  	_ =	swait.ge [sflag:s19], $0x4000  }
0x3c: {  	[sflag:s19] =	ssyncset.done $0x0  }
.Ltmp0:
0x3d: {  	s26 =	sadd.s32 $0x100, s25;
	[sflag:s19] =	ssyncadd.s32 $0xFFFFC000;
	(pc) =	sbr.rel @p0 .LBB2_2-.Ltmp0, $4  }
0x3e: {  	[tilespmem:s15], [sflag:$0x1] =	stream.indirect.gather [hbm4b:s4+s14], $0x80, s26, s14, $0xb8;
	[tilespmem:$0x1E800] =	vst v63  }
0x3f: {  	_ =	swait.ge [sflag:s20], $0x4000  }
0x40: {  	[sflag:s20] =	ssyncset.done $0x0  }
0x41: {  	s25 =	sadd.s32 $0x180, s25;
	[sflag:s20] =	ssyncadd.s32 $0xFFFFC000  }
0x42: {  	[tilespmem:s16], [sflag:$0x2] =	stream.indirect.gather [hbm4b:s4+s14], $0x80, s25, s14, $0xb8;
	[tilespmem:$0x1E800] =	vst v63  }
0x43: {  	_ =	swait.ge [sflag:s17], $0x4000  }
0x44: {  	[sflag:s17] =	ssyncset.done $0x0  }
0x45: {  	[sflag:s17] =	ssyncadd.s32 $0xFFFFC000  }
0x46: {  	[spmem:s2] =	stream.indirect.scatter.add.f32 [tilespmem:s15], [sflag:$0x3], $0x80, s21, s14, $0xb8;
	[tilespmem:$0x1E800] =	vst v63  }
0x47: {  	_ =	swait.ge [sflag:s19], $0x4000  }
0x48: {  	[sflag:s19] =	ssyncset.done $0x0  }
0x49: {  	[sflag:s19] =	ssyncadd.s32 $0xFFFFC000  }
0x4a: {  	_ =	swait.ge [sflag:s18], $0x4000  }
0x4b: {  	[sflag:s18] =	ssyncset.done $0x0  }
0x4c: {  	[sflag:s18] =	ssyncadd.s32 $0xFFFFC000  }
0x4d: {  	[spmem:s2] =	stream.indirect.scatter.add.f32 [tilespmem:s16], [sflag:$0x4], $0x80, s22, s14, $0xb8;
	[tilespmem:$0x1E800] =	vst v63  }
0x4e: {  	_ =	swait.ge [sflag:s20], $0x4000  }
0x4f: {  	s23 =	sadd.s32 $0x1, s23;
	[sflag:s20] =	ssyncset.done $0x0  }
0x50: {  	p0 =	sne.s32 s23, s10;
	[sflag:s20] =	ssyncadd.s32 $0xFFFFC000  }
.Ltmp1:
0x51: {  	[bflag:$0x0] =	sbarrier.arrive $0xFFFF;
	(pc) =	sbr.rel @p0 .LBB2_1-.Ltmp1, $4  }
0x52: {  	[hbm:s9], [sflag:s6] =	dma.local [spmem:s11], $0x2800  }
0x53: {  	_ =	swait.ge [sflag:s12], $0x2800  }
0x54: {  	[sflag:s12] =	ssyncset.done $0x0  }
0x55: {  	[sflag:s12] =	ssyncadd.s32 $0xFFFFD800  }
0x56: {  	_ =	sfence.sel $0x180000  }
0x57: {  	[bflag:$0x0] =	sbarrier.arrive $0xFFFF  }
0x58: {  	p0 =	sne.s32 s0, $0x0;
	_ =	strace $0x9000004D  }
0x59: {  	s0 =	sadd.s32 @!p0 $0x100000, s1;
	[bflag:$0x2] =	sbarrier.arrive $0xFFFF  }
0x5a: {  	[sflag:s0] =	ssyncadd.tile.s32 @!p0 $0x1;
	_ =	shalt  }
.Lfunc_end2:
_tile_overlayer_lowered:
.L_overlay_start_2:
0x5b: {  	(tag) =	ssettag $0x2  }
0x5c: {  	s0 =	rddreg [dreg:$0x0];
	s2 =	stileid.u32  }
0x5d: {  	s1 =	rddreg [dreg:$0x1];
	p0 =	sne.s32 s2, $0x0  }
0x5e: {  	s3 =	rddreg [dreg:$0x2];
	[bflag:$0x3] =	sbarrier.arrive $0xFFFF;
	s2 =	simm.s32 @!p0 $0x1C05  }
0x5f: {  	[timem:s3], [sflag:s2] =	dma.local @!p0 [hbm:s0], s1  }
0x60: {  	s0 =	simm.s32 @!p0 $0x5  }
0x61: {  	_ =	swait.ge @!p0 [sflag:s0], s1  }
0x62: {  	s1 =	ssub.s32 @!p0 $0x0, s1;
	[sflag:s0] =	ssyncset.done @!p0 $0x0  }
0x63: {  	[sflag:s0] =	ssyncadd.s32 @!p0 s1  }
0x64: {  	[bflag:$0x3] =	sbarrier.arrive $0xFFFF  }
0x65: {  	_ =	shalt  }

// kernel: kernel.18.cloned.1.call-start
scs
__scs_entry_jumppad:
0x0: {  	(pc) =	sbr.rel $0x88, $3  }
0x1: {  	(tag) =	ssettag $0x0;
	lr =	simm.s32 $0x1  }
0x2: {  	[smem:$0x3F9B] =	sst lr;
	_ =	strace $0xD0000000  }
0x3: {  	_ = 	snop  }
0x4: {  	_ = 	snop  }
0x5: {  	_ = 	snop  }
0x6: {  	_ = 	snop  }
0x7: {  	_ = 	snop  }
__scs_overlays_trampoline_lowered:
0x8: {  	[smem:$0x3FAA] =	sst s0  }
0x9: {  	[smem:$0x3FAB] =	sst s1  }
0xa: {  	[smem:$0x3FAC] =	sst s2  }
0xb: {  	[smem:$0x3FAD] =	sst s3  }
0xc: {  	[smem:$0x3FAE] =	sst s4  }
0xd: {  	[smem:$0x3FAF] =	sst s5  }
0xe: {  	[smem:$0x3FB0] =	sst s6  }
0xf: {  	[smem:$0x3FB1] =	sst s7  }
0x10: {  	[smem:$0x3FB2] =	sst s8  }
0x11: {  	[smem:$0x3FB3] =	sst s9;
	s0 =	simm.s32 @!p0 $0x0  }
0x12: {  	s1 =	sld [smem:$0x3F99];
	s0 =	simm.s32 @p0 $0x1  }
0x13: {  	[smem:$0x3FB4] =	sst s0;
	s0 =	simm.s32 @!p1 $0x0  }
0x14: {  	s2 =	sld [smem:$0x3F98];
	s0 =	simm.s32 @p1 $0x1  }
0x15: {  	[smem:$0x3FB5] =	sst s0;
	s0 =	simm.s32 @!p2 $0x0  }
0x16: {  	s3 =	sld [smem:$0x3FDB];
	s0 =	simm.s32 @p2 $0x1  }
0x17: {  	s4 =	simm.s32 $0x1BF5;
	[smem:$0x3FB7] =	sst s0  }
0x18: {  	s0 =	sld [smem:$0x3F9A];
	_ =	swait.ge [sflag:s4], $0x0  }
0x19: {  	s7 =	sld [smem:$0x3F9B]  }
0x1a: {  	s8 =	sadd.s32 $0xFFFFE003, lr  }
0x1b: {  	s9 =	sadd.s32 $0xFFFFFEF7, lr;
	s5 =	simm.s32 $0xFFFFFFFF;
	p2 =	slt.u32 s8, $0xFFFFF086  }
0x1c: {  	p1 =	slt.u32 s9, $0xF7A;
	s5 =	simm.s32 @!p2 $0x0  }
0x1d: {  	s5 =	simm.s32 @p1 $0x1;
	p0 =	seq.s32 s7, s2  }
0x1e: {  	s7 =	smul.u32 @!p0 $0xF7A, s2;
	p2 =	seq.s32 @!p0 s5, $0x0  }
0x1f: {  	s9 =	smul.u32 $0xF7A, s1;
	s8 =	simm.s32 @!p0 $0x1BF5;
	p2 =	por !p2, p0  }
0x20: {  	[sflag:s8] =	ssyncset.s32 @!p0 $0xFFFFF086;
	s6 =	sadd.s32 @!p0 s3, s7;
	s7 =	simm.s32 @!p0 $0x108  }
0x21: {  	s3 =	sadd.s32 s3, s9;
	s6 =	sadd.s32 @!p0 $0x88, s6;
	s7 =	simm.s32 @p2 $0x1082  }
0x22: {  	[simem:s7], [sflag:s8] =	dma.local @!p0 [hbm:s6], $0xF7A  }
0x23: {  	s9 =	sor.u32 $0xD0000000, s2;
	s6 =	simm.s32 $0x108;
	_ =	swait.ge @!p0 [sflag:s8], $0x0  }
0x24: {  	s3 =	sadd.s32 $0x88, s3;
	s6 =	simm.s32 @!p1 $0x1082;
	[sflag:s4] =	ssyncset.s32 $0xFFFFF086  }
0x25: {  	[simem:s6], [sflag:s4] =	dma.local [hbm:s3], $0xF7A  }
0x26: {  	[smem:$0x3F9B] =	sst s1;
	(tag) =	ssettag s2;
	_ =	strace s9  }
0x27: {  	s1 =	sld [smem:$0x3FAB]  }
0x28: {  	s2 =	sld [smem:$0x3FAC]  }
0x29: {  	s4 =	sld [smem:$0x3FAE]  }
0x2a: {  	p0 =	seq.s32 s5, $0x0;
	s5 =	sld [smem:$0x3FAF]  }
0x2b: {  	s6 =	sld [smem:$0x3FB0]  }
0x2c: {  	s7 =	sld [smem:$0x3FB1]  }
0x2d: {  	s3 =	simm.s32 $0x108;
	s8 =	sld [smem:$0x3FB2]  }
0x2e: {  	s3 =	simm.s32 @!p0 $0x1082;
	s9 =	sld [smem:$0x3FB3]  }
0x2f: {  	lr =	sadd.s32 s0, s3;
	s0 =	sld [smem:$0x3FAA]  }
0x30: {  	s3 =	sld [smem:$0x3FAD]  }
0x31: {  	[smem:$0x3FB6] =	sst s10  }
0x32: {  	s10 =	sld [smem:$0x3FB4];
	_ =	sdelay $0x3  }
0x33: {  	p0 =	seq.s32 s10, $0x1;
	s10 =	sld [smem:$0x3FB6];
	_ =	sdelay $0x3  }
0x34: {  	[smem:$0x3FB6] =	sst s10  }
0x35: {  	s10 =	sld [smem:$0x3FB5];
	_ =	sdelay $0x3  }
0x36: {  	p1 =	seq.s32 s10, $0x1;
	s10 =	sld [smem:$0x3FB6];
	_ =	sdelay $0x3  }
0x37: {  	[smem:$0x3FB6] =	sst s10  }
0x38: {  	s10 =	sld [smem:$0x3FB7]  }
0x39: {  	_ = 	snop;
	(pc) =	sbr.ind lr, $3  }
0x3a: {  	_ = 	snop  }
0x3b: {  	_ = 	snop  }
0x3c: {  	p2 =	seq.s32 s10, $0x1;
	s10 =	sld [smem:$0x3FB6]  }
0x3d: {  	_ =	shalt  }
0x3e: {  	_ =	shalt  }
0x3f: {  	_ =	shalt  }
0x40: {  	_ =	shalt  }
0x41: {  	_ =	shalt  }
0x42: {  	_ =	shalt  }
0x43: {  	_ =	shalt  }
0x44: {  	_ =	shalt  }
0x45: {  	_ =	shalt  }
0x46: {  	_ =	shalt  }
0x47: {  	_ =	shalt  }
0x48: {  	_ =	shalt  }
0x49: {  	_ =	shalt  }
0x4a: {  	_ =	shalt  }
0x4b: {  	_ =	shalt  }
0x4c: {  	_ =	shalt  }
0x4d: {  	_ =	shalt  }
0x4e: {  	_ =	shalt  }
0x4f: {  	_ =	shalt  }
0x50: {  	_ =	shalt  }
0x51: {  	_ =	shalt  }
0x52: {  	_ =	shalt  }
0x53: {  	_ =	shalt  }
0x54: {  	_ =	shalt  }
0x55: {  	_ =	shalt  }
0x56: {  	_ =	shalt  }
0x57: {  	_ =	shalt  }
0x58: {  	_ =	shalt  }
0x59: {  	_ =	shalt  }
0x5a: {  	_ =	shalt  }
0x5b: {  	_ =	shalt  }
0x5c: {  	_ =	shalt  }
0x5d: {  	_ =	shalt  }
0x5e: {  	_ =	shalt  }
0x5f: {  	_ =	shalt  }
0x60: {  	_ =	shalt  }
0x61: {  	_ =	shalt  }
0x62: {  	_ =	shalt  }
0x63: {  	_ =	shalt  }
0x64: {  	_ =	shalt  }
0x65: {  	_ =	shalt  }
0x66: {  	_ =	shalt  }
0x67: {  	_ =	shalt  }
0x68: {  	_ =	shalt  }
0x69: {  	_ =	shalt  }
0x6a: {  	_ =	shalt  }
0x6b: {  	_ =	shalt  }
0x6c: {  	_ =	shalt  }
0x6d: {  	_ =	shalt  }
0x6e: {  	_ =	shalt  }
0x6f: {  	_ =	shalt  }
0x70: {  	_ =	shalt  }
0x71: {  	_ =	shalt  }
0x72: {  	_ =	shalt  }
0x73: {  	_ =	shalt  }
0x74: {  	_ =	shalt  }
0x75: {  	_ =	shalt  }
0x76: {  	_ =	shalt  }
0x77: {  	_ =	shalt  }
0x78: {  	_ =	shalt  }
0x79: {  	_ =	shalt  }
0x7a: {  	_ =	shalt  }
0x7b: {  	_ =	shalt  }
0x7c: {  	_ =	shalt  }
0x7d: {  	_ =	shalt  }
0x7e: {  	_ =	shalt  }
0x7f: {  	_ =	shalt  }
0x80: {  	_ =	shalt  }
0x81: {  	_ =	shalt  }
0x82: {  	_ =	shalt  }
0x83: {  	_ =	shalt  }
0x84: {  	_ =	shalt  }
0x85: {  	_ =	shalt  }
0x86: {  	_ =	shalt  }
0x87: {  	_ =	shalt  }
.Lfunc_end0:
.L_simem_size_0:
called_computation.3_lowered:
.L_overlay_start_0:
0x88: {  	s2 =	sld [smem:$0x3FD9]  }
0x89: {  	s3 =	sld [smem:$0x3FFE];
	_ =	sdelay $0x1  }
0x8a: {  	s1 =	srdreg.scid  }
0x8b: {  	s0 =	sand.u32 $0x1, s1  }
0x8c: {  	s17 =	sshll.u32 s0, $0xA;
	s2 =	sadd.s32 s3, s2  }
0x8d: {  	s2 =	sadd.s32 s2, s17  }
0x8e: {  	[smem:$0x3FC2] =	sst s2  }
0x8f: {  	_ = 	snop  }
0x90: {  	s2 =	sld [smem:$0x3FD0];
	(tm) =	ssettm $0x1  }
0x91: {  	s18 =	sld [smem:$0x3FFB];
	_ =	sdelay $0x3  }
0x92: {  	_ =	strace s18  }
0x93: {  	s3 =	sld [smem:$0x3FFC];
	_ =	sdelay $0x3  }
0x94: {  	_ =	strace s3  }
0x95: {  	s3 =	sld [smem:$0x3FFD];
	_ =	sdelay $0x3  }
0x96: {  	_ =	strace s3  }
0x97: {  	_ =	strace $0x8FFFFFFF  }
0x98: {  	s19 =	sld [smem:$0x3FDB];
	_ =	sdelay $0x1  }
0x99: {  	s4 =	simm.s32 $_scs_section_size  }
0x9a: {  	s5 =	simm.s32 $_size__tile_overlayer_lowered;
	s6 =	simm.s32 $_tile_overlayer_lowered  }
0x9b: {  	s22 =	simm.s32 $0x1BFF;
	s21 =	sshll.u32 s6, $0x1;
	s3 =	sadd.s32 s4, s19  }
0x9c: {  	s7 =	simm.s32 $0x0;
	s20 =	sshll.u32 s5, $0x1;
	s5 =	sadd.s32 s21, s3  }
0x9d: {  	[timem:s7], [sflag:s22] =	dma.local [hbm:s5], s20  }
0x9e: {  	_ =	swait.ge [sflag:s22], s20  }
0x9f: {  	s4 =	ssub.s32 $0x0, s20;
	[sflag:s22] =	ssyncset.done $0x0  }
0xa0: {  	[sflag:s22] =	ssyncadd.s32 s4;
	_ =	sdelay $0x1  }
0xa1: {  	s23 =	simm.s32 $0x1B8B  }
0xa2: {  	_ =	swait.ge [sflag:s23], $0x1  }
0xa3: {  	[sflag:s23] =	ssyncset.done $0x0  }
0xa4: {  	s25 =	simm.s32 $0x1B8E;
	s24 =	sld [smem:$0x3FFE];
	[sflag:s23] =	ssyncadd.s32 $0xFFFFFFFF  }
0xa5: {  	s26 =	simm.s32 $execute0_lowered;
	[smem:$0x3FD2] =	sst s25  }
0xa6: {  	s5 =	sshll.u32 s26, $0x1;
	_ =	strace $0x8000004F;
	[dreg:$0x1] =	wrdreg $0xFFFFFFFF  }
0xa7: {  	s28 =	simm.s32 $_size_execute0_lowered;
	s3 =	sadd.s32 s3, s5;
	[dreg:$0x0] =	wrdreg $0x0  }
0xa8: {  	s5 =	sshll.u32 s28, $0x1;
	[dreg:$0x2] =	wrdreg s3  }
0xa9: {  	[dreg:$0x3] =	wrdreg s5  }
0xaa: {  	[dreg:$0x4] =	wrdreg $0xC0  }
0xab: {  	_ =	task [dreg:s7], $0x5FFFF  }
0xac: {  	[dreg:$0x1] =	wrdreg $0xFFFFFFFF  }
0xad: {  	[dreg:$0x0] =	wrdreg $0x60  }
0xae: {  	[dreg:$0x2] =	wrdreg s2  }
0xaf: {  	[dreg:$0x3] =	wrdreg s24  }
0xb0: {  	[dreg:$0x4] =	wrdreg $0xA8000  }
0xb1: {  	[dreg:$0x5] =	wrdreg $0x9  }
0xb2: {  	_ =	task.clear_ibuf [dreg:s7], $0x6FFFF;
	_ =	strace $0x9000004F  }
0xb3: {  	s29 =	simm.s32 $0x9;
	_ =	strace $0x80000051  }
0xb4: {  	_ =	swait.ge [sflag:s29], $0x1  }
0xb5: {  	[sflag:s29] =	ssyncadd.s32 $0xFFFFFFFF  }
0xb6: {  	_ =	strace $0x90000051  }
0xb7: {  	_ =	sfence  }
0xb8: {  	s30 =	sld [smem:$0x0];
	_ =	sdelay $0x2  }
0xb9: {  	s31 =	sshll.u32 s1, $0xD;
	s1 =	sshrl.u32 s1, $0x2  }
0xba: {  	s3 =	sand.u32 $0x4000, s31;
	s1 =	sadd.s32 s1, s30  }
0xbb: {  	s0 =	sor.u32 s3, s0;
	s1 =	sshll.u32 s1, $0x11  }
0xbc: {  	s0 =	sor.u32 s1, s0  }
0xbd: {  	s0 =	sadd.s32 $0x8F2B, s0  }
0xbe: {  	[sflag:s0] =	ssyncadd.remote.s32 $0x1  }
0xbf: {  	_ =	sfence.sel $0xFFFF  }
0xc0: {  	[dreg:$0x0] =	wrdreg $0xFFFFFFFF;
	(pc) =	sbr.abs _section_cstart, $3  }
0xc1: {  	[dreg:$0x1] =	wrdreg $0xFFFFFFFF  }
0xc2: {  	_ =	task.clear_ibuf [dreg:s7], $0x2FFFF;
	_ =	strace $0x9FFFFFFF  }
0xc3: {  	(tm) =	ssettm $0x7FFFFFFF  }
tec
execute0_lowered:
.L_overlay_start_1:
0x0: {  	(tag) =	ssettag $0x1  }
0x1: {  	s7 =	rddreg [dreg:$0x0]  }
0x2: {  	s0 =	srdreg.scid;
	s6 =	rddreg [dreg:$0x1]  }
0x3: {  	s2 =	rddreg [dreg:$0x2];
	s3 =	simm.s32 $0x0;
	s15 =	simm.s32 $0x2800  }
0x4: {  	s16 =	simm.s32 $0x6800;
	s17 =	simm.s32 $0x1;
	s18 =	simm.s32 $0x2  }
0x5: {  	s19 =	simm.s32 $0x3;
	s20 =	simm.s32 $0x4;
	s21 =	simm.s32 $0x2700  }
0x6: {  	s22 =	simm.s32 $0x2780;
	s5 =	sand.u32 $0x1, s0;
	s0 =	stileid.u32  }
0x7: {  	s23 =	simm.s32 $0x0;
	[smem:$0x7FF] =	sst s3;
	s9 =	smul.u32 $0x14000, s0  }
0x8: {  	s1 =	sshll.u32 s5, $0x4;
	s10 =	smul.u32 $0x140000, s5;
	s5 =	ssub.s32 $0x2, s5  }
0x9: {  	s29 =	smul.u32 $0x50000, s0;
	s31 =	sshll.u32 s0, $0x6;
	s4 =	sor.u32 s0, s1  }
0xa: {  	s1 =	rddreg [dreg:$0x3];
	_ =	strace $0x80000050;
	s13 =	sshrl.u32 s5, $0x1  }
0xb: {  	s8 =	smul.u32 $0x280, s4;
	s4 =	sadd.s32 $0x80600, s6;
	s12 =	sshrl.u32 s9, $0x3  }
0xc: {  	s9 =	sadd.s32 s9, s10;
	s13 =	ssub.s32 s5, s13;
	s30 =	sshrl.u32 s29, $0x2  }
0xd: {  	s12 =	sadd.s32 s12, s6;
	s9 =	sshrl.u32 s9, $0x3;
	s14 =	sadd.s32 s30, s2  }
0xe: {  	s10 =	smax.u32 s13, $0x1;
	s13 =	simm.s32 $0x1400;
	s11 =	sadd.s32 s8, s6  }
0xf: {  	s9 =	sadd.s32 s9, s6;
	s5 =	sadd.s32 $0x8600, s12;
	s6 =	sor.u32 $0x1C05, s31  }
0x10: {  	s7 =	sadd.s32 s7, s8;
	s12 =	simm.s32 $0x5;
	s8 =	sadd.s32 $0x2E00, s11  }
0x11: {  	s9 =	sadd.s32 $0xA8600, s9;
	s11 =	sshrl.u32 s14, $0x3;
	s14 =	simm.s32 $0x80  }
.LBB2_1:
0x12: {  	[spmem:s11], [sflag:s6] =	dma.local [hbm:s5], $0x2800  }
0x13: {  	_ =	swait.ge [sflag:s12], $0x2800  }
0x14: {  	[sflag:s12] =	ssyncset.done $0x0  }
0x15: {  	[sflag:s12] =	ssyncadd.s32 $0xFFFFD800  }
0x16: {  	[tilespmem:s3], [sflag:$0x5] =	stream.linear.gather [hbm4b:s7+s3], $0x1400, $0x38;
	[tilespmem:$0x1E800] =	vst v63  }
0x17: {  	_ =	swait.ge [sflag:s12], $0x1400  }
0x18: {  	[sflag:s12] =	ssyncset.done $0x0  }
0x19: {  	[sflag:s12] =	ssyncadd.s32 $0xFFFFEC00  }
0x1a: {  	[tilespmem:s13], [sflag:$0x5] =	stream.linear.gather [hbm4b:s8+s3], $0x1400, $0x38;
	[tilespmem:$0x1E800] =	vst v63  }
0x1b: {  	_ =	swait.ge [sflag:s12], $0x1400  }
0x1c: {  	[sflag:s12] =	ssyncset.done $0x0  }
0x1d: {  	[sflag:s12] =	ssyncadd.s32 $0xFFFFEC00  }
0x1e: {  	[bflag:$0x0] =	sbarrier.arrive $0xFFFF  }
0x1f: {  	[tilespmem:s15], [sflag:$0x1] =	stream.indirect.gather [hbm4b:s4+s14], $0x80, s3, s14, $0xb8;
	[tilespmem:$0x1E800] =	vst v63  }
0x20: {  	_ = 	snop  }
0x21: {  	[tilespmem:s16], [sflag:$0x2] =	stream.indirect.gather [hbm4b:s4+s14], $0x80, s14, s14, $0xb8;
	[tilespmem:$0x1E800] =	vst v63  }
0x22: {  	_ =	swait.ge [sflag:s17], $0x4000  }
0x23: {  	[sflag:s17] =	ssyncset.done $0x0  }
0x24: {  	s24 =	simm.s32 $0x1400;
	[sflag:s17] =	ssyncadd.s32 $0xFFFFC000  }
0x25: {  	[spmem:s2] =	stream.indirect.scatter.add.f32 [tilespmem:s15], [sflag:$0x3], $0x80, s24, s14, $0xb8;
	[tilespmem:$0x1E800] =	vst v63  }
0x26: {  	_ =	swait.ge [sflag:s18], $0x4000  }
0x27: {  	[sflag:s18] =	ssyncset.done $0x0  }
0x28: {  	s30 =	simm.s32 $0x1480;
	[sflag:s18] =	ssyncadd.s32 $0xFFFFC000  }
0x29: {  	[spmem:s2] =	stream.indirect.scatter.add.f32 [tilespmem:s16], [sflag:$0x4], $0x80, s30, s14, $0xb8;
	[tilespmem:$0x1E800] =	vst v63  }
0x2a: {  	_ =	swait.ge [sflag:s19], $0x4000  }
0x2b: {  	[sflag:s19] =	ssyncset.done $0x0  }
0x2c: {  	s31 =	simm.s32 $0x100;
	[sflag:s19] =	ssyncadd.s32 $0xFFFFC000  }
0x2d: {  	[tilespmem:s15], [sflag:$0x1] =	stream.indirect.gather [hbm4b:s4+s14], $0x80, s31, s14, $0xb8;
	[tilespmem:$0x1E800] =	vst v63  }
0x2e: {  	_ =	swait.ge [sflag:s20], $0x4000  }
0x2f: {  	[sflag:s20] =	ssyncset.done $0x0  }
0x30: {  	s25 =	simm.s32 $0x180;
	s24 =	simm.s32 $0x400;
	[sflag:s20] =	ssyncadd.s32 $0xFFFFC000  }
.LBB2_2:
0x31: {  	[tilespmem:s16], [sflag:$0x2] =	stream.indirect.gather [hbm4b:s4+s14], $0x80, s25, s14, $0xb8;
	[tilespmem:$0x1E800] =	vst v63  }
0x32: {  	s25 =	smov.u32 s24  }
0x33: {  	p0 =	sne.s32 s24, $0x4800;
	s24 =	sadd.s32 $0x400, s24;
	_ =	swait.ge [sflag:s17], $0x4000  }
0x34: {  	s25 =	sshra.s32 s25, $0x2;
	[sflag:s17] =	ssyncset.done $0x0  }
0x35: {  	s26 =	sadd.s32 $0x1400, s25;
	[sflag:s17] =	ssyncadd.s32 $0xFFFFC000  }
0x36: {  	[spmem:s2] =	stream.indirect.scatter.add.f32 [tilespmem:s15], [sflag:$0x3], $0x80, s26, s14, $0xb8;
	[tilespmem:$0x1E800] =	vst v63  }
0x37: {  	_ =	swait.ge [sflag:s18], $0x4000  }
0x38: {  	[sflag:s18] =	ssyncset.done $0x0  }
0x39: {  	s26 =	sadd.s32 $0x1480, s25;
	[sflag:s18] =	ssyncadd.s32 $0xFFFFC000  }
0x3a: {  	[spmem:s2] =	stream.indirect.scatter.add.f32 [tilespmem:s16], [sflag:$0x4], $0x80, s26, s14, $0xb8;
	[tilespmem:$0x1E800] =	vst v63  }
0x3b: {  	_ =	swait.ge [sflag:s19], $0x4000  }
0x3c: {  	[sflag:s19] =	ssyncset.done $0x0  }
.Ltmp0:
0x3d: {  	s26 =	sadd.s32 $0x100, s25;
	[sflag:s19] =	ssyncadd.s32 $0xFFFFC000;
	(pc) =	sbr.rel @p0 .LBB2_2-.Ltmp0, $4  }
0x3e: {  	[tilespmem:s15], [sflag:$0x1] =	stream.indirect.gather [hbm4b:s4+s14], $0x80, s26, s14, $0xb8;
	[tilespmem:$0x1E800] =	vst v63  }
0x3f: {  	_ =	swait.ge [sflag:s20], $0x4000  }
0x40: {  	[sflag:s20] =	ssyncset.done $0x0  }
0x41: {  	s25 =	sadd.s32 $0x180, s25;
	[sflag:s20] =	ssyncadd.s32 $0xFFFFC000  }
0x42: {  	[tilespmem:s16], [sflag:$0x2] =	stream.indirect.gather [hbm4b:s4+s14], $0x80, s25, s14, $0xb8;
	[tilespmem:$0x1E800] =	vst v63  }
0x43: {  	_ =	swait.ge [sflag:s17], $0x4000  }
0x44: {  	[sflag:s17] =	ssyncset.done $0x0  }
0x45: {  	[sflag:s17] =	ssyncadd.s32 $0xFFFFC000  }
0x46: {  	[spmem:s2] =	stream.indirect.scatter.add.f32 [tilespmem:s15], [sflag:$0x3], $0x80, s21, s14, $0xb8;
	[tilespmem:$0x1E800] =	vst v63  }
0x47: {  	_ =	swait.ge [sflag:s19], $0x4000  }
0x48: {  	[sflag:s19] =	ssyncset.done $0x0  }
0x49: {  	[sflag:s19] =	ssyncadd.s32 $0xFFFFC000  }
0x4a: {  	_ =	swait.ge [sflag:s18], $0x4000  }
0x4b: {  	[sflag:s18] =	ssyncset.done $0x0  }
0x4c: {  	[sflag:s18] =	ssyncadd.s32 $0xFFFFC000  }
0x4d: {  	[spmem:s2] =	stream.indirect.scatter.add.f32 [tilespmem:s16], [sflag:$0x4], $0x80, s22, s14, $0xb8;
	[tilespmem:$0x1E800] =	vst v63  }
0x4e: {  	_ =	swait.ge [sflag:s20], $0x4000  }
0x4f: {  	s23 =	sadd.s32 $0x1, s23;
	[sflag:s20] =	ssyncset.done $0x0  }
0x50: {  	p0 =	sne.s32 s23, s10;
	[sflag:s20] =	ssyncadd.s32 $0xFFFFC000  }
.Ltmp1:
0x51: {  	[bflag:$0x0] =	sbarrier.arrive $0xFFFF;
	(pc) =	sbr.rel @p0 .LBB2_1-.Ltmp1, $4  }
0x52: {  	[hbm:s9], [sflag:s6] =	dma.local [spmem:s11], $0x2800  }
0x53: {  	_ =	swait.ge [sflag:s12], $0x2800  }
0x54: {  	[sflag:s12] =	ssyncset.done $0x0  }
0x55: {  	[sflag:s12] =	ssyncadd.s32 $0xFFFFD800  }
0x56: {  	_ =	sfence.sel $0x180000  }
0x57: {  	[bflag:$0x0] =	sbarrier.arrive $0xFFFF  }
0x58: {  	p0 =	sne.s32 s0, $0x0;
	_ =	strace $0x90000050  }
0x59: {  	s0 =	sadd.s32 @!p0 $0x100000, s1;
	[bflag:$0x2] =	sbarrier.arrive $0xFFFF  }
0x5a: {  	[sflag:s0] =	ssyncadd.tile.s32 @!p0 $0x1;
	_ =	shalt  }
.Lfunc_end2:
_tile_overlayer_lowered:
.L_overlay_start_2:
0x5b: {  	(tag) =	ssettag $0x2  }
0x5c: {  	s0 =	rddreg [dreg:$0x0];
	s2 =	stileid.u32  }
0x5d: {  	s1 =	rddreg [dreg:$0x1];
	p0 =	sne.s32 s2, $0x0  }
0x5e: {  	s3 =	rddreg [dreg:$0x2];
	[bflag:$0x3] =	sbarrier.arrive $0xFFFF;
	s2 =	simm.s32 @!p0 $0x1C05  }
0x5f: {  	[timem:s3], [sflag:s2] =	dma.local @!p0 [hbm:s0], s1  }
0x60: {  	s0 =	simm.s32 @!p0 $0x5  }
0x61: {  	_ =	swait.ge @!p0 [sflag:s0], s1  }
0x62: {  	s1 =	ssub.s32 @!p0 $0x0, s1;
	[sflag:s0] =	ssyncset.done @!p0 $0x0  }
0x63: {  	[sflag:s0] =	ssyncadd.s32 @!p0 s1  }
0x64: {  	[bflag:$0x3] =	sbarrier.arrive $0xFFFF  }
0x65: {  	_ =	shalt  }

// kernel: kernel.9.cloned.1.call-start
scs
__scs_entry_jumppad:
0x0: {  	(pc) =	sbr.rel $0x88, $3  }
0x1: {  	(tag) =	ssettag $0x0;
	lr =	simm.s32 $0x1  }
0x2: {  	[smem:$0x3F9B] =	sst lr;
	_ =	strace $0xD0000000  }
0x3: {  	_ = 	snop  }
0x4: {  	_ = 	snop  }
0x5: {  	_ = 	snop  }
0x6: {  	_ = 	snop  }
0x7: {  	_ = 	snop  }
__scs_overlays_trampoline_lowered:
0x8: {  	[smem:$0x3FAA] =	sst s0  }
0x9: {  	[smem:$0x3FAB] =	sst s1  }
0xa: {  	[smem:$0x3FAC] =	sst s2  }
0xb: {  	[smem:$0x3FAD] =	sst s3  }
0xc: {  	[smem:$0x3FAE] =	sst s4  }
0xd: {  	[smem:$0x3FAF] =	sst s5  }
0xe: {  	[smem:$0x3FB0] =	sst s6  }
0xf: {  	[smem:$0x3FB1] =	sst s7  }
0x10: {  	[smem:$0x3FB2] =	sst s8  }
0x11: {  	[smem:$0x3FB3] =	sst s9;
	s0 =	simm.s32 @!p0 $0x0  }
0x12: {  	s1 =	sld [smem:$0x3F99];
	s0 =	simm.s32 @p0 $0x1  }
0x13: {  	[smem:$0x3FB4] =	sst s0;
	s0 =	simm.s32 @!p1 $0x0  }
0x14: {  	s2 =	sld [smem:$0x3F98];
	s0 =	simm.s32 @p1 $0x1  }
0x15: {  	[smem:$0x3FB5] =	sst s0;
	s0 =	simm.s32 @!p2 $0x0  }
0x16: {  	s3 =	sld [smem:$0x3FDB];
	s0 =	simm.s32 @p2 $0x1  }
0x17: {  	s4 =	simm.s32 $0x1BF5;
	[smem:$0x3FB7] =	sst s0  }
0x18: {  	s0 =	sld [smem:$0x3F9A];
	_ =	swait.ge [sflag:s4], $0x0  }
0x19: {  	s7 =	sld [smem:$0x3F9B]  }
0x1a: {  	s8 =	sadd.s32 $0xFFFFE003, lr  }
0x1b: {  	s9 =	sadd.s32 $0xFFFFFEF7, lr;
	s5 =	simm.s32 $0xFFFFFFFF;
	p2 =	slt.u32 s8, $0xFFFFF086  }
0x1c: {  	p1 =	slt.u32 s9, $0xF7A;
	s5 =	simm.s32 @!p2 $0x0  }
0x1d: {  	s5 =	simm.s32 @p1 $0x1;
	p0 =	seq.s32 s7, s2  }
0x1e: {  	s7 =	smul.u32 @!p0 $0xF7A, s2;
	p2 =	seq.s32 @!p0 s5, $0x0  }
0x1f: {  	s9 =	smul.u32 $0xF7A, s1;
	s8 =	simm.s32 @!p0 $0x1BF5;
	p2 =	por !p2, p0  }
0x20: {  	[sflag:s8] =	ssyncset.s32 @!p0 $0xFFFFF086;
	s6 =	sadd.s32 @!p0 s3, s7;
	s7 =	simm.s32 @!p0 $0x108  }
0x21: {  	s3 =	sadd.s32 s3, s9;
	s6 =	sadd.s32 @!p0 $0x88, s6;
	s7 =	simm.s32 @p2 $0x1082  }
0x22: {  	[simem:s7], [sflag:s8] =	dma.local @!p0 [hbm:s6], $0xF7A  }
0x23: {  	s9 =	sor.u32 $0xD0000000, s2;
	s6 =	simm.s32 $0x108;
	_ =	swait.ge @!p0 [sflag:s8], $0x0  }
0x24: {  	s3 =	sadd.s32 $0x88, s3;
	s6 =	simm.s32 @!p1 $0x1082;
	[sflag:s4] =	ssyncset.s32 $0xFFFFF086  }
0x25: {  	[simem:s6], [sflag:s4] =	dma.local [hbm:s3], $0xF7A  }
0x26: {  	[smem:$0x3F9B] =	sst s1;
	(tag) =	ssettag s2;
	_ =	strace s9  }
0x27: {  	s1 =	sld [smem:$0x3FAB]  }
0x28: {  	s2 =	sld [smem:$0x3FAC]  }
0x29: {  	s4 =	sld [smem:$0x3FAE]  }
0x2a: {  	p0 =	seq.s32 s5, $0x0;
	s5 =	sld [smem:$0x3FAF]  }
0x2b: {  	s6 =	sld [smem:$0x3FB0]  }
0x2c: {  	s7 =	sld [smem:$0x3FB1]  }
0x2d: {  	s3 =	simm.s32 $0x108;
	s8 =	sld [smem:$0x3FB2]  }
0x2e: {  	s3 =	simm.s32 @!p0 $0x1082;
	s9 =	sld [smem:$0x3FB3]  }
0x2f: {  	lr =	sadd.s32 s0, s3;
	s0 =	sld [smem:$0x3FAA]  }
0x30: {  	s3 =	sld [smem:$0x3FAD]  }
0x31: {  	[smem:$0x3FB6] =	sst s10  }
0x32: {  	s10 =	sld [smem:$0x3FB4];
	_ =	sdelay $0x3  }
0x33: {  	p0 =	seq.s32 s10, $0x1;
	s10 =	sld [smem:$0x3FB6];
	_ =	sdelay $0x3  }
0x34: {  	[smem:$0x3FB6] =	sst s10  }
0x35: {  	s10 =	sld [smem:$0x3FB5];
	_ =	sdelay $0x3  }
0x36: {  	p1 =	seq.s32 s10, $0x1;
	s10 =	sld [smem:$0x3FB6];
	_ =	sdelay $0x3  }
0x37: {  	[smem:$0x3FB6] =	sst s10  }
0x38: {  	s10 =	sld [smem:$0x3FB7]  }
0x39: {  	_ = 	snop;
	(pc) =	sbr.ind lr, $3  }
0x3a: {  	_ = 	snop  }
0x3b: {  	_ = 	snop  }
0x3c: {  	p2 =	seq.s32 s10, $0x1;
	s10 =	sld [smem:$0x3FB6]  }
0x3d: {  	_ =	shalt  }
0x3e: {  	_ =	shalt  }
0x3f: {  	_ =	shalt  }
0x40: {  	_ =	shalt  }
0x41: {  	_ =	shalt  }
0x42: {  	_ =	shalt  }
0x43: {  	_ =	shalt  }
0x44: {  	_ =	shalt  }
0x45: {  	_ =	shalt  }
0x46: {  	_ =	shalt  }
0x47: {  	_ =	shalt  }
0x48: {  	_ =	shalt  }
0x49: {  	_ =	shalt  }
0x4a: {  	_ =	shalt  }
0x4b: {  	_ =	shalt  }
0x4c: {  	_ =	shalt  }
0x4d: {  	_ =	shalt  }
0x4e: {  	_ =	shalt  }
0x4f: {  	_ =	shalt  }
0x50: {  	_ =	shalt  }
0x51: {  	_ =	shalt  }
0x52: {  	_ =	shalt  }
0x53: {  	_ =	shalt  }
0x54: {  	_ =	shalt  }
0x55: {  	_ =	shalt  }
0x56: {  	_ =	shalt  }
0x57: {  	_ =	shalt  }
0x58: {  	_ =	shalt  }
0x59: {  	_ =	shalt  }
0x5a: {  	_ =	shalt  }
0x5b: {  	_ =	shalt  }
0x5c: {  	_ =	shalt  }
0x5d: {  	_ =	shalt  }
0x5e: {  	_ =	shalt  }
0x5f: {  	_ =	shalt  }
0x60: {  	_ =	shalt  }
0x61: {  	_ =	shalt  }
0x62: {  	_ =	shalt  }
0x63: {  	_ =	shalt  }
0x64: {  	_ =	shalt  }
0x65: {  	_ =	shalt  }
0x66: {  	_ =	shalt  }
0x67: {  	_ =	shalt  }
0x68: {  	_ =	shalt  }
0x69: {  	_ =	shalt  }
0x6a: {  	_ =	shalt  }
0x6b: {  	_ =	shalt  }
0x6c: {  	_ =	shalt  }
0x6d: {  	_ =	shalt  }
0x6e: {  	_ =	shalt  }
0x6f: {  	_ =	shalt  }
0x70: {  	_ =	shalt  }
0x71: {  	_ =	shalt  }
0x72: {  	_ =	shalt  }
0x73: {  	_ =	shalt  }
0x74: {  	_ =	shalt  }
0x75: {  	_ =	shalt  }
0x76: {  	_ =	shalt  }
0x77: {  	_ =	shalt  }
0x78: {  	_ =	shalt  }
0x79: {  	_ =	shalt  }
0x7a: {  	_ =	shalt  }
0x7b: {  	_ =	shalt  }
0x7c: {  	_ =	shalt  }
0x7d: {  	_ =	shalt  }
0x7e: {  	_ =	shalt  }
0x7f: {  	_ =	shalt  }
0x80: {  	_ =	shalt  }
0x81: {  	_ =	shalt  }
0x82: {  	_ =	shalt  }
0x83: {  	_ =	shalt  }
0x84: {  	_ =	shalt  }
0x85: {  	_ =	shalt  }
0x86: {  	_ =	shalt  }
0x87: {  	_ =	shalt  }
.Lfunc_end0:
.L_simem_size_0:
called_computation_lowered:
.L_overlay_start_0:
0x88: {  	s2 =	sld [smem:$0x3FD9]  }
0x89: {  	s3 =	sld [smem:$0x3FFE];
	_ =	sdelay $0x1  }
0x8a: {  	s1 =	srdreg.scid  }
0x8b: {  	s0 =	sand.u32 $0x1, s1  }
0x8c: {  	s16 =	sshll.u32 s0, $0xA;
	s2 =	sadd.s32 s3, s2  }
0x8d: {  	s2 =	sadd.s32 s2, s16  }
0x8e: {  	[smem:$0x3FC2] =	sst s2  }
0x8f: {  	_ = 	snop  }
0x90: {  	(tm) =	ssettm $0x1  }
0x91: {  	s17 =	sld [smem:$0x3FFB];
	_ =	sdelay $0x3  }
0x92: {  	_ =	strace s17  }
0x93: {  	s2 =	sld [smem:$0x3FFC];
	_ =	sdelay $0x3  }
0x94: {  	_ =	strace s2  }
0x95: {  	s2 =	sld [smem:$0x3FFD];
	_ =	sdelay $0x3  }
0x96: {  	_ =	strace s2  }
0x97: {  	_ =	strace $0x8FFFFFFF  }
0x98: {  	s18 =	sld [smem:$0x3FDB];
	_ =	sdelay $0x1  }
0x99: {  	s19 =	simm.s32 $_scs_section_size  }
0x9a: {  	s4 =	simm.s32 $_size__tile_overlayer_lowered;
	s5 =	simm.s32 $_tile_overlayer_lowered  }
0x9b: {  	s22 =	simm.s32 $0x1BFF;
	s21 =	sshll.u32 s5, $0x1;
	s2 =	sadd.s32 s19, s18  }
0x9c: {  	s6 =	simm.s32 $0x0;
	s20 =	sshll.u32 s4, $0x1;
	s4 =	sadd.s32 s21, s2  }
0x9d: {  	[timem:s6], [sflag:s22] =	dma.local [hbm:s4], s20  }
0x9e: {  	_ =	swait.ge [sflag:s22], s20  }
0x9f: {  	s3 =	ssub.s32 $0x0, s20;
	[sflag:s22] =	ssyncset.done $0x0  }
0xa0: {  	[sflag:s22] =	ssyncadd.s32 s3;
	_ =	sdelay $0x1  }
0xa1: {  	s23 =	simm.s32 $0x1B8B  }
0xa2: {  	_ =	swait.ge [sflag:s23], $0x1  }
0xa3: {  	[sflag:s23] =	ssyncset.done $0x0  }
0xa4: {  	s25 =	simm.s32 $0x1B8E;
	s24 =	sld [smem:$0x3FFE];
	[sflag:s23] =	ssyncadd.s32 $0xFFFFFFFF  }
0xa5: {  	s26 =	simm.s32 $execute0_lowered;
	[smem:$0x3FD2] =	sst s25  }
0xa6: {  	s4 =	sshll.u32 s26, $0x1;
	_ =	strace $0x80000046;
	[dreg:$0x1] =	wrdreg $0xFFFFFFFF  }
0xa7: {  	s28 =	simm.s32 $_size_execute0_lowered;
	s2 =	sadd.s32 s2, s4;
	[dreg:$0x0] =	wrdreg $0x0  }
0xa8: {  	s4 =	sshll.u32 s28, $0x1;
	[dreg:$0x2] =	wrdreg s2  }
0xa9: {  	[dreg:$0x3] =	wrdreg s4  }
0xaa: {  	[dreg:$0x4] =	wrdreg $0xC0  }
0xab: {  	_ =	task [dreg:s6], $0x5FFFF  }
0xac: {  	[dreg:$0x1] =	wrdreg $0xFFFFFFFF  }
0xad: {  	[dreg:$0x0] =	wrdreg $0x60  }
0xae: {  	[dreg:$0x2] =	wrdreg s24  }
0xaf: {  	[dreg:$0x3] =	wrdreg $0x54000  }
0xb0: {  	[dreg:$0x4] =	wrdreg $0x9  }
0xb1: {  	_ =	task.clear_ibuf [dreg:s6], $0x5FFFF;
	_ =	strace $0x90000046  }
0xb2: {  	s29 =	simm.s32 $0x9;
	_ =	strace $0x80000048  }
0xb3: {  	_ =	swait.ge [sflag:s29], $0x1  }
0xb4: {  	[sflag:s29] =	ssyncadd.s32 $0xFFFFFFFF  }
0xb5: {  	_ =	strace $0x90000048  }
0xb6: {  	_ =	sfence  }
0xb7: {  	s30 =	sld [smem:$0x0];
	_ =	sdelay $0x2  }
0xb8: {  	s31 =	sshll.u32 s1, $0xD;
	s1 =	sshrl.u32 s1, $0x2  }
0xb9: {  	s3 =	sand.u32 $0x4000, s31;
	s1 =	sadd.s32 s1, s30  }
0xba: {  	s0 =	sor.u32 s3, s0;
	s1 =	sshll.u32 s1, $0x11  }
0xbb: {  	s0 =	sor.u32 s1, s0  }
0xbc: {  	s0 =	sadd.s32 $0x8F2B, s0  }
0xbd: {  	[sflag:s0] =	ssyncadd.remote.s32 $0x1  }
0xbe: {  	_ =	sfence.sel $0xFFFF  }
0xbf: {  	[dreg:$0x0] =	wrdreg $0xFFFFFFFF;
	(pc) =	sbr.abs _section_cstart, $3  }
0xc0: {  	[dreg:$0x1] =	wrdreg $0xFFFFFFFF  }
0xc1: {  	_ =	task.clear_ibuf [dreg:s6], $0x2FFFF;
	_ =	strace $0x9FFFFFFF  }
0xc2: {  	(tm) =	ssettm $0x7FFFFFFF  }
0xc3: {  	_ =	shalt  }
tec
execute0_lowered:
.L_overlay_start_1:
0x0: {  	(tag) =	ssettag $0x1  }
0x1: {  	s0 =	srdreg.scid  }
0x2: {  	s1 =	rddreg [dreg:$0x0];
	s11 =	stileid.u32  }
0x3: {  	s2 =	rddreg [dreg:$0x1];
	s12 =	simm.s32 $0x1400;
	s13 =	simm.s32 $0x80  }
0x4: {  	s17 =	simm.s32 $0xC00;
	s18 =	simm.s32 $0xC80;
	s19 =	simm.s32 $0xD00  }
0x5: {  	s20 =	simm.s32 $0xD80;
	s21 =	simm.s32 $0xE00;
	s22 =	simm.s32 $0xE80  }
0x6: {  	s23 =	simm.s32 $0xF00;
	s28 =	simm.s32 $0x1100;
	s29 =	simm.s32 $0x1180  }
0x7: {  	s30 =	simm.s32 $0x1200;
	s31 =	simm.s32 $0x1280;
	s14 =	simm.s32 $0x1  }
0x8: {  	s15 =	simm.s32 $0x0;
	s0 =	sand.u32 $0x1, s0;
	s5 =	smul.u32 $0x14000, s11  }
0x9: {  	s24 =	smul.u32 $0x50000, s11;
	s26 =	sshll.u32 s11, $0x6;
	s3 =	sshll.u32 s0, $0x4  }
0xa: {  	s6 =	smul.u32 $0x140000, s0;
	s0 =	ssub.s32 $0x2, s0;
	s4 =	sor.u32 s11, s3  }
0xb: {  	s3 =	simm.s32 $0x0;
	s8 =	sshrl.u32 s5, $0x3;
	s9 =	sshrl.u32 s0, $0x1  }
0xc: {  	s25 =	sshrl.u32 s24, $0x2;
	s11 =	simm.s32 $0x2;
	s24 =	simm.s32 $0xF80  }
0xd: {  	s4 =	smul.u32 $0x280, s4;
	[smem:$0x7FF] =	sst s3;
	s5 =	sadd.s32 s5, s6  }
0xe: {  	s8 =	sadd.s32 s8, s1;
	s0 =	ssub.s32 s0, s9;
	s10 =	sadd.s32 s25, s2  }
0xf: {  	s6 =	sor.u32 $0x1C02, s26;
	s25 =	simm.s32 $0x1000;
	s26 =	simm.s32 $0x1080  }
0x10: {  	_ =	strace $0x80000047;
	s5 =	sshrl.u32 s5, $0x3;
	s9 =	smax.u32 s0, $0x1  }
0x11: {  	s10 =	sshrl.u32 s10, $0x3;
	s0 =	simm.s32 $0x1380;
	s7 =	sadd.s32 s4, s1  }
0x12: {  	s4 =	sadd.s32 $0x7E00, s1;
	s1 =	sadd.s32 s5, s1;
	s5 =	sadd.s32 $0x8600, s8  }
0x13: {  	s7 =	sadd.s32 $0x2E00, s7;
	s8 =	sadd.s32 $0x30600, s1;
	s1 =	simm.s32 $0x1300  }
.LBB2_1:
0x14: {  	[spmem:s10], [sflag:s6] =	dma.local [hbm:s5], $0x2800  }
0x15: {  	_ =	swait.ge [sflag:s11], $0x2800  }
0x16: {  	[sflag:s11] =	ssyncset.done $0x0  }
0x17: {  	[sflag:s11] =	ssyncadd.s32 $0xFFFFD800  }
0x18: {  	[tilespmem:s12], [sflag:$0x2] =	stream.linear.gather [hbm4b:s4+s3], $0x4000, $0x38;
	[tilespmem:$0x19400] =	vst v63  }
0x19: {  	_ =	swait.ge [sflag:s11], $0x4000  }
0x1a: {  	[sflag:s11] =	ssyncset.done $0x0  }
0x1b: {  	[sflag:s11] =	ssyncadd.s32 $0xFFFFC000  }
0x1c: {  	[tilespmem:s3], [sflag:$0x2] =	stream.linear.gather [hbm4b:s7+s3], $0x1400, $0x38;
	[tilespmem:$0x19400] =	vst v63  }
0x1d: {  	_ =	swait.ge [sflag:s11], $0x1400  }
0x1e: {  	[sflag:s11] =	ssyncset.done $0x0  }
0x1f: {  	[sflag:s11] =	ssyncadd.s32 $0xFFFFEC00  }
0x20: {  	[bflag:$0x0] =	sbarrier.arrive $0xFFFF  }
0x21: {  	[spmem:s2] =	stream.indirect.scatter.add.f32 [tilespmem:s12], [sflag:$0x1], $0x80, s3, s13, $0xb8;
	[tilespmem:$0x19400] =	vst v63  }
0x22: {  	_ = 	snop  }
0x23: {  	[spmem:s2] =	stream.indirect.scatter.add.f32 [tilespmem:s12], [sflag:$0x1], $0x80, s13, s13, $0xb8;
	[tilespmem:$0x19400] =	vst v63  }
0x24: {  	s16 =	simm.s32 $0x100  }
0x25: {  	[spmem:s2] =	stream.indirect.scatter.add.f32 [tilespmem:s12], [sflag:$0x1], $0x80, s16, s13, $0xb8;
	[tilespmem:$0x19400] =	vst v63  }
0x26: {  	s16 =	simm.s32 $0x180  }
0x27: {  	[spmem:s2] =	stream.indirect.scatter.add.f32 [tilespmem:s12], [sflag:$0x1], $0x80, s16, s13, $0xb8;
	[tilespmem:$0x19400] =	vst v63  }
0x28: {  	s16 =	simm.s32 $0x200  }
0x29: {  	[spmem:s2] =	stream.indirect.scatter.add.f32 [tilespmem:s12], [sflag:$0x1], $0x80, s16, s13, $0xb8;
	[tilespmem:$0x19400] =	vst v63  }
0x2a: {  	s16 =	simm.s32 $0x280  }
0x2b: {  	[spmem:s2] =	stream.indirect.scatter.add.f32 [tilespmem:s12], [sflag:$0x1], $0x80, s16, s13, $0xb8;
	[tilespmem:$0x19400] =	vst v63  }
0x2c: {  	s16 =	simm.s32 $0x300  }
0x2d: {  	[spmem:s2] =	stream.indirect.scatter.add.f32 [tilespmem:s12], [sflag:$0x1], $0x80, s16, s13, $0xb8;
	[tilespmem:$0x19400] =	vst v63  }
0x2e: {  	s16 =	simm.s32 $0x380  }
0x2f: {  	[spmem:s2] =	stream.indirect.scatter.add.f32 [tilespmem:s12], [sflag:$0x1], $0x80, s16, s13, $0xb8;
	[tilespmem:$0x19400] =	vst v63  }
0x30: {  	s16 =	simm.s32 $0x400  }
0x31: {  	[spmem:s2] =	stream.indirect.scatter.add.f32 [tilespmem:s12], [sflag:$0x1], $0x80, s16, s13, $0xb8;
	[tilespmem:$0x19400] =	vst v63  }
0x32: {  	s16 =	simm.s32 $0x480  }
0x33: {  	[spmem:s2] =	stream.indirect.scatter.add.f32 [tilespmem:s12], [sflag:$0x1], $0x80, s16, s13, $0xb8;
	[tilespmem:$0x19400] =	vst v63  }
0x34: {  	s16 =	simm.s32 $0x500  }
0x35: {  	[spmem:s2] =	stream.indirect.scatter.add.f32 [tilespmem:s12], [sflag:$0x1], $0x80, s16, s13, $0xb8;
	[tilespmem:$0x19400] =	vst v63  }
0x36: {  	s16 =	simm.s32 $0x580  }
0x37: {  	[spmem:s2] =	stream.indirect.scatter.add.f32 [tilespmem:s12], [sflag:$0x1], $0x80, s16, s13, $0xb8;
	[tilespmem:$0x19400] =	vst v63  }
0x38: {  	s16 =	simm.s32 $0x600  }
0x39: {  	[spmem:s2] =	stream.indirect.scatter.add.f32 [tilespmem:s12], [sflag:$0x1], $0x80, s16, s13, $0xb8;
	[tilespmem:$0x19400] =	vst v63  }
0x3a: {  	s16 =	simm.s32 $0x680  }
0x3b: {  	[spmem:s2] =	stream.indirect.scatter.add.f32 [tilespmem:s12], [sflag:$0x1], $0x80, s16, s13, $0xb8;
	[tilespmem:$0x19400] =	vst v63  }
0x3c: {  	s16 =	simm.s32 $0x700  }
0x3d: {  	[spmem:s2] =	stream.indirect.scatter.add.f32 [tilespmem:s12], [sflag:$0x1], $0x80, s16, s13, $0xb8;
	[tilespmem:$0x19400] =	vst v63  }
0x3e: {  	s16 =	simm.s32 $0x780  }
0x3f: {  	[spmem:s2] =	stream.indirect.scatter.add.f32 [tilespmem:s12], [sflag:$0x1], $0x80, s16, s13, $0xb8;
	[tilespmem:$0x19400] =	vst v63  }
0x40: {  	s16 =	simm.s32 $0x800  }
0x41: {  	[spmem:s2] =	stream.indirect.scatter.add.f32 [tilespmem:s12], [sflag:$0x1], $0x80, s16, s13, $0xb8;
	[tilespmem:$0x19400] =	vst v63  }
0x42: {  	s16 =	simm.s32 $0x880  }
0x43: {  	[spmem:s2] =	stream.indirect.scatter.add.f32 [tilespmem:s12], [sflag:$0x1], $0x80, s16, s13, $0xb8;
	[tilespmem:$0x19400] =	vst v63  }
0x44: {  	s16 =	simm.s32 $0x900  }
0x45: {  	[spmem:s2] =	stream.indirect.scatter.add.f32 [tilespmem:s12], [sflag:$0x1], $0x80, s16, s13, $0xb8;
	[tilespmem:$0x19400] =	vst v63  }
0x46: {  	s16 =	simm.s32 $0x980  }
0x47: {  	[spmem:s2] =	stream.indirect.scatter.add.f32 [tilespmem:s12], [sflag:$0x1], $0x80, s16, s13, $0xb8;
	[tilespmem:$0x19400] =	vst v63  }
0x48: {  	s16 =	simm.s32 $0xA00  }
0x49: {  	[spmem:s2] =	stream.indirect.scatter.add.f32 [tilespmem:s12], [sflag:$0x1], $0x80, s16, s13, $0xb8;
	[tilespmem:$0x19400] =	vst v63  }
0x4a: {  	s16 =	simm.s32 $0xA80  }
0x4b: {  	[spmem:s2] =	stream.indirect.scatter.add.f32 [tilespmem:s12], [sflag:$0x1], $0x80, s16, s13, $0xb8;
	[tilespmem:$0x19400] =	vst v63  }
0x4c: {  	s16 =	simm.s32 $0xB00  }
0x4d: {  	[spmem:s2] =	stream.indirect.scatter.add.f32 [tilespmem:s12], [sflag:$0x1], $0x80, s16, s13, $0xb8;
	[tilespmem:$0x19400] =	vst v63  }
0x4e: {  	s16 =	simm.s32 $0xB80  }
0x4f: {  	[spmem:s2] =	stream.indirect.scatter.add.f32 [tilespmem:s12], [sflag:$0x1], $0x80, s16, s13, $0xb8;
	[tilespmem:$0x19400] =	vst v63  }
0x50: {  	_ = 	snop  }
0x51: {  	[spmem:s2] =	stream.indirect.scatter.add.f32 [tilespmem:s12], [sflag:$0x1], $0x80, s17, s13, $0xb8;
	[tilespmem:$0x19400] =	vst v63  }
0x52: {  	_ = 	snop  }
0x53: {  	[spmem:s2] =	stream.indirect.scatter.add.f32 [tilespmem:s12], [sflag:$0x1], $0x80, s18, s13, $0xb8;
	[tilespmem:$0x19400] =	vst v63  }
0x54: {  	_ = 	snop  }
0x55: {  	[spmem:s2] =	stream.indirect.scatter.add.f32 [tilespmem:s12], [sflag:$0x1], $0x80, s19, s13, $0xb8;
	[tilespmem:$0x19400] =	vst v63  }
0x56: {  	_ = 	snop  }
0x57: {  	[spmem:s2] =	stream.indirect.scatter.add.f32 [tilespmem:s12], [sflag:$0x1], $0x80, s20, s13, $0xb8;
	[tilespmem:$0x19400] =	vst v63  }
0x58: {  	_ = 	snop  }
0x59: {  	[spmem:s2] =	stream.indirect.scatter.add.f32 [tilespmem:s12], [sflag:$0x1], $0x80, s21, s13, $0xb8;
	[tilespmem:$0x19400] =	vst v63  }
0x5a: {  	_ = 	snop  }
0x5b: {  	[spmem:s2] =	stream.indirect.scatter.add.f32 [tilespmem:s12], [sflag:$0x1], $0x80, s22, s13, $0xb8;
	[tilespmem:$0x19400] =	vst v63  }
0x5c: {  	_ = 	snop  }
0x5d: {  	[spmem:s2] =	stream.indirect.scatter.add.f32 [tilespmem:s12], [sflag:$0x1], $0x80, s23, s13, $0xb8;
	[tilespmem:$0x19400] =	vst v63  }
0x5e: {  	_ = 	snop  }
0x5f: {  	[spmem:s2] =	stream.indirect.scatter.add.f32 [tilespmem:s12], [sflag:$0x1], $0x80, s24, s13, $0xb8;
	[tilespmem:$0x19400] =	vst v63  }
0x60: {  	_ = 	snop  }
0x61: {  	[spmem:s2] =	stream.indirect.scatter.add.f32 [tilespmem:s12], [sflag:$0x1], $0x80, s25, s13, $0xb8;
	[tilespmem:$0x19400] =	vst v63  }
0x62: {  	_ = 	snop  }
0x63: {  	[spmem:s2] =	stream.indirect.scatter.add.f32 [tilespmem:s12], [sflag:$0x1], $0x80, s26, s13, $0xb8;
	[tilespmem:$0x19400] =	vst v63  }
0x64: {  	_ = 	snop  }
0x65: {  	[spmem:s2] =	stream.indirect.scatter.add.f32 [tilespmem:s12], [sflag:$0x1], $0x80, s28, s13, $0xb8;
	[tilespmem:$0x19400] =	vst v63  }
0x66: {  	_ = 	snop  }
0x67: {  	[spmem:s2] =	stream.indirect.scatter.add.f32 [tilespmem:s12], [sflag:$0x1], $0x80, s29, s13, $0xb8;
	[tilespmem:$0x19400] =	vst v63  }
0x68: {  	_ = 	snop  }
0x69: {  	[spmem:s2] =	stream.indirect.scatter.add.f32 [tilespmem:s12], [sflag:$0x1], $0x80, s30, s13, $0xb8;
	[tilespmem:$0x19400] =	vst v63  }
0x6a: {  	_ = 	snop  }
0x6b: {  	[spmem:s2] =	stream.indirect.scatter.add.f32 [tilespmem:s12], [sflag:$0x1], $0x80, s31, s13, $0xb8;
	[tilespmem:$0x19400] =	vst v63  }
0x6c: {  	_ = 	snop  }
0x6d: {  	[spmem:s2] =	stream.indirect.scatter.add.f32 [tilespmem:s12], [sflag:$0x1], $0x80, s1, s13, $0xb8;
	[tilespmem:$0x19400] =	vst v63  }
0x6e: {  	_ = 	snop  }
0x6f: {  	[spmem:s2] =	stream.indirect.scatter.add.f32 [tilespmem:s12], [sflag:$0x1], $0x80, s0, s13, $0xb8;
	[tilespmem:$0x19400] =	vst v63  }
0x70: {  	_ =	swait.ge [sflag:s14], $0x4000  }
0x71: {  	s16 =	simm.s32 $0x27;
	[sflag:s14] =	ssyncset.done $0x0  }
.LBB2_2:
0x72: {  	p0 =	sne.s32 s16, $0x1;
	s16 =	sadd.s32 $0xFFFFFFFF, s16;
	[sflag:s14] =	ssyncadd.s32 $0xFFFFC000  }
.Ltmp0:
0x73: {  	(pc) =	sbr.rel @p0 .LBB2_2-.Ltmp0, $3  }
0x74: {  	_ =	sdelay $0x1  }
0x75: {  	_ =	swait.ge [sflag:s14], $0x4000  }
0x76: {  	[sflag:s14] =	ssyncset.done $0x0  }
0x77: {  	s15 =	sadd.s32 $0x1, s15  }
0x78: {  	[sflag:s14] =	ssyncadd.s32 $0xFFFFC000;
	p0 =	sne.s32 s15, s9  }
.Ltmp1:
0x79: {  	[bflag:$0x0] =	sbarrier.arrive $0xFFFF;
	(pc) =	sbr.rel @p0 .LBB2_1-.Ltmp1, $4  }
0x7a: {  	[hbm:s8], [sflag:s6] =	dma.local [spmem:s10], $0x2800  }
0x7b: {  	_ =	swait.ge [sflag:s11], $0x2800  }
0x7c: {  	[sflag:s11] =	ssyncset.done $0x0  }
0x7d: {  	[sflag:s11] =	ssyncadd.s32 $0xFFFFD800  }
0x7e: {  	_ =	sfence.sel $0x180000  }
0x7f: {  	[bflag:$0x0] =	sbarrier.arrive $0xFFFF  }
0x80: {  	_ =	strace $0x90000047  }
0x81: {  	s0 =	stileid.u32;
	[bflag:$0x2] =	sbarrier.arrive $0xFFFF  }
0x82: {  	p0 =	sne.s32 s0, $0x0;
	s0 =	rddreg [dreg:$0x2]  }
0x83: {  	s0 =	sadd.s32 @!p0 $0x100000, s0  }
0x84: {  	[sflag:s0] =	ssyncadd.tile.s32 @!p0 $0x1;
	_ =	shalt  }
.Lfunc_end2:
_tile_overlayer_lowered:
.L_overlay_start_2:
0x85: {  	(tag) =	ssettag $0x2  }
0x86: {  	s0 =	rddreg [dreg:$0x0];
	s2 =	stileid.u32  }
0x87: {  	s1 =	rddreg [dreg:$0x1];
	p0 =	sne.s32 s2, $0x0  }
0x88: {  	s3 =	rddreg [dreg:$0x2];
	[bflag:$0x3] =	sbarrier.arrive $0xFFFF;
	s2 =	simm.s32 @!p0 $0x1C02  }
0x89: {  	[timem:s3], [sflag:s2] =	dma.local @!p0 [hbm:s0], s1  }
0x8a: {  	s0 =	simm.s32 @!p0 $0x2  }
0x8b: {  	_ =	swait.ge @!p0 [sflag:s0], s1  }
0x8c: {  	s1 =	ssub.s32 @!p0 $0x0, s1;
	[sflag:s0] =	ssyncset.done @!p0 $0x0  }
0x8d: {  	[sflag:s0] =	ssyncadd.s32 @!p0 s1  }
0x8e: {  	[bflag:$0x3] =	sbarrier.arrive $0xFFFF  }
0x8f: {  	_ =	shalt  }

</sc_bundles>
